<compile_context>
chip_gen: v7x
topology: tpu7x:2x2x1
jax: 0.10.2.dev20260603
libtpu: 0.0.44.dev20260713+nightly
codegen_flags: <defaults>
</compile_context>

<pallas_src>
import functools

import jax
import jax.numpy as jnp
from jax import lax
from jax.experimental import pallas as pl
from jax.experimental.pallas import tpu as pltpu
from jax.experimental.pallas import tpu_sc as plsc


_E = 8
_LANES = 16


def _proj_block(x_ref, c_ref, bias_ref, s_ref):
    s = lax.dot_general(c_ref[...], x_ref[...],
                        (((0,), (1,)), ((), ())),
                        preferred_element_type=jnp.float32)
    s_ref[...] = s + bias_ref[...][:, 0][:, None]


def _bcast_block(s_ref, out_ref, *, T, O):
    out_ref[...] = jnp.broadcast_to(s_ref[...], (T, O))


def _route_body(scores_hbm, scal_hbm, i0_hbm, i1_hbm, loc, so, io0, io1,
                *, tpw, width):
    nc = 2
    wid = lax.axis_index("s") * nc + lax.axis_index("c")
    base = wid * tpw
    pltpu.sync_copy(scores_hbm.at[:, pl.ds(base, tpw)], loc)
    for t in range(tpw // _LANES):
        sl = pl.ds(t * _LANES, _LANES)
        g = [loc[e, sl] for e in range(_E)]
        m0 = g[0]
        i0 = jnp.zeros((_LANES,), jnp.int32)
        m1 = jnp.full((_LANES,), -1e30, jnp.float32)
        i1 = jnp.zeros((_LANES,), jnp.int32)
        for e in range(1, _E):
            ge = g[e]
            ev = jnp.full((_LANES,), e, jnp.int32)
            i1 = jnp.where(ge > m0, i0, jnp.where(ge > m1, ev, i1))
            m1 = jnp.where(ge > m0, m0, jnp.maximum(m1, ge))
            i0 = jnp.where(ge > m0, ev, i0)
            m0 = jnp.maximum(m0, ge)
        p0 = 1.0 / (1.0 + jnp.exp(-m0))
        p1 = 1.0 / (1.0 + jnp.exp(-m1))
        v0 = loc[_E, sl]
        v1 = loc[2 * _E, sl]
        for e in range(1, _E):
            ev = jnp.full((_LANES,), e, jnp.int32)
            v0 = jnp.where(i0 == ev, loc[_E + e, sl], v0)
            v1 = jnp.where(i1 == ev, loc[2 * _E + e, sl], v1)
        so[sl] = (p0 * v0 + p1 * v1) / (p0 + p1)
        io0[sl] = i0
        io1[sl] = i1
    pltpu.sync_copy(so, scal_hbm.at[pl.ds(base, tpw)])
    pltpu.sync_copy(io0, i0_hbm.at[pl.ds(base, tpw)])
    pltpu.sync_copy(io1, i1_hbm.at[pl.ds(base, tpw)])


def kernel(x, W, b, gate_W, gate_b, expert_biases):
    k = 2
    B, S, D = x.shape
    E, O, _ = W.shape
    tokens = B * S
    xf = x.reshape(tokens, D)
    width = 4 * E
    C = jnp.concatenate(
        [gate_W, W[:, 0, :], W[:, 1, :], jnp.zeros((E, D), jnp.float32)], axis=0
    ).T
    bias = jnp.concatenate(
        [gate_b + expert_biases, b[:, 0], b[:, 1], jnp.zeros((E,), jnp.float32)]
    )
    bias_arr = bias[:, None]

    T = min(512, tokens)
    scores = pl.pallas_call(
        _proj_block,
        grid=(tokens // T,),
        in_specs=[
            pl.BlockSpec((T, D), lambda i: (i, 0)),
            pl.BlockSpec((D, width), lambda i: (0, 0)),
            pl.BlockSpec((width, 1), lambda i: (0, 0)),
        ],
        out_specs=pl.BlockSpec((width, T), lambda i: (0, i)),
        out_shape=jax.ShapeDtypeStruct((width, tokens), jnp.float32),
    )(xf, C, bias_arr)

    nw = 32
    tpw = tokens // nw
    mesh = plsc.VectorSubcoreMesh(core_axis_name="c", subcore_axis_name="s")
    route = functools.partial(
        pl.kernel,
        mesh=mesh,
        out_type=[
            jax.ShapeDtypeStruct((tokens,), jnp.float32),
            jax.ShapeDtypeStruct((tokens,), jnp.int32),
            jax.ShapeDtypeStruct((tokens,), jnp.int32),
        ],
        scratch_types=[
            pltpu.VMEM((width, tpw), jnp.float32),
            pltpu.VMEM((tpw,), jnp.float32),
            pltpu.VMEM((tpw,), jnp.int32),
            pltpu.VMEM((tpw,), jnp.int32),
        ],
    )(functools.partial(_route_body, tpw=tpw, width=width))
    scal, idx0, idx1 = route(scores)

    out = pl.pallas_call(
        functools.partial(_bcast_block, T=T, O=O),
        grid=(tokens // T,),
        in_specs=[pl.BlockSpec((T, 1), lambda i: (i, 0))],
        out_specs=pl.BlockSpec((T, O), lambda i: (i, 0)),
        out_shape=jax.ShapeDtypeStruct((tokens, O), jnp.float32),
    )(scal.reshape(tokens, 1))

    idx = jnp.stack([idx0, idx1], axis=-1)
    return out.reshape(B, S, O), idx.reshape(B, S, k)

# --- scband reference (transcript-rebuilt; emitter-appended) ---
"""Pipeline reference for scband-mo-elayer-90984587198472 (READ-ONLY COPY).

The authoritative reference and input builder live on the scoring server;
editing this copy changes nothing except your own understanding.
"""

import jax, jax.numpy as jnp
import numpy as np

B, S, D, O, E, K = 2, 2048, 2048, 2048, 8, 2

def setup_inputs(seed: int = 0) -> dict:
    key = jax.random.key(seed)
    ks = jax.random.split(key, 6)
    x = jax.random.normal(ks[0], (B, S, D), dtype=jnp.float32)
    scale = 1.0 / np.sqrt(D)
    W = jax.random.uniform(ks[1], (E, O, D), minval=-scale, maxval=scale, dtype=jnp.float32)
    b = jax.random.uniform(ks[2], (E, O), minval=-scale, maxval=scale, dtype=jnp.float32)
    gate_W = jax.random.uniform(ks[3], (E, D), minval=-scale, maxval=scale, dtype=jnp.float32)
    gate_b = jax.random.uniform(ks[4], (E,), minval=-scale, maxval=scale, dtype=jnp.float32)
    expert_biases = jnp.zeros((E,), dtype=jnp.float32)
    return {"x": x, "W": W, "b": b, "gate_W": gate_W, "gate_b": gate_b, "expert_biases": expert_biases}

def reference(x, W, b, gate_W, gate_b, expert_biases):
    k = K
    Bs, Ss, Ds = x.shape
    Es, Os, _ = W.shape
    # gate (use_aux_loss=False path: add expert_biases parameter)
    gate_logits = x @ gate_W.T + gate_b + expert_biases
    gate_probs = jax.nn.sigmoid(gate_logits)
    top_k_probs, top_k_indices = jax.lax.top_k(gate_probs, k)
    top_k_probs = top_k_probs / jnp.sum(top_k_probs, axis=-1, keepdims=True)
    # dense expert computation: stacked[e, b, s, o]
    stacked = jnp.einsum('bsd,eod->ebso', x, W) + b[:, None, None, :]
    # Faithful replication of torch.gather semantics in the original code:
    # result[o,b,s,j] = stacked[top_k_indices[b,s,j], b, s, j]  (feature index = j!)
    b_idx = jnp.arange(Bs)[:, None, None]
    s_idx = jnp.arange(Ss)[None, :, None]
    j_idx = jnp.arange(k)[None, None, :]
    g = stacked[top_k_indices, b_idx, s_idx, j_idx]  # [B, S, k]
    gathered = jnp.broadcast_to(g[..., None], (Bs, Ss, k, Os))  # permute(1,2,3,0)
    final_output = jnp.sum(gathered * top_k_probs[..., None], axis=-2)  # [B, S, O]
    return (final_output, top_k_indices)

if __name__ == "__main__":
    import jax
    _d = setup_inputs()
    print(jax.jit(kernel)(*tuple(_d.values())))

</pallas_src>

<mosaic_0001>
#map = affine_map<(d0, d1) -> (0, 0)>
#map1 = affine_map<(d0, d1) -> (0)>
module attributes {stable_mosaic.version = 14 : i64} {
  func.func @_route_body(%arg0: i32, %arg1: i32, %arg2: memref<32x4096xf32, #tpu.memory_space<hbm>>, %arg3: memref<4096xf32, #tpu.memory_space<hbm>>, %arg4: memref<4096xi32, #tpu.memory_space<hbm>>, %arg5: memref<4096xi32, #tpu.memory_space<hbm>>, %arg6: memref<32x128xf32, #tpu.memory_space<vmem>>, %arg7: memref<128xf32, #tpu.memory_space<vmem>>, %arg8: memref<128xi32, #tpu.memory_space<vmem>>, %arg9: memref<128xi32, #tpu.memory_space<vmem>>) attributes {dimension_semantics = [#tpu.dimension_semantics<core_parallel>, #tpu.dimension_semantics<subcore_parallel>], iteration_bounds = array<i64: 2, 16>, scalar_prefetch = 0 : i64, scratch_operands = 4 : i64, tpu.core_type = #tpu.core_type<sc_vector_subcore>, window_params = [{transform_indices = #map}, {transform_indices = #map1}, {transform_indices = #map1}, {transform_indices = #map1}]} {
    %mul3A = arith.constant 2 : i32
    %mul3A_0 = arith.muli %arg1, %mul3A : i32
    %add3A = arith.addi %mul3A_0, %arg0 : i32
    %mul3A_1 = arith.constant 128 : i32
    %mul3A_2 = arith.muli %add3A, %mul3A_1 : i32
    "tpu.region"() ({
      %run_scoped3A = tpu.sem_alloc : memref<!tpu.dma_semaphore, #tpu.memory_space<semaphore_mem>>
      %dma_start3A = arith.constant 0 : i32
      %dma_start3A_2305 = tpu.memref_slice %arg2[%dma_start3A, %mul3A_2] : memref<32x4096xf32, #tpu.memory_space<hbm>> -> memref<32x128xf32, #tpu.memory_space<hbm>>
      %dma_start3A_2306 = arith.constant 0 : i32
      %dma_start3A_2307 = tpu.memref_slice %arg2[%dma_start3A_2306, %mul3A_2] : memref<32x4096xf32, #tpu.memory_space<hbm>> -> memref<32x128xf32, #tpu.memory_space<hbm>>
      tpu.enqueue_dma source(%dma_start3A_2307 : memref<32x128xf32, #tpu.memory_space<hbm>>) target(%arg6 : memref<32x128xf32, #tpu.memory_space<vmem>>) target_semaphore(%run_scoped3A : memref<!tpu.dma_semaphore, #tpu.memory_space<semaphore_mem>>)
      %dma_wait3A = arith.constant 0 : i32
      %dma_wait3A_2308 = tpu.memref_slice %arg2[%dma_wait3A, %mul3A_2] : memref<32x4096xf32, #tpu.memory_space<hbm>> -> memref<32x128xf32, #tpu.memory_space<hbm>>
      %dma_wait3A_2309 = arith.constant 0 : i32
      %dma_wait3A_2310 = tpu.memref_slice %arg2[%dma_wait3A_2309, %mul3A_2] : memref<32x4096xf32, #tpu.memory_space<hbm>> -> memref<32x128xf32, #tpu.memory_space<hbm>>
      tpu.wait_dma2 semaphore(%run_scoped3A : memref<!tpu.dma_semaphore, #tpu.memory_space<semaphore_mem>>) src(%dma_wait3A_2310 : memref<32x128xf32, #tpu.memory_space<hbm>>) dst(%arg6 : memref<32x128xf32, #tpu.memory_space<vmem>>)
      tpu.yield
    }) : () -> ()
    %get3A = arith.constant 0 : i32
    %get3A_3 = arith.index_cast %get3A : i32 to index
    %get3A_4 = arith.constant 0 : index
    %get3A_5 = tpu.vector_load %arg6[%get3A_3, %get3A_4] {strides = array<i32>} : memref<32x128xf32, #tpu.memory_space<vmem>>, vector<1x16xf32>,
    %get3A_6 = vector.shape_cast %get3A_5 : vector<1x16xf32> to vector<16xf32>
    %get3A_7 = arith.constant 1 : i32
    %get3A_8 = arith.index_cast %get3A_7 : i32 to index
    %get3A_9 = arith.constant 0 : index
    %get3A_10 = tpu.vector_load %arg6[%get3A_8, %get3A_9] {strides = array<i32>} : memref<32x128xf32, #tpu.memory_space<vmem>>, vector<1x16xf32>,
    %get3A_11 = vector.shape_cast %get3A_10 : vector<1x16xf32> to vector<16xf32>
    %get3A_12 = arith.constant 2 : i32
    %get3A_13 = arith.index_cast %get3A_12 : i32 to index
    %get3A_14 = arith.constant 0 : index
    %get3A_15 = tpu.vector_load %arg6[%get3A_13, %get3A_14] {strides = array<i32>} : memref<32x128xf32, #tpu.memory_space<vmem>>, vector<1x16xf32>,
    %get3A_16 = vector.shape_cast %get3A_15 : vector<1x16xf32> to vector<16xf32>
    %get3A_17 = arith.constant 3 : i32
    %get3A_18 = arith.index_cast %get3A_17 : i32 to index
    %get3A_19 = arith.constant 0 : index
    %get3A_20 = tpu.vector_load %arg6[%get3A_18, %get3A_19] {strides = array<i32>} : memref<32x128xf32, #tpu.memory_space<vmem>>, vector<1x16xf32>,
    %get3A_21 = vector.shape_cast %get3A_20 : vector<1x16xf32> to vector<16xf32>
    %get3A_22 = arith.constant 4 : i32
    %get3A_23 = arith.index_cast %get3A_22 : i32 to index
    %get3A_24 = arith.constant 0 : index
    %get3A_25 = tpu.vector_load %arg6[%get3A_23, %get3A_24] {strides = array<i32>} : memref<32x128xf32, #tpu.memory_space<vmem>>, vector<1x16xf32>,
    %get3A_26 = vector.shape_cast %get3A_25 : vector<1x16xf32> to vector<16xf32>
    %get3A_27 = arith.constant 5 : i32
    %get3A_28 = arith.index_cast %get3A_27 : i32 to index
    %get3A_29 = arith.constant 0 : index
    %get3A_30 = tpu.vector_load %arg6[%get3A_28, %get3A_29] {strides = array<i32>} : memref<32x128xf32, #tpu.memory_space<vmem>>, vector<1x16xf32>,
    %get3A_31 = vector.shape_cast %get3A_30 : vector<1x16xf32> to vector<16xf32>
    %get3A_32 = arith.constant 6 : i32
    %get3A_33 = arith.index_cast %get3A_32 : i32 to index
    %get3A_34 = arith.constant 0 : index
    %get3A_35 = tpu.vector_load %arg6[%get3A_33, %get3A_34] {strides = array<i32>} : memref<32x128xf32, #tpu.memory_space<vmem>>, vector<1x16xf32>,
    %get3A_36 = vector.shape_cast %get3A_35 : vector<1x16xf32> to vector<16xf32>
    %get3A_37 = arith.constant 7 : i32
    %get3A_38 = arith.index_cast %get3A_37 : i32 to index
    %get3A_39 = arith.constant 0 : index
    %get3A_40 = tpu.vector_load %arg6[%get3A_38, %get3A_39] {strides = array<i32>} : memref<32x128xf32, #tpu.memory_space<vmem>>, vector<1x16xf32>,
    %get3A_41 = vector.shape_cast %get3A_40 : vector<1x16xf32> to vector<16xf32>
    %broadcast_in_dim3A = arith.constant 0 : i32
    %broadcast_in_dim3A_42 = vector.broadcast %broadcast_in_dim3A : i32 to vector<16xi32>
    %broadcast_in_dim3A_43 = arith.constant -1.000000e+30 : f32
    %broadcast_in_dim3A_44 = vector.broadcast %broadcast_in_dim3A_43 : f32 to vector<16xf32>
    %broadcast_in_dim3A_45 = arith.constant 0 : i32
    %broadcast_in_dim3A_46 = vector.broadcast %broadcast_in_dim3A_45 : i32 to vector<16xi32>
    %broadcast_in_dim3A_47 = arith.constant 1 : i32
    %broadcast_in_dim3A_48 = vector.broadcast %broadcast_in_dim3A_47 : i32 to vector<16xi32>
    %gt3A = arith.cmpf ogt, %get3A_11, %get3A_6 : vector<16xf32>
    %gt3A_49 = arith.cmpf ogt, %get3A_11, %broadcast_in_dim3A_44 : vector<16xf32>
    %select_n3A = arith.select %gt3A_49, %broadcast_in_dim3A_48, %broadcast_in_dim3A_46 : vector<16xi1>, vector<16xi32>
    %select_n3A_50 = arith.select %gt3A, %broadcast_in_dim3A_42, %select_n3A : vector<16xi1>, vector<16xi32>
    %gt3A_51 = arith.cmpf ogt, %get3A_11, %get3A_6 : vector<16xf32>
    %max3A = arith.maximumf %broadcast_in_dim3A_44, %get3A_11 : vector<16xf32>
    %select_n3A_52 = arith.select %gt3A_51, %get3A_6, %max3A : vector<16xi1>, vector<16xf32>
    %gt3A_53 = arith.cmpf ogt, %get3A_11, %get3A_6 : vector<16xf32>
    %select_n3A_54 = arith.select %gt3A_53, %broadcast_in_dim3A_48, %broadcast_in_dim3A_42 : vector<16xi1>, vector<16xi32>
    %max3A_55 = arith.maximumf %get3A_6, %get3A_11 : vector<16xf32>
    %broadcast_in_dim3A_56 = arith.constant 2 : i32
    %broadcast_in_dim3A_57 = vector.broadcast %broadcast_in_dim3A_56 : i32 to vector<16xi32>
    %gt3A_58 = arith.cmpf ogt, %get3A_16, %max3A_55 : vector<16xf32>
    %gt3A_59 = arith.cmpf ogt, %get3A_16, %select_n3A_52 : vector<16xf32>
    %select_n3A_60 = arith.select %gt3A_59, %broadcast_in_dim3A_57, %select_n3A_50 : vector<16xi1>, vector<16xi32>
    %select_n3A_61 = arith.select %gt3A_58, %select_n3A_54, %select_n3A_60 : vector<16xi1>, vector<16xi32>
    %gt3A_62 = arith.cmpf ogt, %get3A_16, %max3A_55 : vector<16xf32>
    %max3A_63 = arith.maximumf %select_n3A_52, %get3A_16 : vector<16xf32>
    %select_n3A_64 = arith.select %gt3A_62, %max3A_55, %max3A_63 : vector<16xi1>, vector<16xf32>
    %gt3A_65 = arith.cmpf ogt, %get3A_16, %max3A_55 : vector<16xf32>
    %select_n3A_66 = arith.select %gt3A_65, %broadcast_in_dim3A_57, %select_n3A_54 : vector<16xi1>, vector<16xi32>
    %max3A_67 = arith.maximumf %max3A_55, %get3A_16 : vector<16xf32>
    %broadcast_in_dim3A_68 = arith.constant 3 : i32
    %broadcast_in_dim3A_69 = vector.broadcast %broadcast_in_dim3A_68 : i32 to vector<16xi32>
    %gt3A_70 = arith.cmpf ogt, %get3A_21, %max3A_67 : vector<16xf32>
    %gt3A_71 = arith.cmpf ogt, %get3A_21, %select_n3A_64 : vector<16xf32>
    %select_n3A_72 = arith.select %gt3A_71, %broadcast_in_dim3A_69, %select_n3A_61 : vector<16xi1>, vector<16xi32>
    %select_n3A_73 = arith.select %gt3A_70, %select_n3A_66, %select_n3A_72 : vector<16xi1>, vector<16xi32>
    %gt3A_74 = arith.cmpf ogt, %get3A_21, %max3A_67 : vector<16xf32>
    %max3A_75 = arith.maximumf %select_n3A_64, %get3A_21 : vector<16xf32>
    %select_n3A_76 = arith.select %gt3A_74, %max3A_67, %max3A_75 : vector<16xi1>, vector<16xf32>
    %gt3A_77 = arith.cmpf ogt, %get3A_21, %max3A_67 : vector<16xf32>
    %select_n3A_78 = arith.select %gt3A_77, %broadcast_in_dim3A_69, %select_n3A_66 : vector<16xi1>, vector<16xi32>
    %max3A_79 = arith.maximumf %max3A_67, %get3A_21 : vector<16xf32>
    %broadcast_in_dim3A_80 = arith.constant 4 : i32
    %broadcast_in_dim3A_81 = vector.broadcast %broadcast_in_dim3A_80 : i32 to vector<16xi32>
    %gt3A_82 = arith.cmpf ogt, %get3A_26, %max3A_79 : vector<16xf32>
    %gt3A_83 = arith.cmpf ogt, %get3A_26, %select_n3A_76 : vector<16xf32>
    %select_n3A_84 = arith.select %gt3A_83, %broadcast_in_dim3A_81, %select_n3A_73 : vector<16xi1>, vector<16xi32>
    %select_n3A_85 = arith.select %gt3A_82, %select_n3A_78, %select_n3A_84 : vector<16xi1>, vector<16xi32>
    %gt3A_86 = arith.cmpf ogt, %get3A_26, %max3A_79 : vector<16xf32>
    %max3A_87 = arith.maximumf %select_n3A_76, %get3A_26 : vector<16xf32>
    %select_n3A_88 = arith.select %gt3A_86, %max3A_79, %max3A_87 : vector<16xi1>, vector<16xf32>
    %gt3A_89 = arith.cmpf ogt, %get3A_26, %max3A_79 : vector<16xf32>
    %select_n3A_90 = arith.select %gt3A_89, %broadcast_in_dim3A_81, %select_n3A_78 : vector<16xi1>, vector<16xi32>
    %max3A_91 = arith.maximumf %max3A_79, %get3A_26 : vector<16xf32>
    %broadcast_in_dim3A_92 = arith.constant 5 : i32
    %broadcast_in_dim3A_93 = vector.broadcast %broadcast_in_dim3A_92 : i32 to vector<16xi32>
    %gt3A_94 = arith.cmpf ogt, %get3A_31, %max3A_91 : vector<16xf32>
    %gt3A_95 = arith.cmpf ogt, %get3A_31, %select_n3A_88 : vector<16xf32>
    %select_n3A_96 = arith.select %gt3A_95, %broadcast_in_dim3A_93, %select_n3A_85 : vector<16xi1>, vector<16xi32>
    %select_n3A_97 = arith.select %gt3A_94, %select_n3A_90, %select_n3A_96 : vector<16xi1>, vector<16xi32>
    %gt3A_98 = arith.cmpf ogt, %get3A_31, %max3A_91 : vector<16xf32>
    %max3A_99 = arith.maximumf %select_n3A_88, %get3A_31 : vector<16xf32>
    %select_n3A_100 = arith.select %gt3A_98, %max3A_91, %max3A_99 : vector<16xi1>, vector<16xf32>
    %gt3A_101 = arith.cmpf ogt, %get3A_31, %max3A_91 : vector<16xf32>
    %select_n3A_102 = arith.select %gt3A_101, %broadcast_in_dim3A_93, %select_n3A_90 : vector<16xi1>, vector<16xi32>
    %max3A_103 = arith.maximumf %max3A_91, %get3A_31 : vector<16xf32>
    %broadcast_in_dim3A_104 = arith.constant 6 : i32
    %broadcast_in_dim3A_105 = vector.broadcast %broadcast_in_dim3A_104 : i32 to vector<16xi32>
    %gt3A_106 = arith.cmpf ogt, %get3A_36, %max3A_103 : vector<16xf32>
    %gt3A_107 = arith.cmpf ogt, %get3A_36, %select_n3A_100 : vector<16xf32>
    %select_n3A_108 = arith.select %gt3A_107, %broadcast_in_dim3A_105, %select_n3A_97 : vector<16xi1>, vector<16xi32>
    %select_n3A_109 = arith.select %gt3A_106, %select_n3A_102, %select_n3A_108 : vector<16xi1>, vector<16xi32>
    %gt3A_110 = arith.cmpf ogt, %get3A_36, %max3A_103 : vector<16xf32>
    %max3A_111 = arith.maximumf %select_n3A_100, %get3A_36 : vector<16xf32>
    %select_n3A_112 = arith.select %gt3A_110, %max3A_103, %max3A_111 : vector<16xi1>, vector<16xf32>
    %gt3A_113 = arith.cmpf ogt, %get3A_36, %max3A_103 : vector<16xf32>
    %select_n3A_114 = arith.select %gt3A_113, %broadcast_in_dim3A_105, %select_n3A_102 : vector<16xi1>, vector<16xi32>
    %max3A_115 = arith.maximumf %max3A_103, %get3A_36 : vector<16xf32>
    %broadcast_in_dim3A_116 = arith.constant 7 : i32
    %broadcast_in_dim3A_117 = vector.broadcast %broadcast_in_dim3A_116 : i32 to vector<16xi32>
    %gt3A_118 = arith.cmpf ogt, %get3A_41, %max3A_115 : vector<16xf32>
    %gt3A_119 = arith.cmpf ogt, %get3A_41, %select_n3A_112 : vector<16xf32>
    %select_n3A_120 = arith.select %gt3A_119, %broadcast_in_dim3A_117, %select_n3A_109 : vector<16xi1>, vector<16xi32>
    %select_n3A_121 = arith.select %gt3A_118, %select_n3A_114, %select_n3A_120 : vector<16xi1>, vector<16xi32>
    %gt3A_122 = arith.cmpf ogt, %get3A_41, %max3A_115 : vector<16xf32>
    %max3A_123 = arith.maximumf %select_n3A_112, %get3A_41 : vector<16xf32>
    %select_n3A_124 = arith.select %gt3A_122, %max3A_115, %max3A_123 : vector<16xi1>, vector<16xf32>
    %gt3A_125 = arith.cmpf ogt, %get3A_41, %max3A_115 : vector<16xf32>
    %select_n3A_126 = arith.select %gt3A_125, %broadcast_in_dim3A_117, %select_n3A_114 : vector<16xi1>, vector<16xi32>
    %max3A_127 = arith.maximumf %max3A_115, %get3A_41 : vector<16xf32>
    %neg3A = arith.constant 0.000000e+00 : f32
    %neg3A_128 = vector.broadcast %neg3A : f32 to vector<16xf32>
    %neg3A_129 = arith.subf %neg3A_128, %max3A_127 : vector<16xf32>
    %exp3A = math.exp %neg3A_129 : vector<16xf32>
    %add3A_130 = arith.constant 1.000000e+00 : f32
    %add3A_131 = vector.broadcast %add3A_130 : f32 to vector<16xf32>
    %add3A_132 = arith.addf %add3A_131, %exp3A : vector<16xf32>
    %div3A = arith.constant 1.000000e+00 : f32
    %div3A_133 = vector.broadcast %div3A : f32 to vector<16xf32>
    %div3A_134 = arith.divf %div3A_133, %add3A_132 : vector<16xf32>
    %neg3A_135 = arith.constant 0.000000e+00 : f32
    %neg3A_136 = vector.broadcast %neg3A_135 : f32 to vector<16xf32>
    %neg3A_137 = arith.subf %neg3A_136, %select_n3A_124 : vector<16xf32>
    %exp3A_138 = math.exp %neg3A_137 : vector<16xf32>
    %add3A_139 = arith.constant 1.000000e+00 : f32
    %add3A_140 = vector.broadcast %add3A_139 : f32 to vector<16xf32>
    %add3A_141 = arith.addf %add3A_140, %exp3A_138 : vector<16xf32>
    %div3A_142 = arith.constant 1.000000e+00 : f32
    %div3A_143 = vector.broadcast %div3A_142 : f32 to vector<16xf32>
    %div3A_144 = arith.divf %div3A_143, %add3A_141 : vector<16xf32>
    %get3A_145 = arith.constant 8 : i32
    %get3A_146 = arith.index_cast %get3A_145 : i32 to index
    %get3A_147 = arith.constant 0 : index
    %get3A_148 = tpu.vector_load %arg6[%get3A_146, %get3A_147] {strides = array<i32>} : memref<32x128xf32, #tpu.memory_space<vmem>>, vector<1x16xf32>,
    %get3A_149 = vector.shape_cast %get3A_148 : vector<1x16xf32> to vector<16xf32>
    %get3A_150 = arith.constant 16 : i32
    %get3A_151 = arith.index_cast %get3A_150 : i32 to index
    %get3A_152 = arith.constant 0 : index
    %get3A_153 = tpu.vector_load %arg6[%get3A_151, %get3A_152] {strides = array<i32>} : memref<32x128xf32, #tpu.memory_space<vmem>>, vector<1x16xf32>,
    %get3A_154 = vector.shape_cast %get3A_153 : vector<1x16xf32> to vector<16xf32>
    %broadcast_in_dim3A_155 = arith.constant 1 : i32
    %broadcast_in_dim3A_156 = vector.broadcast %broadcast_in_dim3A_155 : i32 to vector<16xi32>
    %eq3A = arith.cmpi eq, %select_n3A_126, %broadcast_in_dim3A_156 : vector<16xi32>
    %get3A_157 = arith.constant 9 : i32
    %get3A_158 = arith.index_cast %get3A_157 : i32 to index
    %get3A_159 = arith.constant 0 : index
    %get3A_160 = tpu.vector_load %arg6[%get3A_158, %get3A_159] {strides = array<i32>} : memref<32x128xf32, #tpu.memory_space<vmem>>, vector<1x16xf32>,
    %get3A_161 = vector.shape_cast %get3A_160 : vector<1x16xf32> to vector<16xf32>
    %select_n3A_162 = arith.select %eq3A, %get3A_161, %get3A_149 : vector<16xi1>, vector<16xf32>
    %eq3A_163 = arith.cmpi eq, %select_n3A_121, %broadcast_in_dim3A_156 : vector<16xi32>
    %get3A_164 = arith.constant 17 : i32
    %get3A_165 = arith.index_cast %get3A_164 : i32 to index
    %get3A_166 = arith.constant 0 : index
    %get3A_167 = tpu.vector_load %arg6[%get3A_165, %get3A_166] {strides = array<i32>} : memref<32x128xf32, #tpu.memory_space<vmem>>, vector<1x16xf32>,
    %get3A_168 = vector.shape_cast %get3A_167 : vector<1x16xf32> to vector<16xf32>
    %select_n3A_169 = arith.select %eq3A_163, %get3A_168, %get3A_154 : vector<16xi1>, vector<16xf32>
    %broadcast_in_dim3A_170 = arith.constant 2 : i32
    %broadcast_in_dim3A_171 = vector.broadcast %broadcast_in_dim3A_170 : i32 to vector<16xi32>
    %eq3A_172 = arith.cmpi eq, %select_n3A_126, %broadcast_in_dim3A_171 : vector<16xi32>
    %get3A_173 = arith.constant 10 : i32
    %get3A_174 = arith.index_cast %get3A_173 : i32 to index
    %get3A_175 = arith.constant 0 : index
    %get3A_176 = tpu.vector_load %arg6[%get3A_174, %get3A_175] {strides = array<i32>} : memref<32x128xf32, #tpu.memory_space<vmem>>, vector<1x16xf32>,
    %get3A_177 = vector.shape_cast %get3A_176 : vector<1x16xf32> to vector<16xf32>
    %select_n3A_178 = arith.select %eq3A_172, %get3A_177, %select_n3A_162 : vector<16xi1>, vector<16xf32>
    %eq3A_179 = arith.cmpi eq, %select_n3A_121, %broadcast_in_dim3A_171 : vector<16xi32>
    %get3A_180 = arith.constant 18 : i32
    %get3A_181 = arith.index_cast %get3A_180 : i32 to index
    %get3A_182 = arith.constant 0 : index
    %get3A_183 = tpu.vector_load %arg6[%get3A_181, %get3A_182] {strides = array<i32>} : memref<32x128xf32, #tpu.memory_space<vmem>>, vector<1x16xf32>,
    %get3A_184 = vector.shape_cast %get3A_183 : vector<1x16xf32> to vector<16xf32>
    %select_n3A_185 = arith.select %eq3A_179, %get3A_184, %select_n3A_169 : vector<16xi1>, vector<16xf32>
    %broadcast_in_dim3A_186 = arith.constant 3 : i32
    %broadcast_in_dim3A_187 = vector.broadcast %broadcast_in_dim3A_186 : i32 to vector<16xi32>
    %eq3A_188 = arith.cmpi eq, %select_n3A_126, %broadcast_in_dim3A_187 : vector<16xi32>
    %get3A_189 = arith.constant 11 : i32
    %get3A_190 = arith.index_cast %get3A_189 : i32 to index
    %get3A_191 = arith.constant 0 : index
    %get3A_192 = tpu.vector_load %arg6[%get3A_190, %get3A_191] {strides = array<i32>} : memref<32x128xf32, #tpu.memory_space<vmem>>, vector<1x16xf32>,
    %get3A_193 = vector.shape_cast %get3A_192 : vector<1x16xf32> to vector<16xf32>
    %select_n3A_194 = arith.select %eq3A_188, %get3A_193, %select_n3A_178 : vector<16xi1>, vector<16xf32>
    %eq3A_195 = arith.cmpi eq, %select_n3A_121, %broadcast_in_dim3A_187 : vector<16xi32>
    %get3A_196 = arith.constant 19 : i32
    %get3A_197 = arith.index_cast %get3A_196 : i32 to index
    %get3A_198 = arith.constant 0 : index
    %get3A_199 = tpu.vector_load %arg6[%get3A_197, %get3A_198] {strides = array<i32>} : memref<32x128xf32, #tpu.memory_space<vmem>>, vector<1x16xf32>,
    %get3A_200 = vector.shape_cast %get3A_199 : vector<1x16xf32> to vector<16xf32>
    %select_n3A_201 = arith.select %eq3A_195, %get3A_200, %select_n3A_185 : vector<16xi1>, vector<16xf32>
    %broadcast_in_dim3A_202 = arith.constant 4 : i32
    %broadcast_in_dim3A_203 = vector.broadcast %broadcast_in_dim3A_202 : i32 to vector<16xi32>
    %eq3A_204 = arith.cmpi eq, %select_n3A_126, %broadcast_in_dim3A_203 : vector<16xi32>
    %get3A_205 = arith.constant 12 : i32
    %get3A_206 = arith.index_cast %get3A_205 : i32 to index
    %get3A_207 = arith.constant 0 : index
    %get3A_208 = tpu.vector_load %arg6[%get3A_206, %get3A_207] {strides = array<i32>} : memref<32x128xf32, #tpu.memory_space<vmem>>, vector<1x16xf32>,
    %get3A_209 = vector.shape_cast %get3A_208 : vector<1x16xf32> to vector<16xf32>
    %select_n3A_210 = arith.select %eq3A_204, %get3A_209, %select_n3A_194 : vector<16xi1>, vector<16xf32>
    %eq3A_211 = arith.cmpi eq, %select_n3A_121, %broadcast_in_dim3A_203 : vector<16xi32>
    %get3A_212 = arith.constant 20 : i32
    %get3A_213 = arith.index_cast %get3A_212 : i32 to index
    %get3A_214 = arith.constant 0 : index
    %get3A_215 = tpu.vector_load %arg6[%get3A_213, %get3A_214] {strides = array<i32>} : memref<32x128xf32, #tpu.memory_space<vmem>>, vector<1x16xf32>,
    %get3A_216 = vector.shape_cast %get3A_215 : vector<1x16xf32> to vector<16xf32>
    %select_n3A_217 = arith.select %eq3A_211, %get3A_216, %select_n3A_201 : vector<16xi1>, vector<16xf32>
    %broadcast_in_dim3A_218 = arith.constant 5 : i32
    %broadcast_in_dim3A_219 = vector.broadcast %broadcast_in_dim3A_218 : i32 to vector<16xi32>
    %eq3A_220 = arith.cmpi eq, %select_n3A_126, %broadcast_in_dim3A_219 : vector<16xi32>
    %get3A_221 = arith.constant 13 : i32
    %get3A_222 = arith.index_cast %get3A_221 : i32 to index
    %get3A_223 = arith.constant 0 : index
    %get3A_224 = tpu.vector_load %arg6[%get3A_222, %get3A_223] {strides = array<i32>} : memref<32x128xf32, #tpu.memory_space<vmem>>, vector<1x16xf32>,
    %get3A_225 = vector.shape_cast %get3A_224 : vector<1x16xf32> to vector<16xf32>
    %select_n3A_226 = arith.select %eq3A_220, %get3A_225, %select_n3A_210 : vector<16xi1>, vector<16xf32>
    %eq3A_227 = arith.cmpi eq, %select_n3A_121, %broadcast_in_dim3A_219 : vector<16xi32>
    %get3A_228 = arith.constant 21 : i32
    %get3A_229 = arith.index_cast %get3A_228 : i32 to index
    %get3A_230 = arith.constant 0 : index
    %get3A_231 = tpu.vector_load %arg6[%get3A_229, %get3A_230] {strides = array<i32>} : memref<32x128xf32, #tpu.memory_space<vmem>>, vector<1x16xf32>,
    %get3A_232 = vector.shape_cast %get3A_231 : vector<1x16xf32> to vector<16xf32>
    %select_n3A_233 = arith.select %eq3A_227, %get3A_232, %select_n3A_217 : vector<16xi1>, vector<16xf32>
    %broadcast_in_dim3A_234 = arith.constant 6 : i32
    %broadcast_in_dim3A_235 = vector.broadcast %broadcast_in_dim3A_234 : i32 to vector<16xi32>
    %eq3A_236 = arith.cmpi eq, %select_n3A_126, %broadcast_in_dim3A_235 : vector<16xi32>
    %get3A_237 = arith.constant 14 : i32
    %get3A_238 = arith.index_cast %get3A_237 : i32 to index
    %get3A_239 = arith.constant 0 : index
    %get3A_240 = tpu.vector_load %arg6[%get3A_238, %get3A_239] {strides = array<i32>} : memref<32x128xf32, #tpu.memory_space<vmem>>, vector<1x16xf32>,
    %get3A_241 = vector.shape_cast %get3A_240 : vector<1x16xf32> to vector<16xf32>
    %select_n3A_242 = arith.select %eq3A_236, %get3A_241, %select_n3A_226 : vector<16xi1>, vector<16xf32>
    %eq3A_243 = arith.cmpi eq, %select_n3A_121, %broadcast_in_dim3A_235 : vector<16xi32>
    %get3A_244 = arith.constant 22 : i32
    %get3A_245 = arith.index_cast %get3A_244 : i32 to index
    %get3A_246 = arith.constant 0 : index
    %get3A_247 = tpu.vector_load %arg6[%get3A_245, %get3A_246] {strides = array<i32>} : memref<32x128xf32, #tpu.memory_space<vmem>>, vector<1x16xf32>,
    %get3A_248 = vector.shape_cast %get3A_247 : vector<1x16xf32> to vector<16xf32>
    %select_n3A_249 = arith.select %eq3A_243, %get3A_248, %select_n3A_233 : vector<16xi1>, vector<16xf32>
    %broadcast_in_dim3A_250 = arith.constant 7 : i32
    %broadcast_in_dim3A_251 = vector.broadcast %broadcast_in_dim3A_250 : i32 to vector<16xi32>
    %eq3A_252 = arith.cmpi eq, %select_n3A_126, %broadcast_in_dim3A_251 : vector<16xi32>
    %get3A_253 = arith.constant 15 : i32
    %get3A_254 = arith.index_cast %get3A_253 : i32 to index
    %get3A_255 = arith.constant 0 : index
    %get3A_256 = tpu.vector_load %arg6[%get3A_254, %get3A_255] {strides = array<i32>} : memref<32x128xf32, #tpu.memory_space<vmem>>, vector<1x16xf32>,
    %get3A_257 = vector.shape_cast %get3A_256 : vector<1x16xf32> to vector<16xf32>
    %select_n3A_258 = arith.select %eq3A_252, %get3A_257, %select_n3A_242 : vector<16xi1>, vector<16xf32>
    %eq3A_259 = arith.cmpi eq, %select_n3A_121, %broadcast_in_dim3A_251 : vector<16xi32>
    %get3A_260 = arith.constant 23 : i32
    %get3A_261 = arith.index_cast %get3A_260 : i32 to index
    %get3A_262 = arith.constant 0 : index
    %get3A_263 = tpu.vector_load %arg6[%get3A_261, %get3A_262] {strides = array<i32>} : memref<32x128xf32, #tpu.memory_space<vmem>>, vector<1x16xf32>,
    %get3A_264 = vector.shape_cast %get3A_263 : vector<1x16xf32> to vector<16xf32>
    %select_n3A_265 = arith.select %eq3A_259, %get3A_264, %select_n3A_249 : vector<16xi1>, vector<16xf32>
    %mul3A_266 = arith.mulf %div3A_134, %select_n3A_258 : vector<16xf32>
    %mul3A_267 = arith.mulf %div3A_144, %select_n3A_265 : vector<16xf32>
    %add3A_268 = arith.addf %mul3A_266, %mul3A_267 : vector<16xf32>
    %add3A_269 = arith.addf %div3A_134, %div3A_144 : vector<16xf32>
    %div3A_270 = arith.divf %add3A_268, %add3A_269 : vector<16xf32>
    %swap3A = arith.constant 0 : index
    %swap3A_271 = tpu.vector_load %arg7[%swap3A] {strides = array<i32>} : memref<128xf32, #tpu.memory_space<vmem>>, vector<16xf32>,
    %swap3A_272 = vector.shape_cast %swap3A_271 : vector<16xf32> to vector<16xf32>
    %swap3A_273 = vector.shape_cast %div3A_270 : vector<16xf32> to vector<16xf32>
    tpu.vector_store %arg7[%swap3A], %swap3A_273 {strides = array<i32>} : memref<128xf32, #tpu.memory_space<vmem>>, vector<16xf32>,
    %swap3A_274 = arith.constant 0 : index
    %swap3A_275 = tpu.vector_load %arg8[%swap3A_274] {strides = array<i32>} : memref<128xi32, #tpu.memory_space<vmem>>, vector<16xi32>,
    %swap3A_276 = vector.shape_cast %swap3A_275 : vector<16xi32> to vector<16xi32>
    %swap3A_277 = vector.shape_cast %select_n3A_126 : vector<16xi32> to vector<16xi32>
    tpu.vector_store %arg8[%swap3A_274], %swap3A_277 {strides = array<i32>} : memref<128xi32, #tpu.memory_space<vmem>>, vector<16xi32>,
    %swap3A_278 = arith.constant 0 : index
    %swap3A_279 = tpu.vector_load %arg9[%swap3A_278] {strides = array<i32>} : memref<128xi32, #tpu.memory_space<vmem>>, vector<16xi32>,
    %swap3A_280 = vector.shape_cast %swap3A_279 : vector<16xi32> to vector<16xi32>
    %swap3A_281 = vector.shape_cast %select_n3A_121 : vector<16xi32> to vector<16xi32>
    tpu.vector_store %arg9[%swap3A_278], %swap3A_281 {strides = array<i32>} : memref<128xi32, #tpu.memory_space<vmem>>, vector<16xi32>,
    %get3A_282 = arith.constant 0 : i32
    %get3A_283 = arith.index_cast %get3A_282 : i32 to index
    %get3A_284 = arith.constant 16 : index
    %get3A_285 = tpu.vector_load %arg6[%get3A_283, %get3A_284] {strides = array<i32>} : memref<32x128xf32, #tpu.memory_space<vmem>>, vector<1x16xf32>,
    %get3A_286 = vector.shape_cast %get3A_285 : vector<1x16xf32> to vector<16xf32>
    %get3A_287 = arith.constant 1 : i32
    %get3A_288 = arith.index_cast %get3A_287 : i32 to index
    %get3A_289 = arith.constant 16 : index
    %get3A_290 = tpu.vector_load %arg6[%get3A_288, %get3A_289] {strides = array<i32>} : memref<32x128xf32, #tpu.memory_space<vmem>>, vector<1x16xf32>,
    %get3A_291 = vector.shape_cast %get3A_290 : vector<1x16xf32> to vector<16xf32>
    %get3A_292 = arith.constant 2 : i32
    %get3A_293 = arith.index_cast %get3A_292 : i32 to index
    %get3A_294 = arith.constant 16 : index
    %get3A_295 = tpu.vector_load %arg6[%get3A_293, %get3A_294] {strides = array<i32>} : memref<32x128xf32, #tpu.memory_space<vmem>>, vector<1x16xf32>,
    %get3A_296 = vector.shape_cast %get3A_295 : vector<1x16xf32> to vector<16xf32>
    %get3A_297 = arith.constant 3 : i32
    %get3A_298 = arith.index_cast %get3A_297 : i32 to index
    %get3A_299 = arith.constant 16 : index
    %get3A_300 = tpu.vector_load %arg6[%get3A_298, %get3A_299] {strides = array<i32>} : memref<32x128xf32, #tpu.memory_space<vmem>>, vector<1x16xf32>,
    %get3A_301 = vector.shape_cast %get3A_300 : vector<1x16xf32> to vector<16xf32>
    %get3A_302 = arith.constant 4 : i32
    %get3A_303 = arith.index_cast %get3A_302 : i32 to index
    %get3A_304 = arith.constant 16 : index
    %get3A_305 = tpu.vector_load %arg6[%get3A_303, %get3A_304] {strides = array<i32>} : memref<32x128xf32, #tpu.memory_space<vmem>>, vector<1x16xf32>,
    %get3A_306 = vector.shape_cast %get3A_305 : vector<1x16xf32> to vector<16xf32>
    %get3A_307 = arith.constant 5 : i32
    %get3A_308 = arith.index_cast %get3A_307 : i32 to index
    %get3A_309 = arith.constant 16 : index
    %get3A_310 = tpu.vector_load %arg6[%get3A_308, %get3A_309] {strides = array<i32>} : memref<32x128xf32, #tpu.memory_space<vmem>>, vector<1x16xf32>,
    %get3A_311 = vector.shape_cast %get3A_310 : vector<1x16xf32> to vector<16xf32>
    %get3A_312 = arith.constant 6 : i32
    %get3A_313 = arith.index_cast %get3A_312 : i32 to index
    %get3A_314 = arith.constant 16 : index
    %get3A_315 = tpu.vector_load %arg6[%get3A_313, %get3A_314] {strides = array<i32>} : memref<32x128xf32, #tpu.memory_space<vmem>>, vector<1x16xf32>,
    %get3A_316 = vector.shape_cast %get3A_315 : vector<1x16xf32> to vector<16xf32>
    %get3A_317 = arith.constant 7 : i32
    %get3A_318 = arith.index_cast %get3A_317 : i32 to index
    %get3A_319 = arith.constant 16 : index
    %get3A_320 = tpu.vector_load %arg6[%get3A_318, %get3A_319] {strides = array<i32>} : memref<32x128xf32, #tpu.memory_space<vmem>>, vector<1x16xf32>,
    %get3A_321 = vector.shape_cast %get3A_320 : vector<1x16xf32> to vector<16xf32>
    %broadcast_in_dim3A_322 = arith.constant 0 : i32
    %broadcast_in_dim3A_323 = vector.broadcast %broadcast_in_dim3A_322 : i32 to vector<16xi32>
    %broadcast_in_dim3A_324 = arith.constant -1.000000e+30 : f32
    %broadcast_in_dim3A_325 = vector.broadcast %broadcast_in_dim3A_324 : f32 to vector<16xf32>
    %broadcast_in_dim3A_326 = arith.constant 0 : i32
    %broadcast_in_dim3A_327 = vector.broadcast %broadcast_in_dim3A_326 : i32 to vector<16xi32>
    %broadcast_in_dim3A_328 = arith.constant 1 : i32
    %broadcast_in_dim3A_329 = vector.broadcast %broadcast_in_dim3A_328 : i32 to vector<16xi32>
    %gt3A_330 = arith.cmpf ogt, %get3A_291, %get3A_286 : vector<16xf32>
    %gt3A_331 = arith.cmpf ogt, %get3A_291, %broadcast_in_dim3A_325 : vector<16xf32>
    %select_n3A_332 = arith.select %gt3A_331, %broadcast_in_dim3A_329, %broadcast_in_dim3A_327 : vector<16xi1>, vector<16xi32>
    %select_n3A_333 = arith.select %gt3A_330, %broadcast_in_dim3A_323, %select_n3A_332 : vector<16xi1>, vector<16xi32>
    %gt3A_334 = arith.cmpf ogt, %get3A_291, %get3A_286 : vector<16xf32>
    %max3A_335 = arith.maximumf %broadcast_in_dim3A_325, %get3A_291 : vector<16xf32>
    %select_n3A_336 = arith.select %gt3A_334, %get3A_286, %max3A_335 : vector<16xi1>, vector<16xf32>
    %gt3A_337 = arith.cmpf ogt, %get3A_291, %get3A_286 : vector<16xf32>
    %select_n3A_338 = arith.select %gt3A_337, %broadcast_in_dim3A_329, %broadcast_in_dim3A_323 : vector<16xi1>, vector<16xi32>
    %max3A_339 = arith.maximumf %get3A_286, %get3A_291 : vector<16xf32>
    %broadcast_in_dim3A_340 = arith.constant 2 : i32
    %broadcast_in_dim3A_341 = vector.broadcast %broadcast_in_dim3A_340 : i32 to vector<16xi32>
    %gt3A_342 = arith.cmpf ogt, %get3A_296, %max3A_339 : vector<16xf32>
    %gt3A_343 = arith.cmpf ogt, %get3A_296, %select_n3A_336 : vector<16xf32>
    %select_n3A_344 = arith.select %gt3A_343, %broadcast_in_dim3A_341, %select_n3A_333 : vector<16xi1>, vector<16xi32>
    %select_n3A_345 = arith.select %gt3A_342, %select_n3A_338, %select_n3A_344 : vector<16xi1>, vector<16xi32>
    %gt3A_346 = arith.cmpf ogt, %get3A_296, %max3A_339 : vector<16xf32>
    %max3A_347 = arith.maximumf %select_n3A_336, %get3A_296 : vector<16xf32>
    %select_n3A_348 = arith.select %gt3A_346, %max3A_339, %max3A_347 : vector<16xi1>, vector<16xf32>
    %gt3A_349 = arith.cmpf ogt, %get3A_296, %max3A_339 : vector<16xf32>
    %select_n3A_350 = arith.select %gt3A_349, %broadcast_in_dim3A_341, %select_n3A_338 : vector<16xi1>, vector<16xi32>
    %max3A_351 = arith.maximumf %max3A_339, %get3A_296 : vector<16xf32>
    %broadcast_in_dim3A_352 = arith.constant 3 : i32
    %broadcast_in_dim3A_353 = vector.broadcast %broadcast_in_dim3A_352 : i32 to vector<16xi32>
    %gt3A_354 = arith.cmpf ogt, %get3A_301, %max3A_351 : vector<16xf32>
    %gt3A_355 = arith.cmpf ogt, %get3A_301, %select_n3A_348 : vector<16xf32>
    %select_n3A_356 = arith.select %gt3A_355, %broadcast_in_dim3A_353, %select_n3A_345 : vector<16xi1>, vector<16xi32>
    %select_n3A_357 = arith.select %gt3A_354, %select_n3A_350, %select_n3A_356 : vector<16xi1>, vector<16xi32>
    %gt3A_358 = arith.cmpf ogt, %get3A_301, %max3A_351 : vector<16xf32>
    %max3A_359 = arith.maximumf %select_n3A_348, %get3A_301 : vector<16xf32>
    %select_n3A_360 = arith.select %gt3A_358, %max3A_351, %max3A_359 : vector<16xi1>, vector<16xf32>
    %gt3A_361 = arith.cmpf ogt, %get3A_301, %max3A_351 : vector<16xf32>
    %select_n3A_362 = arith.select %gt3A_361, %broadcast_in_dim3A_353, %select_n3A_350 : vector<16xi1>, vector<16xi32>
    %max3A_363 = arith.maximumf %max3A_351, %get3A_301 : vector<16xf32>
    %broadcast_in_dim3A_364 = arith.constant 4 : i32
    %broadcast_in_dim3A_365 = vector.broadcast %broadcast_in_dim3A_364 : i32 to vector<16xi32>
    %gt3A_366 = arith.cmpf ogt, %get3A_306, %max3A_363 : vector<16xf32>
    %gt3A_367 = arith.cmpf ogt, %get3A_306, %select_n3A_360 : vector<16xf32>
    %select_n3A_368 = arith.select %gt3A_367, %broadcast_in_dim3A_365, %select_n3A_357 : vector<16xi1>, vector<16xi32>
    %select_n3A_369 = arith.select %gt3A_366, %select_n3A_362, %select_n3A_368 : vector<16xi1>, vector<16xi32>
    %gt3A_370 = arith.cmpf ogt, %get3A_306, %max3A_363 : vector<16xf32>
    %max3A_371 = arith.maximumf %select_n3A_360, %get3A_306 : vector<16xf32>
    %select_n3A_372 = arith.select %gt3A_370, %max3A_363, %max3A_371 : vector<16xi1>, vector<16xf32>
    %gt3A_373 = arith.cmpf ogt, %get3A_306, %max3A_363 : vector<16xf32>
    %select_n3A_374 = arith.select %gt3A_373, %broadcast_in_dim3A_365, %select_n3A_362 : vector<16xi1>, vector<16xi32>
    %max3A_375 = arith.maximumf %max3A_363, %get3A_306 : vector<16xf32>
    %broadcast_in_dim3A_376 = arith.constant 5 : i32
    %broadcast_in_dim3A_377 = vector.broadcast %broadcast_in_dim3A_376 : i32 to vector<16xi32>
    %gt3A_378 = arith.cmpf ogt, %get3A_311, %max3A_375 : vector<16xf32>
    %gt3A_379 = arith.cmpf ogt, %get3A_311, %select_n3A_372 : vector<16xf32>
    %select_n3A_380 = arith.select %gt3A_379, %broadcast_in_dim3A_377, %select_n3A_369 : vector<16xi1>, vector<16xi32>
    %select_n3A_381 = arith.select %gt3A_378, %select_n3A_374, %select_n3A_380 : vector<16xi1>, vector<16xi32>
    %gt3A_382 = arith.cmpf ogt, %get3A_311, %max3A_375 : vector<16xf32>
    %max3A_383 = arith.maximumf %select_n3A_372, %get3A_311 : vector<16xf32>
    %select_n3A_384 = arith.select %gt3A_382, %max3A_375, %max3A_383 : vector<16xi1>, vector<16xf32>
    %gt3A_385 = arith.cmpf ogt, %get3A_311, %max3A_375 : vector<16xf32>
    %select_n3A_386 = arith.select %gt3A_385, %broadcast_in_dim3A_377, %select_n3A_374 : vector<16xi1>, vector<16xi32>
    %max3A_387 = arith.maximumf %max3A_375, %get3A_311 : vector<16xf32>
    %broadcast_in_dim3A_388 = arith.constant 6 : i32
    %broadcast_in_dim3A_389 = vector.broadcast %broadcast_in_dim3A_388 : i32 to vector<16xi32>
    %gt3A_390 = arith.cmpf ogt, %get3A_316, %max3A_387 : vector<16xf32>
    %gt3A_391 = arith.cmpf ogt, %get3A_316, %select_n3A_384 : vector<16xf32>
    %select_n3A_392 = arith.select %gt3A_391, %broadcast_in_dim3A_389, %select_n3A_381 : vector<16xi1>, vector<16xi32>
    %select_n3A_393 = arith.select %gt3A_390, %select_n3A_386, %select_n3A_392 : vector<16xi1>, vector<16xi32>
    %gt3A_394 = arith.cmpf ogt, %get3A_316, %max3A_387 : vector<16xf32>
    %max3A_395 = arith.maximumf %select_n3A_384, %get3A_316 : vector<16xf32>
    %select_n3A_396 = arith.select %gt3A_394, %max3A_387, %max3A_395 : vector<16xi1>, vector<16xf32>
    %gt3A_397 = arith.cmpf ogt, %get3A_316, %max3A_387 : vector<16xf32>
    %select_n3A_398 = arith.select %gt3A_397, %broadcast_in_dim3A_389, %select_n3A_386 : vector<16xi1>, vector<16xi32>
    %max3A_399 = arith.maximumf %max3A_387, %get3A_316 : vector<16xf32>
    %broadcast_in_dim3A_400 = arith.constant 7 : i32
    %broadcast_in_dim3A_401 = vector.broadcast %broadcast_in_dim3A_400 : i32 to vector<16xi32>
    %gt3A_402 = arith.cmpf ogt, %get3A_321, %max3A_399 : vector<16xf32>
    %gt3A_403 = arith.cmpf ogt, %get3A_321, %select_n3A_396 : vector<16xf32>
    %select_n3A_404 = arith.select %gt3A_403, %broadcast_in_dim3A_401, %select_n3A_393 : vector<16xi1>, vector<16xi32>
    %select_n3A_405 = arith.select %gt3A_402, %select_n3A_398, %select_n3A_404 : vector<16xi1>, vector<16xi32>
    %gt3A_406 = arith.cmpf ogt, %get3A_321, %max3A_399 : vector<16xf32>
    %max3A_407 = arith.maximumf %select_n3A_396, %get3A_321 : vector<16xf32>
    %select_n3A_408 = arith.select %gt3A_406, %max3A_399, %max3A_407 : vector<16xi1>, vector<16xf32>
    %gt3A_409 = arith.cmpf ogt, %get3A_321, %max3A_399 : vector<16xf32>
    %select_n3A_410 = arith.select %gt3A_409, %broadcast_in_dim3A_401, %select_n3A_398 : vector<16xi1>, vector<16xi32>
    %max3A_411 = arith.maximumf %max3A_399, %get3A_321 : vector<16xf32>
    %neg3A_412 = arith.constant 0.000000e+00 : f32
    %neg3A_413 = vector.broadcast %neg3A_412 : f32 to vector<16xf32>
    %neg3A_414 = arith.subf %neg3A_413, %max3A_411 : vector<16xf32>
    %exp3A_415 = math.exp %neg3A_414 : vector<16xf32>
    %add3A_416 = arith.constant 1.000000e+00 : f32
    %add3A_417 = vector.broadcast %add3A_416 : f32 to vector<16xf32>
    %add3A_418 = arith.addf %add3A_417, %exp3A_415 : vector<16xf32>
    %div3A_419 = arith.constant 1.000000e+00 : f32
    %div3A_420 = vector.broadcast %div3A_419 : f32 to vector<16xf32>
    %div3A_421 = arith.divf %div3A_420, %add3A_418 : vector<16xf32>
    %neg3A_422 = arith.constant 0.000000e+00 : f32
    %neg3A_423 = vector.broadcast %neg3A_422 : f32 to vector<16xf32>
    %neg3A_424 = arith.subf %neg3A_423, %select_n3A_408 : vector<16xf32>
    %exp3A_425 = math.exp %neg3A_424 : vector<16xf32>
    %add3A_426 = arith.constant 1.000000e+00 : f32
    %add3A_427 = vector.broadcast %add3A_426 : f32 to vector<16xf32>
    %add3A_428 = arith.addf %add3A_427, %exp3A_425 : vector<16xf32>
    %div3A_429 = arith.constant 1.000000e+00 : f32
    %div3A_430 = vector.broadcast %div3A_429 : f32 to vector<16xf32>
    %div3A_431 = arith.divf %div3A_430, %add3A_428 : vector<16xf32>
    %get3A_432 = arith.constant 8 : i32
    %get3A_433 = arith.index_cast %get3A_432 : i32 to index
    %get3A_434 = arith.constant 16 : index
    %get3A_435 = tpu.vector_load %arg6[%get3A_433, %get3A_434] {strides = array<i32>} : memref<32x128xf32, #tpu.memory_space<vmem>>, vector<1x16xf32>,
    %get3A_436 = vector.shape_cast %get3A_435 : vector<1x16xf32> to vector<16xf32>
    %get3A_437 = arith.constant 16 : i32
    %get3A_438 = arith.index_cast %get3A_437 : i32 to index
    %get3A_439 = arith.constant 16 : index
    %get3A_440 = tpu.vector_load %arg6[%get3A_438, %get3A_439] {strides = array<i32>} : memref<32x128xf32, #tpu.memory_space<vmem>>, vector<1x16xf32>,
    %get3A_441 = vector.shape_cast %get3A_440 : vector<1x16xf32> to vector<16xf32>
    %broadcast_in_dim3A_442 = arith.constant 1 : i32
    %broadcast_in_dim3A_443 = vector.broadcast %broadcast_in_dim3A_442 : i32 to vector<16xi32>
    %eq3A_444 = arith.cmpi eq, %select_n3A_410, %broadcast_in_dim3A_443 : vector<16xi32>
    %get3A_445 = arith.constant 9 : i32
    %get3A_446 = arith.index_cast %get3A_445 : i32 to index
    %get3A_447 = arith.constant 16 : index
    %get3A_448 = tpu.vector_load %arg6[%get3A_446, %get3A_447] {strides = array<i32>} : memref<32x128xf32, #tpu.memory_space<vmem>>, vector<1x16xf32>,
    %get3A_449 = vector.shape_cast %get3A_448 : vector<1x16xf32> to vector<16xf32>
    %select_n3A_450 = arith.select %eq3A_444, %get3A_449, %get3A_436 : vector<16xi1>, vector<16xf32>
    %eq3A_451 = arith.cmpi eq, %select_n3A_405, %broadcast_in_dim3A_443 : vector<16xi32>
    %get3A_452 = arith.constant 17 : i32
    %get3A_453 = arith.index_cast %get3A_452 : i32 to index
    %get3A_454 = arith.constant 16 : index
    %get3A_455 = tpu.vector_load %arg6[%get3A_453, %get3A_454] {strides = array<i32>} : memref<32x128xf32, #tpu.memory_space<vmem>>, vector<1x16xf32>,
    %get3A_456 = vector.shape_cast %get3A_455 : vector<1x16xf32> to vector<16xf32>
    %select_n3A_457 = arith.select %eq3A_451, %get3A_456, %get3A_441 : vector<16xi1>, vector<16xf32>
    %broadcast_in_dim3A_458 = arith.constant 2 : i32
    %broadcast_in_dim3A_459 = vector.broadcast %broadcast_in_dim3A_458 : i32 to vector<16xi32>
    %eq3A_460 = arith.cmpi eq, %select_n3A_410, %broadcast_in_dim3A_459 : vector<16xi32>
    %get3A_461 = arith.constant 10 : i32
    %get3A_462 = arith.index_cast %get3A_461 : i32 to index
    %get3A_463 = arith.constant 16 : index
    %get3A_464 = tpu.vector_load %arg6[%get3A_462, %get3A_463] {strides = array<i32>} : memref<32x128xf32, #tpu.memory_space<vmem>>, vector<1x16xf32>,
    %get3A_465 = vector.shape_cast %get3A_464 : vector<1x16xf32> to vector<16xf32>
    %select_n3A_466 = arith.select %eq3A_460, %get3A_465, %select_n3A_450 : vector<16xi1>, vector<16xf32>
    %eq3A_467 = arith.cmpi eq, %select_n3A_405, %broadcast_in_dim3A_459 : vector<16xi32>
    %get3A_468 = arith.constant 18 : i32
    %get3A_469 = arith.index_cast %get3A_468 : i32 to index
    %get3A_470 = arith.constant 16 : index
    %get3A_471 = tpu.vector_load %arg6[%get3A_469, %get3A_470] {strides = array<i32>} : memref<32x128xf32, #tpu.memory_space<vmem>>, vector<1x16xf32>,
    %get3A_472 = vector.shape_cast %get3A_471 : vector<1x16xf32> to vector<16xf32>
    %select_n3A_473 = arith.select %eq3A_467, %get3A_472, %select_n3A_457 : vector<16xi1>, vector<16xf32>
    %broadcast_in_dim3A_474 = arith.constant 3 : i32
    %broadcast_in_dim3A_475 = vector.broadcast %broadcast_in_dim3A_474 : i32 to vector<16xi32>
    %eq3A_476 = arith.cmpi eq, %select_n3A_410, %broadcast_in_dim3A_475 : vector<16xi32>
    %get3A_477 = arith.constant 11 : i32
    %get3A_478 = arith.index_cast %get3A_477 : i32 to index
    %get3A_479 = arith.constant 16 : index
    %get3A_480 = tpu.vector_load %arg6[%get3A_478, %get3A_479] {strides = array<i32>} : memref<32x128xf32, #tpu.memory_space<vmem>>, vector<1x16xf32>,
    %get3A_481 = vector.shape_cast %get3A_480 : vector<1x16xf32> to vector<16xf32>
    %select_n3A_482 = arith.select %eq3A_476, %get3A_481, %select_n3A_466 : vector<16xi1>, vector<16xf32>
    %eq3A_483 = arith.cmpi eq, %select_n3A_405, %broadcast_in_dim3A_475 : vector<16xi32>
    %get3A_484 = arith.constant 19 : i32
    %get3A_485 = arith.index_cast %get3A_484 : i32 to index
    %get3A_486 = arith.constant 16 : index
    %get3A_487 = tpu.vector_load %arg6[%get3A_485, %get3A_486] {strides = array<i32>} : memref<32x128xf32, #tpu.memory_space<vmem>>, vector<1x16xf32>,
    %get3A_488 = vector.shape_cast %get3A_487 : vector<1x16xf32> to vector<16xf32>
    %select_n3A_489 = arith.select %eq3A_483, %get3A_488, %select_n3A_473 : vector<16xi1>, vector<16xf32>
    %broadcast_in_dim3A_490 = arith.constant 4 : i32
    %broadcast_in_dim3A_491 = vector.broadcast %broadcast_in_dim3A_490 : i32 to vector<16xi32>
    %eq3A_492 = arith.cmpi eq, %select_n3A_410, %broadcast_in_dim3A_491 : vector<16xi32>
    %get3A_493 = arith.constant 12 : i32
    %get3A_494 = arith.index_cast %get3A_493 : i32 to index
    %get3A_495 = arith.constant 16 : index
    %get3A_496 = tpu.vector_load %arg6[%get3A_494, %get3A_495] {strides = array<i32>} : memref<32x128xf32, #tpu.memory_space<vmem>>, vector<1x16xf32>,
    %get3A_497 = vector.shape_cast %get3A_496 : vector<1x16xf32> to vector<16xf32>
    %select_n3A_498 = arith.select %eq3A_492, %get3A_497, %select_n3A_482 : vector<16xi1>, vector<16xf32>
    %eq3A_499 = arith.cmpi eq, %select_n3A_405, %broadcast_in_dim3A_491 : vector<16xi32>
    %get3A_500 = arith.constant 20 : i32
    %get3A_501 = arith.index_cast %get3A_500 : i32 to index
    %get3A_502 = arith.constant 16 : index
    %get3A_503 = tpu.vector_load %arg6[%get3A_501, %get3A_502] {strides = array<i32>} : memref<32x128xf32, #tpu.memory_space<vmem>>, vector<1x16xf32>,
    %get3A_504 = vector.shape_cast %get3A_503 : vector<1x16xf32> to vector<16xf32>
    %select_n3A_505 = arith.select %eq3A_499, %get3A_504, %select_n3A_489 : vector<16xi1>, vector<16xf32>
    %broadcast_in_dim3A_506 = arith.constant 5 : i32
    %broadcast_in_dim3A_507 = vector.broadcast %broadcast_in_dim3A_506 : i32 to vector<16xi32>
    %eq3A_508 = arith.cmpi eq, %select_n3A_410, %broadcast_in_dim3A_507 : vector<16xi32>
    %get3A_509 = arith.constant 13 : i32
    %get3A_510 = arith.index_cast %get3A_509 : i32 to index
    %get3A_511 = arith.constant 16 : index
    %get3A_512 = tpu.vector_load %arg6[%get3A_510, %get3A_511] {strides = array<i32>} : memref<32x128xf32, #tpu.memory_space<vmem>>, vector<1x16xf32>,
    %get3A_513 = vector.shape_cast %get3A_512 : vector<1x16xf32> to vector<16xf32>
    %select_n3A_514 = arith.select %eq3A_508, %get3A_513, %select_n3A_498 : vector<16xi1>, vector<16xf32>
    %eq3A_515 = arith.cmpi eq, %select_n3A_405, %broadcast_in_dim3A_507 : vector<16xi32>
    %get3A_516 = arith.constant 21 : i32
    %get3A_517 = arith.index_cast %get3A_516 : i32 to index
    %get3A_518 = arith.constant 16 : index
    %get3A_519 = tpu.vector_load %arg6[%get3A_517, %get3A_518] {strides = array<i32>} : memref<32x128xf32, #tpu.memory_space<vmem>>, vector<1x16xf32>,
    %get3A_520 = vector.shape_cast %get3A_519 : vector<1x16xf32> to vector<16xf32>
    %select_n3A_521 = arith.select %eq3A_515, %get3A_520, %select_n3A_505 : vector<16xi1>, vector<16xf32>
    %broadcast_in_dim3A_522 = arith.constant 6 : i32
    %broadcast_in_dim3A_523 = vector.broadcast %broadcast_in_dim3A_522 : i32 to vector<16xi32>
    %eq3A_524 = arith.cmpi eq, %select_n3A_410, %broadcast_in_dim3A_523 : vector<16xi32>
    %get3A_525 = arith.constant 14 : i32
    %get3A_526 = arith.index_cast %get3A_525 : i32 to index
    %get3A_527 = arith.constant 16 : index
    %get3A_528 = tpu.vector_load %arg6[%get3A_526, %get3A_527] {strides = array<i32>} : memref<32x128xf32, #tpu.memory_space<vmem>>, vector<1x16xf32>,
    %get3A_529 = vector.shape_cast %get3A_528 : vector<1x16xf32> to vector<16xf32>
    %select_n3A_530 = arith.select %eq3A_524, %get3A_529, %select_n3A_514 : vector<16xi1>, vector<16xf32>
    %eq3A_531 = arith.cmpi eq, %select_n3A_405, %broadcast_in_dim3A_523 : vector<16xi32>
    %get3A_532 = arith.constant 22 : i32
    %get3A_533 = arith.index_cast %get3A_532 : i32 to index
    %get3A_534 = arith.constant 16 : index
    %get3A_535 = tpu.vector_load %arg6[%get3A_533, %get3A_534] {strides = array<i32>} : memref<32x128xf32, #tpu.memory_space<vmem>>, vector<1x16xf32>,
    %get3A_536 = vector.shape_cast %get3A_535 : vector<1x16xf32> to vector<16xf32>
    %select_n3A_537 = arith.select %eq3A_531, %get3A_536, %select_n3A_521 : vector<16xi1>, vector<16xf32>
    %broadcast_in_dim3A_538 = arith.constant 7 : i32
    %broadcast_in_dim3A_539 = vector.broadcast %broadcast_in_dim3A_538 : i32 to vector<16xi32>
    %eq3A_540 = arith.cmpi eq, %select_n3A_410, %broadcast_in_dim3A_539 : vector<16xi32>
    %get3A_541 = arith.constant 15 : i32
    %get3A_542 = arith.index_cast %get3A_541 : i32 to index
    %get3A_543 = arith.constant 16 : index
    %get3A_544 = tpu.vector_load %arg6[%get3A_542, %get3A_543] {strides = array<i32>} : memref<32x128xf32, #tpu.memory_space<vmem>>, vector<1x16xf32>,
    %get3A_545 = vector.shape_cast %get3A_544 : vector<1x16xf32> to vector<16xf32>
    %select_n3A_546 = arith.select %eq3A_540, %get3A_545, %select_n3A_530 : vector<16xi1>, vector<16xf32>
    %eq3A_547 = arith.cmpi eq, %select_n3A_405, %broadcast_in_dim3A_539 : vector<16xi32>
    %get3A_548 = arith.constant 23 : i32
    %get3A_549 = arith.index_cast %get3A_548 : i32 to index
    %get3A_550 = arith.constant 16 : index
    %get3A_551 = tpu.vector_load %arg6[%get3A_549, %get3A_550] {strides = array<i32>} : memref<32x128xf32, #tpu.memory_space<vmem>>, vector<1x16xf32>,
    %get3A_552 = vector.shape_cast %get3A_551 : vector<1x16xf32> to vector<16xf32>
    %select_n3A_553 = arith.select %eq3A_547, %get3A_552, %select_n3A_537 : vector<16xi1>, vector<16xf32>
    %mul3A_554 = arith.mulf %div3A_421, %select_n3A_546 : vector<16xf32>
    %mul3A_555 = arith.mulf %div3A_431, %select_n3A_553 : vector<16xf32>
    %add3A_556 = arith.addf %mul3A_554, %mul3A_555 : vector<16xf32>
    %add3A_557 = arith.addf %div3A_421, %div3A_431 : vector<16xf32>
    %div3A_558 = arith.divf %add3A_556, %add3A_557 : vector<16xf32>
    %swap3A_559 = arith.constant 16 : index
    %swap3A_560 = tpu.vector_load %arg7[%swap3A_559] {strides = array<i32>} : memref<128xf32, #tpu.memory_space<vmem>>, vector<16xf32>,
    %swap3A_561 = vector.shape_cast %swap3A_560 : vector<16xf32> to vector<16xf32>
    %swap3A_562 = vector.shape_cast %div3A_558 : vector<16xf32> to vector<16xf32>
    tpu.vector_store %arg7[%swap3A_559], %swap3A_562 {strides = array<i32>} : memref<128xf32, #tpu.memory_space<vmem>>, vector<16xf32>,
    %swap3A_563 = arith.constant 16 : index
    %swap3A_564 = tpu.vector_load %arg8[%swap3A_563] {strides = array<i32>} : memref<128xi32, #tpu.memory_space<vmem>>, vector<16xi32>,
    %swap3A_565 = vector.shape_cast %swap3A_564 : vector<16xi32> to vector<16xi32>
    %swap3A_566 = vector.shape_cast %select_n3A_410 : vector<16xi32> to vector<16xi32>
    tpu.vector_store %arg8[%swap3A_563], %swap3A_566 {strides = array<i32>} : memref<128xi32, #tpu.memory_space<vmem>>, vector<16xi32>,
    %swap3A_567 = arith.constant 16 : index
    %swap3A_568 = tpu.vector_load %arg9[%swap3A_567] {strides = array<i32>} : memref<128xi32, #tpu.memory_space<vmem>>, vector<16xi32>,
    %swap3A_569 = vector.shape_cast %swap3A_568 : vector<16xi32> to vector<16xi32>
    %swap3A_570 = vector.shape_cast %select_n3A_405 : vector<16xi32> to vector<16xi32>
    tpu.vector_store %arg9[%swap3A_567], %swap3A_570 {strides = array<i32>} : memref<128xi32, #tpu.memory_space<vmem>>, vector<16xi32>,
    %get3A_571 = arith.constant 0 : i32
    %get3A_572 = arith.index_cast %get3A_571 : i32 to index
    %get3A_573 = arith.constant 32 : index
    %get3A_574 = tpu.vector_load %arg6[%get3A_572, %get3A_573] {strides = array<i32>} : memref<32x128xf32, #tpu.memory_space<vmem>>, vector<1x16xf32>,
    %get3A_575 = vector.shape_cast %get3A_574 : vector<1x16xf32> to vector<16xf32>
    %get3A_576 = arith.constant 1 : i32
    %get3A_577 = arith.index_cast %get3A_576 : i32 to index
    %get3A_578 = arith.constant 32 : index
    %get3A_579 = tpu.vector_load %arg6[%get3A_577, %get3A_578] {strides = array<i32>} : memref<32x128xf32, #tpu.memory_space<vmem>>, vector<1x16xf32>,
    %get3A_580 = vector.shape_cast %get3A_579 : vector<1x16xf32> to vector<16xf32>
    %get3A_581 = arith.constant 2 : i32
    %get3A_582 = arith.index_cast %get3A_581 : i32 to index
    %get3A_583 = arith.constant 32 : index
    %get3A_584 = tpu.vector_load %arg6[%get3A_582, %get3A_583] {strides = array<i32>} : memref<32x128xf32, #tpu.memory_space<vmem>>, vector<1x16xf32>,
    %get3A_585 = vector.shape_cast %get3A_584 : vector<1x16xf32> to vector<16xf32>
    %get3A_586 = arith.constant 3 : i32
    %get3A_587 = arith.index_cast %get3A_586 : i32 to index
    %get3A_588 = arith.constant 32 : index
    %get3A_589 = tpu.vector_load %arg6[%get3A_587, %get3A_588] {strides = array<i32>} : memref<32x128xf32, #tpu.memory_space<vmem>>, vector<1x16xf32>,
    %get3A_590 = vector.shape_cast %get3A_589 : vector<1x16xf32> to vector<16xf32>
    %get3A_591 = arith.constant 4 : i32
    %get3A_592 = arith.index_cast %get3A_591 : i32 to index
    %get3A_593 = arith.constant 32 : index
    %get3A_594 = tpu.vector_load %arg6[%get3A_592, %get3A_593] {strides = array<i32>} : memref<32x128xf32, #tpu.memory_space<vmem>>, vector<1x16xf32>,
    %get3A_595 = vector.shape_cast %get3A_594 : vector<1x16xf32> to vector<16xf32>
    %get3A_596 = arith.constant 5 : i32
    %get3A_597 = arith.index_cast %get3A_596 : i32 to index
    %get3A_598 = arith.constant 32 : index
    %get3A_599 = tpu.vector_load %arg6[%get3A_597, %get3A_598] {strides = array<i32>} : memref<32x128xf32, #tpu.memory_space<vmem>>, vector<1x16xf32>,
    %get3A_600 = vector.shape_cast %get3A_599 : vector<1x16xf32> to vector<16xf32>
    %get3A_601 = arith.constant 6 : i32
    %get3A_602 = arith.index_cast %get3A_601 : i32 to index
    %get3A_603 = arith.constant 32 : index
    %get3A_604 = tpu.vector_load %arg6[%get3A_602, %get3A_603] {strides = array<i32>} : memref<32x128xf32, #tpu.memory_space<vmem>>, vector<1x16xf32>,
    %get3A_605 = vector.shape_cast %get3A_604 : vector<1x16xf32> to vector<16xf32>
    %get3A_606 = arith.constant 7 : i32
    %get3A_607 = arith.index_cast %get3A_606 : i32 to index
    %get3A_608 = arith.constant 32 : index
    %get3A_609 = tpu.vector_load %arg6[%get3A_607, %get3A_608] {strides = array<i32>} : memref<32x128xf32, #tpu.memory_space<vmem>>, vector<1x16xf32>,
    %get3A_610 = vector.shape_cast %get3A_609 : vector<1x16xf32> to vector<16xf32>
    %broadcast_in_dim3A_611 = arith.constant 0 : i32
    %broadcast_in_dim3A_612 = vector.broadcast %broadcast_in_dim3A_611 : i32 to vector<16xi32>
    %broadcast_in_dim3A_613 = arith.constant -1.000000e+30 : f32
    %broadcast_in_dim3A_614 = vector.broadcast %broadcast_in_dim3A_613 : f32 to vector<16xf32>
    %broadcast_in_dim3A_615 = arith.constant 0 : i32
    %broadcast_in_dim3A_616 = vector.broadcast %broadcast_in_dim3A_615 : i32 to vector<16xi32>
    %broadcast_in_dim3A_617 = arith.constant 1 : i32
    %broadcast_in_dim3A_618 = vector.broadcast %broadcast_in_dim3A_617 : i32 to vector<16xi32>
    %gt3A_619 = arith.cmpf ogt, %get3A_580, %get3A_575 : vector<16xf32>
    %gt3A_620 = arith.cmpf ogt, %get3A_580, %broadcast_in_dim3A_614 : vector<16xf32>
    %select_n3A_621 = arith.select %gt3A_620, %broadcast_in_dim3A_618, %broadcast_in_dim3A_616 : vector<16xi1>, vector<16xi32>
    %select_n3A_622 = arith.select %gt3A_619, %broadcast_in_dim3A_612, %select_n3A_621 : vector<16xi1>, vector<16xi32>
    %gt3A_623 = arith.cmpf ogt, %get3A_580, %get3A_575 : vector<16xf32>
    %max3A_624 = arith.maximumf %broadcast_in_dim3A_614, %get3A_580 : vector<16xf32>
    %select_n3A_625 = arith.select %gt3A_623, %get3A_575, %max3A_624 : vector<16xi1>, vector<16xf32>
    %gt3A_626 = arith.cmpf ogt, %get3A_580, %get3A_575 : vector<16xf32>
    %select_n3A_627 = arith.select %gt3A_626, %broadcast_in_dim3A_618, %broadcast_in_dim3A_612 : vector<16xi1>, vector<16xi32>
    %max3A_628 = arith.maximumf %get3A_575, %get3A_580 : vector<16xf32>
    %broadcast_in_dim3A_629 = arith.constant 2 : i32
    %broadcast_in_dim3A_630 = vector.broadcast %broadcast_in_dim3A_629 : i32 to vector<16xi32>
    %gt3A_631 = arith.cmpf ogt, %get3A_585, %max3A_628 : vector<16xf32>
    %gt3A_632 = arith.cmpf ogt, %get3A_585, %select_n3A_625 : vector<16xf32>
    %select_n3A_633 = arith.select %gt3A_632, %broadcast_in_dim3A_630, %select_n3A_622 : vector<16xi1>, vector<16xi32>
    %select_n3A_634 = arith.select %gt3A_631, %select_n3A_627, %select_n3A_633 : vector<16xi1>, vector<16xi32>
    %gt3A_635 = arith.cmpf ogt, %get3A_585, %max3A_628 : vector<16xf32>
    %max3A_636 = arith.maximumf %select_n3A_625, %get3A_585 : vector<16xf32>
    %select_n3A_637 = arith.select %gt3A_635, %max3A_628, %max3A_636 : vector<16xi1>, vector<16xf32>
    %gt3A_638 = arith.cmpf ogt, %get3A_585, %max3A_628 : vector<16xf32>
    %select_n3A_639 = arith.select %gt3A_638, %broadcast_in_dim3A_630, %select_n3A_627 : vector<16xi1>, vector<16xi32>
    %max3A_640 = arith.maximumf %max3A_628, %get3A_585 : vector<16xf32>
    %broadcast_in_dim3A_641 = arith.constant 3 : i32
    %broadcast_in_dim3A_642 = vector.broadcast %broadcast_in_dim3A_641 : i32 to vector<16xi32>
    %gt3A_643 = arith.cmpf ogt, %get3A_590, %max3A_640 : vector<16xf32>
    %gt3A_644 = arith.cmpf ogt, %get3A_590, %select_n3A_637 : vector<16xf32>
    %select_n3A_645 = arith.select %gt3A_644, %broadcast_in_dim3A_642, %select_n3A_634 : vector<16xi1>, vector<16xi32>
    %select_n3A_646 = arith.select %gt3A_643, %select_n3A_639, %select_n3A_645 : vector<16xi1>, vector<16xi32>
    %gt3A_647 = arith.cmpf ogt, %get3A_590, %max3A_640 : vector<16xf32>
    %max3A_648 = arith.maximumf %select_n3A_637, %get3A_590 : vector<16xf32>
    %select_n3A_649 = arith.select %gt3A_647, %max3A_640, %max3A_648 : vector<16xi1>, vector<16xf32>
    %gt3A_650 = arith.cmpf ogt, %get3A_590, %max3A_640 : vector<16xf32>
    %select_n3A_651 = arith.select %gt3A_650, %broadcast_in_dim3A_642, %select_n3A_639 : vector<16xi1>, vector<16xi32>
    %max3A_652 = arith.maximumf %max3A_640, %get3A_590 : vector<16xf32>
    %broadcast_in_dim3A_653 = arith.constant 4 : i32
    %broadcast_in_dim3A_654 = vector.broadcast %broadcast_in_dim3A_653 : i32 to vector<16xi32>
    %gt3A_655 = arith.cmpf ogt, %get3A_595, %max3A_652 : vector<16xf32>
    %gt3A_656 = arith.cmpf ogt, %get3A_595, %select_n3A_649 : vector<16xf32>
    %select_n3A_657 = arith.select %gt3A_656, %broadcast_in_dim3A_654, %select_n3A_646 : vector<16xi1>, vector<16xi32>
    %select_n3A_658 = arith.select %gt3A_655, %select_n3A_651, %select_n3A_657 : vector<16xi1>, vector<16xi32>
    %gt3A_659 = arith.cmpf ogt, %get3A_595, %max3A_652 : vector<16xf32>
    %max3A_660 = arith.maximumf %select_n3A_649, %get3A_595 : vector<16xf32>
    %select_n3A_661 = arith.select %gt3A_659, %max3A_652, %max3A_660 : vector<16xi1>, vector<16xf32>
    %gt3A_662 = arith.cmpf ogt, %get3A_595, %max3A_652 : vector<16xf32>
    %select_n3A_663 = arith.select %gt3A_662, %broadcast_in_dim3A_654, %select_n3A_651 : vector<16xi1>, vector<16xi32>
    %max3A_664 = arith.maximumf %max3A_652, %get3A_595 : vector<16xf32>
    %broadcast_in_dim3A_665 = arith.constant 5 : i32
    %broadcast_in_dim3A_666 = vector.broadcast %broadcast_in_dim3A_665 : i32 to vector<16xi32>
    %gt3A_667 = arith.cmpf ogt, %get3A_600, %max3A_664 : vector<16xf32>
    %gt3A_668 = arith.cmpf ogt, %get3A_600, %select_n3A_661 : vector<16xf32>
    %select_n3A_669 = arith.select %gt3A_668, %broadcast_in_dim3A_666, %select_n3A_658 : vector<16xi1>, vector<16xi32>
    %select_n3A_670 = arith.select %gt3A_667, %select_n3A_663, %select_n3A_669 : vector<16xi1>, vector<16xi32>
    %gt3A_671 = arith.cmpf ogt, %get3A_600, %max3A_664 : vector<16xf32>
    %max3A_672 = arith.maximumf %select_n3A_661, %get3A_600 : vector<16xf32>
    %select_n3A_673 = arith.select %gt3A_671, %max3A_664, %max3A_672 : vector<16xi1>, vector<16xf32>
    %gt3A_674 = arith.cmpf ogt, %get3A_600, %max3A_664 : vector<16xf32>
    %select_n3A_675 = arith.select %gt3A_674, %broadcast_in_dim3A_666, %select_n3A_663 : vector<16xi1>, vector<16xi32>
    %max3A_676 = arith.maximumf %max3A_664, %get3A_600 : vector<16xf32>
    %broadcast_in_dim3A_677 = arith.constant 6 : i32
    %broadcast_in_dim3A_678 = vector.broadcast %broadcast_in_dim3A_677 : i32 to vector<16xi32>
    %gt3A_679 = arith.cmpf ogt, %get3A_605, %max3A_676 : vector<16xf32>
    %gt3A_680 = arith.cmpf ogt, %get3A_605, %select_n3A_673 : vector<16xf32>
    %select_n3A_681 = arith.select %gt3A_680, %broadcast_in_dim3A_678, %select_n3A_670 : vector<16xi1>, vector<16xi32>
    %select_n3A_682 = arith.select %gt3A_679, %select_n3A_675, %select_n3A_681 : vector<16xi1>, vector<16xi32>
    %gt3A_683 = arith.cmpf ogt, %get3A_605, %max3A_676 : vector<16xf32>
    %max3A_684 = arith.maximumf %select_n3A_673, %get3A_605 : vector<16xf32>
    %select_n3A_685 = arith.select %gt3A_683, %max3A_676, %max3A_684 : vector<16xi1>, vector<16xf32>
    %gt3A_686 = arith.cmpf ogt, %get3A_605, %max3A_676 : vector<16xf32>
    %select_n3A_687 = arith.select %gt3A_686, %broadcast_in_dim3A_678, %select_n3A_675 : vector<16xi1>, vector<16xi32>
    %max3A_688 = arith.maximumf %max3A_676, %get3A_605 : vector<16xf32>
    %broadcast_in_dim3A_689 = arith.constant 7 : i32
    %broadcast_in_dim3A_690 = vector.broadcast %broadcast_in_dim3A_689 : i32 to vector<16xi32>
    %gt3A_691 = arith.cmpf ogt, %get3A_610, %max3A_688 : vector<16xf32>
    %gt3A_692 = arith.cmpf ogt, %get3A_610, %select_n3A_685 : vector<16xf32>
    %select_n3A_693 = arith.select %gt3A_692, %broadcast_in_dim3A_690, %select_n3A_682 : vector<16xi1>, vector<16xi32>
    %select_n3A_694 = arith.select %gt3A_691, %select_n3A_687, %select_n3A_693 : vector<16xi1>, vector<16xi32>
    %gt3A_695 = arith.cmpf ogt, %get3A_610, %max3A_688 : vector<16xf32>
    %max3A_696 = arith.maximumf %select_n3A_685, %get3A_610 : vector<16xf32>
    %select_n3A_697 = arith.select %gt3A_695, %max3A_688, %max3A_696 : vector<16xi1>, vector<16xf32>
    %gt3A_698 = arith.cmpf ogt, %get3A_610, %max3A_688 : vector<16xf32>
    %select_n3A_699 = arith.select %gt3A_698, %broadcast_in_dim3A_690, %select_n3A_687 : vector<16xi1>, vector<16xi32>
    %max3A_700 = arith.maximumf %max3A_688, %get3A_610 : vector<16xf32>
    %neg3A_701 = arith.constant 0.000000e+00 : f32
    %neg3A_702 = vector.broadcast %neg3A_701 : f32 to vector<16xf32>
    %neg3A_703 = arith.subf %neg3A_702, %max3A_700 : vector<16xf32>
    %exp3A_704 = math.exp %neg3A_703 : vector<16xf32>
    %add3A_705 = arith.constant 1.000000e+00 : f32
    %add3A_706 = vector.broadcast %add3A_705 : f32 to vector<16xf32>
    %add3A_707 = arith.addf %add3A_706, %exp3A_704 : vector<16xf32>
    %div3A_708 = arith.constant 1.000000e+00 : f32
    %div3A_709 = vector.broadcast %div3A_708 : f32 to vector<16xf32>
    %div3A_710 = arith.divf %div3A_709, %add3A_707 : vector<16xf32>
    %neg3A_711 = arith.constant 0.000000e+00 : f32
    %neg3A_712 = vector.broadcast %neg3A_711 : f32 to vector<16xf32>
    %neg3A_713 = arith.subf %neg3A_712, %select_n3A_697 : vector<16xf32>
    %exp3A_714 = math.exp %neg3A_713 : vector<16xf32>
    %add3A_715 = arith.constant 1.000000e+00 : f32
    %add3A_716 = vector.broadcast %add3A_715 : f32 to vector<16xf32>
    %add3A_717 = arith.addf %add3A_716, %exp3A_714 : vector<16xf32>
    %div3A_718 = arith.constant 1.000000e+00 : f32
    %div3A_719 = vector.broadcast %div3A_718 : f32 to vector<16xf32>
    %div3A_720 = arith.divf %div3A_719, %add3A_717 : vector<16xf32>
    %get3A_721 = arith.constant 8 : i32
    %get3A_722 = arith.index_cast %get3A_721 : i32 to index
    %get3A_723 = arith.constant 32 : index
    %get3A_724 = tpu.vector_load %arg6[%get3A_722, %get3A_723] {strides = array<i32>} : memref<32x128xf32, #tpu.memory_space<vmem>>, vector<1x16xf32>,
    %get3A_725 = vector.shape_cast %get3A_724 : vector<1x16xf32> to vector<16xf32>
    %get3A_726 = arith.constant 16 : i32
    %get3A_727 = arith.index_cast %get3A_726 : i32 to index
    %get3A_728 = arith.constant 32 : index
    %get3A_729 = tpu.vector_load %arg6[%get3A_727, %get3A_728] {strides = array<i32>} : memref<32x128xf32, #tpu.memory_space<vmem>>, vector<1x16xf32>,
    %get3A_730 = vector.shape_cast %get3A_729 : vector<1x16xf32> to vector<16xf32>
    %broadcast_in_dim3A_731 = arith.constant 1 : i32
    %broadcast_in_dim3A_732 = vector.broadcast %broadcast_in_dim3A_731 : i32 to vector<16xi32>
    %eq3A_733 = arith.cmpi eq, %select_n3A_699, %broadcast_in_dim3A_732 : vector<16xi32>
    %get3A_734 = arith.constant 9 : i32
    %get3A_735 = arith.index_cast %get3A_734 : i32 to index
    %get3A_736 = arith.constant 32 : index
    %get3A_737 = tpu.vector_load %arg6[%get3A_735, %get3A_736] {strides = array<i32>} : memref<32x128xf32, #tpu.memory_space<vmem>>, vector<1x16xf32>,
    %get3A_738 = vector.shape_cast %get3A_737 : vector<1x16xf32> to vector<16xf32>
    %select_n3A_739 = arith.select %eq3A_733, %get3A_738, %get3A_725 : vector<16xi1>, vector<16xf32>
    %eq3A_740 = arith.cmpi eq, %select_n3A_694, %broadcast_in_dim3A_732 : vector<16xi32>
    %get3A_741 = arith.constant 17 : i32
    %get3A_742 = arith.index_cast %get3A_741 : i32 to index
    %get3A_743 = arith.constant 32 : index
    %get3A_744 = tpu.vector_load %arg6[%get3A_742, %get3A_743] {strides = array<i32>} : memref<32x128xf32, #tpu.memory_space<vmem>>, vector<1x16xf32>,
    %get3A_745 = vector.shape_cast %get3A_744 : vector<1x16xf32> to vector<16xf32>
    %select_n3A_746 = arith.select %eq3A_740, %get3A_745, %get3A_730 : vector<16xi1>, vector<16xf32>
    %broadcast_in_dim3A_747 = arith.constant 2 : i32
    %broadcast_in_dim3A_748 = vector.broadcast %broadcast_in_dim3A_747 : i32 to vector<16xi32>
    %eq3A_749 = arith.cmpi eq, %select_n3A_699, %broadcast_in_dim3A_748 : vector<16xi32>
    %get3A_750 = arith.constant 10 : i32
    %get3A_751 = arith.index_cast %get3A_750 : i32 to index
    %get3A_752 = arith.constant 32 : index
    %get3A_753 = tpu.vector_load %arg6[%get3A_751, %get3A_752] {strides = array<i32>} : memref<32x128xf32, #tpu.memory_space<vmem>>, vector<1x16xf32>,
    %get3A_754 = vector.shape_cast %get3A_753 : vector<1x16xf32> to vector<16xf32>
    %select_n3A_755 = arith.select %eq3A_749, %get3A_754, %select_n3A_739 : vector<16xi1>, vector<16xf32>
    %eq3A_756 = arith.cmpi eq, %select_n3A_694, %broadcast_in_dim3A_748 : vector<16xi32>
    %get3A_757 = arith.constant 18 : i32
    %get3A_758 = arith.index_cast %get3A_757 : i32 to index
    %get3A_759 = arith.constant 32 : index
    %get3A_760 = tpu.vector_load %arg6[%get3A_758, %get3A_759] {strides = array<i32>} : memref<32x128xf32, #tpu.memory_space<vmem>>, vector<1x16xf32>,
    %get3A_761 = vector.shape_cast %get3A_760 : vector<1x16xf32> to vector<16xf32>
    %select_n3A_762 = arith.select %eq3A_756, %get3A_761, %select_n3A_746 : vector<16xi1>, vector<16xf32>
    %broadcast_in_dim3A_763 = arith.constant 3 : i32
    %broadcast_in_dim3A_764 = vector.broadcast %broadcast_in_dim3A_763 : i32 to vector<16xi32>
    %eq3A_765 = arith.cmpi eq, %select_n3A_699, %broadcast_in_dim3A_764 : vector<16xi32>
    %get3A_766 = arith.constant 11 : i32
    %get3A_767 = arith.index_cast %get3A_766 : i32 to index
    %get3A_768 = arith.constant 32 : index
    %get3A_769 = tpu.vector_load %arg6[%get3A_767, %get3A_768] {strides = array<i32>} : memref<32x128xf32, #tpu.memory_space<vmem>>, vector<1x16xf32>,
    %get3A_770 = vector.shape_cast %get3A_769 : vector<1x16xf32> to vector<16xf32>
    %select_n3A_771 = arith.select %eq3A_765, %get3A_770, %select_n3A_755 : vector<16xi1>, vector<16xf32>
    %eq3A_772 = arith.cmpi eq, %select_n3A_694, %broadcast_in_dim3A_764 : vector<16xi32>
    %get3A_773 = arith.constant 19 : i32
    %get3A_774 = arith.index_cast %get3A_773 : i32 to index
    %get3A_775 = arith.constant 32 : index
    %get3A_776 = tpu.vector_load %arg6[%get3A_774, %get3A_775] {strides = array<i32>} : memref<32x128xf32, #tpu.memory_space<vmem>>, vector<1x16xf32>,
    %get3A_777 = vector.shape_cast %get3A_776 : vector<1x16xf32> to vector<16xf32>
    %select_n3A_778 = arith.select %eq3A_772, %get3A_777, %select_n3A_762 : vector<16xi1>, vector<16xf32>
    %broadcast_in_dim3A_779 = arith.constant 4 : i32
    %broadcast_in_dim3A_780 = vector.broadcast %broadcast_in_dim3A_779 : i32 to vector<16xi32>
    %eq3A_781 = arith.cmpi eq, %select_n3A_699, %broadcast_in_dim3A_780 : vector<16xi32>
    %get3A_782 = arith.constant 12 : i32
    %get3A_783 = arith.index_cast %get3A_782 : i32 to index
    %get3A_784 = arith.constant 32 : index
    %get3A_785 = tpu.vector_load %arg6[%get3A_783, %get3A_784] {strides = array<i32>} : memref<32x128xf32, #tpu.memory_space<vmem>>, vector<1x16xf32>,
    %get3A_786 = vector.shape_cast %get3A_785 : vector<1x16xf32> to vector<16xf32>
    %select_n3A_787 = arith.select %eq3A_781, %get3A_786, %select_n3A_771 : vector<16xi1>, vector<16xf32>
    %eq3A_788 = arith.cmpi eq, %select_n3A_694, %broadcast_in_dim3A_780 : vector<16xi32>
    %get3A_789 = arith.constant 20 : i32
    %get3A_790 = arith.index_cast %get3A_789 : i32 to index
    %get3A_791 = arith.constant 32 : index
    %get3A_792 = tpu.vector_load %arg6[%get3A_790, %get3A_791] {strides = array<i32>} : memref<32x128xf32, #tpu.memory_space<vmem>>, vector<1x16xf32>,
    %get3A_793 = vector.shape_cast %get3A_792 : vector<1x16xf32> to vector<16xf32>
    %select_n3A_794 = arith.select %eq3A_788, %get3A_793, %select_n3A_778 : vector<16xi1>, vector<16xf32>
    %broadcast_in_dim3A_795 = arith.constant 5 : i32
    %broadcast_in_dim3A_796 = vector.broadcast %broadcast_in_dim3A_795 : i32 to vector<16xi32>
    %eq3A_797 = arith.cmpi eq, %select_n3A_699, %broadcast_in_dim3A_796 : vector<16xi32>
    %get3A_798 = arith.constant 13 : i32
    %get3A_799 = arith.index_cast %get3A_798 : i32 to index
    %get3A_800 = arith.constant 32 : index
    %get3A_801 = tpu.vector_load %arg6[%get3A_799, %get3A_800] {strides = array<i32>} : memref<32x128xf32, #tpu.memory_space<vmem>>, vector<1x16xf32>,
    %get3A_802 = vector.shape_cast %get3A_801 : vector<1x16xf32> to vector<16xf32>
    %select_n3A_803 = arith.select %eq3A_797, %get3A_802, %select_n3A_787 : vector<16xi1>, vector<16xf32>
    %eq3A_804 = arith.cmpi eq, %select_n3A_694, %broadcast_in_dim3A_796 : vector<16xi32>
    %get3A_805 = arith.constant 21 : i32
    %get3A_806 = arith.index_cast %get3A_805 : i32 to index
    %get3A_807 = arith.constant 32 : index
    %get3A_808 = tpu.vector_load %arg6[%get3A_806, %get3A_807] {strides = array<i32>} : memref<32x128xf32, #tpu.memory_space<vmem>>, vector<1x16xf32>,
    %get3A_809 = vector.shape_cast %get3A_808 : vector<1x16xf32> to vector<16xf32>
    %select_n3A_810 = arith.select %eq3A_804, %get3A_809, %select_n3A_794 : vector<16xi1>, vector<16xf32>
    %broadcast_in_dim3A_811 = arith.constant 6 : i32
    %broadcast_in_dim3A_812 = vector.broadcast %broadcast_in_dim3A_811 : i32 to vector<16xi32>
    %eq3A_813 = arith.cmpi eq, %select_n3A_699, %broadcast_in_dim3A_812 : vector<16xi32>
    %get3A_814 = arith.constant 14 : i32
    %get3A_815 = arith.index_cast %get3A_814 : i32 to index
    %get3A_816 = arith.constant 32 : index
    %get3A_817 = tpu.vector_load %arg6[%get3A_815, %get3A_816] {strides = array<i32>} : memref<32x128xf32, #tpu.memory_space<vmem>>, vector<1x16xf32>,
    %get3A_818 = vector.shape_cast %get3A_817 : vector<1x16xf32> to vector<16xf32>
    %select_n3A_819 = arith.select %eq3A_813, %get3A_818, %select_n3A_803 : vector<16xi1>, vector<16xf32>
    %eq3A_820 = arith.cmpi eq, %select_n3A_694, %broadcast_in_dim3A_812 : vector<16xi32>
    %get3A_821 = arith.constant 22 : i32
    %get3A_822 = arith.index_cast %get3A_821 : i32 to index
    %get3A_823 = arith.constant 32 : index
    %get3A_824 = tpu.vector_load %arg6[%get3A_822, %get3A_823] {strides = array<i32>} : memref<32x128xf32, #tpu.memory_space<vmem>>, vector<1x16xf32>,
    %get3A_825 = vector.shape_cast %get3A_824 : vector<1x16xf32> to vector<16xf32>
    %select_n3A_826 = arith.select %eq3A_820, %get3A_825, %select_n3A_810 : vector<16xi1>, vector<16xf32>
    %broadcast_in_dim3A_827 = arith.constant 7 : i32
    %broadcast_in_dim3A_828 = vector.broadcast %broadcast_in_dim3A_827 : i32 to vector<16xi32>
    %eq3A_829 = arith.cmpi eq, %select_n3A_699, %broadcast_in_dim3A_828 : vector<16xi32>
    %get3A_830 = arith.constant 15 : i32
    %get3A_831 = arith.index_cast %get3A_830 : i32 to index
    %get3A_832 = arith.constant 32 : index
    %get3A_833 = tpu.vector_load %arg6[%get3A_831, %get3A_832] {strides = array<i32>} : memref<32x128xf32, #tpu.memory_space<vmem>>, vector<1x16xf32>,
    %get3A_834 = vector.shape_cast %get3A_833 : vector<1x16xf32> to vector<16xf32>
    %select_n3A_835 = arith.select %eq3A_829, %get3A_834, %select_n3A_819 : vector<16xi1>, vector<16xf32>
    %eq3A_836 = arith.cmpi eq, %select_n3A_694, %broadcast_in_dim3A_828 : vector<16xi32>
    %get3A_837 = arith.constant 23 : i32
    %get3A_838 = arith.index_cast %get3A_837 : i32 to index
    %get3A_839 = arith.constant 32 : index
    %get3A_840 = tpu.vector_load %arg6[%get3A_838, %get3A_839] {strides = array<i32>} : memref<32x128xf32, #tpu.memory_space<vmem>>, vector<1x16xf32>,
    %get3A_841 = vector.shape_cast %get3A_840 : vector<1x16xf32> to vector<16xf32>
    %select_n3A_842 = arith.select %eq3A_836, %get3A_841, %select_n3A_826 : vector<16xi1>, vector<16xf32>
    %mul3A_843 = arith.mulf %div3A_710, %select_n3A_835 : vector<16xf32>
    %mul3A_844 = arith.mulf %div3A_720, %select_n3A_842 : vector<16xf32>
    %add3A_845 = arith.addf %mul3A_843, %mul3A_844 : vector<16xf32>
    %add3A_846 = arith.addf %div3A_710, %div3A_720 : vector<16xf32>
    %div3A_847 = arith.divf %add3A_845, %add3A_846 : vector<16xf32>
    %swap3A_848 = arith.constant 32 : index
    %swap3A_849 = tpu.vector_load %arg7[%swap3A_848] {strides = array<i32>} : memref<128xf32, #tpu.memory_space<vmem>>, vector<16xf32>,
    %swap3A_850 = vector.shape_cast %swap3A_849 : vector<16xf32> to vector<16xf32>
    %swap3A_851 = vector.shape_cast %div3A_847 : vector<16xf32> to vector<16xf32>
    tpu.vector_store %arg7[%swap3A_848], %swap3A_851 {strides = array<i32>} : memref<128xf32, #tpu.memory_space<vmem>>, vector<16xf32>,
    %swap3A_852 = arith.constant 32 : index
    %swap3A_853 = tpu.vector_load %arg8[%swap3A_852] {strides = array<i32>} : memref<128xi32, #tpu.memory_space<vmem>>, vector<16xi32>,
    %swap3A_854 = vector.shape_cast %swap3A_853 : vector<16xi32> to vector<16xi32>
    %swap3A_855 = vector.shape_cast %select_n3A_699 : vector<16xi32> to vector<16xi32>
    tpu.vector_store %arg8[%swap3A_852], %swap3A_855 {strides = array<i32>} : memref<128xi32, #tpu.memory_space<vmem>>, vector<16xi32>,
    %swap3A_856 = arith.constant 32 : index
    %swap3A_857 = tpu.vector_load %arg9[%swap3A_856] {strides = array<i32>} : memref<128xi32, #tpu.memory_space<vmem>>, vector<16xi32>,
    %swap3A_858 = vector.shape_cast %swap3A_857 : vector<16xi32> to vector<16xi32>
    %swap3A_859 = vector.shape_cast %select_n3A_694 : vector<16xi32> to vector<16xi32>
    tpu.vector_store %arg9[%swap3A_856], %swap3A_859 {strides = array<i32>} : memref<128xi32, #tpu.memory_space<vmem>>, vector<16xi32>,
    %get3A_860 = arith.constant 0 : i32
    %get3A_861 = arith.index_cast %get3A_860 : i32 to index
    %get3A_862 = arith.constant 48 : index
    %get3A_863 = tpu.vector_load %arg6[%get3A_861, %get3A_862] {strides = array<i32>} : memref<32x128xf32, #tpu.memory_space<vmem>>, vector<1x16xf32>,
    %get3A_864 = vector.shape_cast %get3A_863 : vector<1x16xf32> to vector<16xf32>
    %get3A_865 = arith.constant 1 : i32
    %get3A_866 = arith.index_cast %get3A_865 : i32 to index
    %get3A_867 = arith.constant 48 : index
    %get3A_868 = tpu.vector_load %arg6[%get3A_866, %get3A_867] {strides = array<i32>} : memref<32x128xf32, #tpu.memory_space<vmem>>, vector<1x16xf32>,
    %get3A_869 = vector.shape_cast %get3A_868 : vector<1x16xf32> to vector<16xf32>
    %get3A_870 = arith.constant 2 : i32
    %get3A_871 = arith.index_cast %get3A_870 : i32 to index
    %get3A_872 = arith.constant 48 : index
    %get3A_873 = tpu.vector_load %arg6[%get3A_871, %get3A_872] {strides = array<i32>} : memref<32x128xf32, #tpu.memory_space<vmem>>, vector<1x16xf32>,
    %get3A_874 = vector.shape_cast %get3A_873 : vector<1x16xf32> to vector<16xf32>
    %get3A_875 = arith.constant 3 : i32
    %get3A_876 = arith.index_cast %get3A_875 : i32 to index
    %get3A_877 = arith.constant 48 : index
    %get3A_878 = tpu.vector_load %arg6[%get3A_876, %get3A_877] {strides = array<i32>} : memref<32x128xf32, #tpu.memory_space<vmem>>, vector<1x16xf32>,
    %get3A_879 = vector.shape_cast %get3A_878 : vector<1x16xf32> to vector<16xf32>
    %get3A_880 = arith.constant 4 : i32
    %get3A_881 = arith.index_cast %get3A_880 : i32 to index
    %get3A_882 = arith.constant 48 : index
    %get3A_883 = tpu.vector_load %arg6[%get3A_881, %get3A_882] {strides = array<i32>} : memref<32x128xf32, #tpu.memory_space<vmem>>, vector<1x16xf32>,
    %get3A_884 = vector.shape_cast %get3A_883 : vector<1x16xf32> to vector<16xf32>
    %get3A_885 = arith.constant 5 : i32
    %get3A_886 = arith.index_cast %get3A_885 : i32 to index
    %get3A_887 = arith.constant 48 : index
    %get3A_888 = tpu.vector_load %arg6[%get3A_886, %get3A_887] {strides = array<i32>} : memref<32x128xf32, #tpu.memory_space<vmem>>, vector<1x16xf32>,
    %get3A_889 = vector.shape_cast %get3A_888 : vector<1x16xf32> to vector<16xf32>
    %get3A_890 = arith.constant 6 : i32
    %get3A_891 = arith.index_cast %get3A_890 : i32 to index
    %get3A_892 = arith.constant 48 : index
    %get3A_893 = tpu.vector_load %arg6[%get3A_891, %get3A_892] {strides = array<i32>} : memref<32x128xf32, #tpu.memory_space<vmem>>, vector<1x16xf32>,
    %get3A_894 = vector.shape_cast %get3A_893 : vector<1x16xf32> to vector<16xf32>
    %get3A_895 = arith.constant 7 : i32
    %get3A_896 = arith.index_cast %get3A_895 : i32 to index
    %get3A_897 = arith.constant 48 : index
    %get3A_898 = tpu.vector_load %arg6[%get3A_896, %get3A_897] {strides = array<i32>} : memref<32x128xf32, #tpu.memory_space<vmem>>, vector<1x16xf32>,
    %get3A_899 = vector.shape_cast %get3A_898 : vector<1x16xf32> to vector<16xf32>
    %broadcast_in_dim3A_900 = arith.constant 0 : i32
    %broadcast_in_dim3A_901 = vector.broadcast %broadcast_in_dim3A_900 : i32 to vector<16xi32>
    %broadcast_in_dim3A_902 = arith.constant -1.000000e+30 : f32
    %broadcast_in_dim3A_903 = vector.broadcast %broadcast_in_dim3A_902 : f32 to vector<16xf32>
    %broadcast_in_dim3A_904 = arith.constant 0 : i32
    %broadcast_in_dim3A_905 = vector.broadcast %broadcast_in_dim3A_904 : i32 to vector<16xi32>
    %broadcast_in_dim3A_906 = arith.constant 1 : i32
    %broadcast_in_dim3A_907 = vector.broadcast %broadcast_in_dim3A_906 : i32 to vector<16xi32>
    %gt3A_908 = arith.cmpf ogt, %get3A_869, %get3A_864 : vector<16xf32>
    %gt3A_909 = arith.cmpf ogt, %get3A_869, %broadcast_in_dim3A_903 : vector<16xf32>
    %select_n3A_910 = arith.select %gt3A_909, %broadcast_in_dim3A_907, %broadcast_in_dim3A_905 : vector<16xi1>, vector<16xi32>
    %select_n3A_911 = arith.select %gt3A_908, %broadcast_in_dim3A_901, %select_n3A_910 : vector<16xi1>, vector<16xi32>
    %gt3A_912 = arith.cmpf ogt, %get3A_869, %get3A_864 : vector<16xf32>
    %max3A_913 = arith.maximumf %broadcast_in_dim3A_903, %get3A_869 : vector<16xf32>
    %select_n3A_914 = arith.select %gt3A_912, %get3A_864, %max3A_913 : vector<16xi1>, vector<16xf32>
    %gt3A_915 = arith.cmpf ogt, %get3A_869, %get3A_864 : vector<16xf32>
    %select_n3A_916 = arith.select %gt3A_915, %broadcast_in_dim3A_907, %broadcast_in_dim3A_901 : vector<16xi1>, vector<16xi32>
    %max3A_917 = arith.maximumf %get3A_864, %get3A_869 : vector<16xf32>
    %broadcast_in_dim3A_918 = arith.constant 2 : i32
    %broadcast_in_dim3A_919 = vector.broadcast %broadcast_in_dim3A_918 : i32 to vector<16xi32>
    %gt3A_920 = arith.cmpf ogt, %get3A_874, %max3A_917 : vector<16xf32>
    %gt3A_921 = arith.cmpf ogt, %get3A_874, %select_n3A_914 : vector<16xf32>
    %select_n3A_922 = arith.select %gt3A_921, %broadcast_in_dim3A_919, %select_n3A_911 : vector<16xi1>, vector<16xi32>
    %select_n3A_923 = arith.select %gt3A_920, %select_n3A_916, %select_n3A_922 : vector<16xi1>, vector<16xi32>
    %gt3A_924 = arith.cmpf ogt, %get3A_874, %max3A_917 : vector<16xf32>
    %max3A_925 = arith.maximumf %select_n3A_914, %get3A_874 : vector<16xf32>
    %select_n3A_926 = arith.select %gt3A_924, %max3A_917, %max3A_925 : vector<16xi1>, vector<16xf32>
    %gt3A_927 = arith.cmpf ogt, %get3A_874, %max3A_917 : vector<16xf32>
    %select_n3A_928 = arith.select %gt3A_927, %broadcast_in_dim3A_919, %select_n3A_916 : vector<16xi1>, vector<16xi32>
    %max3A_929 = arith.maximumf %max3A_917, %get3A_874 : vector<16xf32>
    %broadcast_in_dim3A_930 = arith.constant 3 : i32
    %broadcast_in_dim3A_931 = vector.broadcast %broadcast_in_dim3A_930 : i32 to vector<16xi32>
    %gt3A_932 = arith.cmpf ogt, %get3A_879, %max3A_929 : vector<16xf32>
    %gt3A_933 = arith.cmpf ogt, %get3A_879, %select_n3A_926 : vector<16xf32>
    %select_n3A_934 = arith.select %gt3A_933, %broadcast_in_dim3A_931, %select_n3A_923 : vector<16xi1>, vector<16xi32>
    %select_n3A_935 = arith.select %gt3A_932, %select_n3A_928, %select_n3A_934 : vector<16xi1>, vector<16xi32>
    %gt3A_936 = arith.cmpf ogt, %get3A_879, %max3A_929 : vector<16xf32>
    %max3A_937 = arith.maximumf %select_n3A_926, %get3A_879 : vector<16xf32>
    %select_n3A_938 = arith.select %gt3A_936, %max3A_929, %max3A_937 : vector<16xi1>, vector<16xf32>
    %gt3A_939 = arith.cmpf ogt, %get3A_879, %max3A_929 : vector<16xf32>
    %select_n3A_940 = arith.select %gt3A_939, %broadcast_in_dim3A_931, %select_n3A_928 : vector<16xi1>, vector<16xi32>
    %max3A_941 = arith.maximumf %max3A_929, %get3A_879 : vector<16xf32>
    %broadcast_in_dim3A_942 = arith.constant 4 : i32
    %broadcast_in_dim3A_943 = vector.broadcast %broadcast_in_dim3A_942 : i32 to vector<16xi32>
    %gt3A_944 = arith.cmpf ogt, %get3A_884, %max3A_941 : vector<16xf32>
    %gt3A_945 = arith.cmpf ogt, %get3A_884, %select_n3A_938 : vector<16xf32>
    %select_n3A_946 = arith.select %gt3A_945, %broadcast_in_dim3A_943, %select_n3A_935 : vector<16xi1>, vector<16xi32>
    %select_n3A_947 = arith.select %gt3A_944, %select_n3A_940, %select_n3A_946 : vector<16xi1>, vector<16xi32>
    %gt3A_948 = arith.cmpf ogt, %get3A_884, %max3A_941 : vector<16xf32>
    %max3A_949 = arith.maximumf %select_n3A_938, %get3A_884 : vector<16xf32>
    %select_n3A_950 = arith.select %gt3A_948, %max3A_941, %max3A_949 : vector<16xi1>, vector<16xf32>
    %gt3A_951 = arith.cmpf ogt, %get3A_884, %max3A_941 : vector<16xf32>
    %select_n3A_952 = arith.select %gt3A_951, %broadcast_in_dim3A_943, %select_n3A_940 : vector<16xi1>, vector<16xi32>
    %max3A_953 = arith.maximumf %max3A_941, %get3A_884 : vector<16xf32>
    %broadcast_in_dim3A_954 = arith.constant 5 : i32
    %broadcast_in_dim3A_955 = vector.broadcast %broadcast_in_dim3A_954 : i32 to vector<16xi32>
    %gt3A_956 = arith.cmpf ogt, %get3A_889, %max3A_953 : vector<16xf32>
    %gt3A_957 = arith.cmpf ogt, %get3A_889, %select_n3A_950 : vector<16xf32>
    %select_n3A_958 = arith.select %gt3A_957, %broadcast_in_dim3A_955, %select_n3A_947 : vector<16xi1>, vector<16xi32>
    %select_n3A_959 = arith.select %gt3A_956, %select_n3A_952, %select_n3A_958 : vector<16xi1>, vector<16xi32>
    %gt3A_960 = arith.cmpf ogt, %get3A_889, %max3A_953 : vector<16xf32>
    %max3A_961 = arith.maximumf %select_n3A_950, %get3A_889 : vector<16xf32>
    %select_n3A_962 = arith.select %gt3A_960, %max3A_953, %max3A_961 : vector<16xi1>, vector<16xf32>
    %gt3A_963 = arith.cmpf ogt, %get3A_889, %max3A_953 : vector<16xf32>
    %select_n3A_964 = arith.select %gt3A_963, %broadcast_in_dim3A_955, %select_n3A_952 : vector<16xi1>, vector<16xi32>
    %max3A_965 = arith.maximumf %max3A_953, %get3A_889 : vector<16xf32>
    %broadcast_in_dim3A_966 = arith.constant 6 : i32
    %broadcast_in_dim3A_967 = vector.broadcast %broadcast_in_dim3A_966 : i32 to vector<16xi32>
    %gt3A_968 = arith.cmpf ogt, %get3A_894, %max3A_965 : vector<16xf32>
    %gt3A_969 = arith.cmpf ogt, %get3A_894, %select_n3A_962 : vector<16xf32>
    %select_n3A_970 = arith.select %gt3A_969, %broadcast_in_dim3A_967, %select_n3A_959 : vector<16xi1>, vector<16xi32>
    %select_n3A_971 = arith.select %gt3A_968, %select_n3A_964, %select_n3A_970 : vector<16xi1>, vector<16xi32>
    %gt3A_972 = arith.cmpf ogt, %get3A_894, %max3A_965 : vector<16xf32>
    %max3A_973 = arith.maximumf %select_n3A_962, %get3A_894 : vector<16xf32>
    %select_n3A_974 = arith.select %gt3A_972, %max3A_965, %max3A_973 : vector<16xi1>, vector<16xf32>
    %gt3A_975 = arith.cmpf ogt, %get3A_894, %max3A_965 : vector<16xf32>
    %select_n3A_976 = arith.select %gt3A_975, %broadcast_in_dim3A_967, %select_n3A_964 : vector<16xi1>, vector<16xi32>
    %max3A_977 = arith.maximumf %max3A_965, %get3A_894 : vector<16xf32>
    %broadcast_in_dim3A_978 = arith.constant 7 : i32
    %broadcast_in_dim3A_979 = vector.broadcast %broadcast_in_dim3A_978 : i32 to vector<16xi32>
    %gt3A_980 = arith.cmpf ogt, %get3A_899, %max3A_977 : vector<16xf32>
    %gt3A_981 = arith.cmpf ogt, %get3A_899, %select_n3A_974 : vector<16xf32>
    %select_n3A_982 = arith.select %gt3A_981, %broadcast_in_dim3A_979, %select_n3A_971 : vector<16xi1>, vector<16xi32>
    %select_n3A_983 = arith.select %gt3A_980, %select_n3A_976, %select_n3A_982 : vector<16xi1>, vector<16xi32>
    %gt3A_984 = arith.cmpf ogt, %get3A_899, %max3A_977 : vector<16xf32>
    %max3A_985 = arith.maximumf %select_n3A_974, %get3A_899 : vector<16xf32>
    %select_n3A_986 = arith.select %gt3A_984, %max3A_977, %max3A_985 : vector<16xi1>, vector<16xf32>
    %gt3A_987 = arith.cmpf ogt, %get3A_899, %max3A_977 : vector<16xf32>
    %select_n3A_988 = arith.select %gt3A_987, %broadcast_in_dim3A_979, %select_n3A_976 : vector<16xi1>, vector<16xi32>
    %max3A_989 = arith.maximumf %max3A_977, %get3A_899 : vector<16xf32>
    %neg3A_990 = arith.constant 0.000000e+00 : f32
    %neg3A_991 = vector.broadcast %neg3A_990 : f32 to vector<16xf32>
    %neg3A_992 = arith.subf %neg3A_991, %max3A_989 : vector<16xf32>
    %exp3A_993 = math.exp %neg3A_992 : vector<16xf32>
    %add3A_994 = arith.constant 1.000000e+00 : f32
    %add3A_995 = vector.broadcast %add3A_994 : f32 to vector<16xf32>
    %add3A_996 = arith.addf %add3A_995, %exp3A_993 : vector<16xf32>
    %div3A_997 = arith.constant 1.000000e+00 : f32
    %div3A_998 = vector.broadcast %div3A_997 : f32 to vector<16xf32>
    %div3A_999 = arith.divf %div3A_998, %add3A_996 : vector<16xf32>
    %neg3A_1000 = arith.constant 0.000000e+00 : f32
    %neg3A_1001 = vector.broadcast %neg3A_1000 : f32 to vector<16xf32>
    %neg3A_1002 = arith.subf %neg3A_1001, %select_n3A_986 : vector<16xf32>
    %exp3A_1003 = math.exp %neg3A_1002 : vector<16xf32>
    %add3A_1004 = arith.constant 1.000000e+00 : f32
    %add3A_1005 = vector.broadcast %add3A_1004 : f32 to vector<16xf32>
    %add3A_1006 = arith.addf %add3A_1005, %exp3A_1003 : vector<16xf32>
    %div3A_1007 = arith.constant 1.000000e+00 : f32
    %div3A_1008 = vector.broadcast %div3A_1007 : f32 to vector<16xf32>
    %div3A_1009 = arith.divf %div3A_1008, %add3A_1006 : vector<16xf32>
    %get3A_1010 = arith.constant 8 : i32
    %get3A_1011 = arith.index_cast %get3A_1010 : i32 to index
    %get3A_1012 = arith.constant 48 : index
    %get3A_1013 = tpu.vector_load %arg6[%get3A_1011, %get3A_1012] {strides = array<i32>} : memref<32x128xf32, #tpu.memory_space<vmem>>, vector<1x16xf32>,
    %get3A_1014 = vector.shape_cast %get3A_1013 : vector<1x16xf32> to vector<16xf32>
    %get3A_1015 = arith.constant 16 : i32
    %get3A_1016 = arith.index_cast %get3A_1015 : i32 to index
    %get3A_1017 = arith.constant 48 : index
    %get3A_1018 = tpu.vector_load %arg6[%get3A_1016, %get3A_1017] {strides = array<i32>} : memref<32x128xf32, #tpu.memory_space<vmem>>, vector<1x16xf32>,
    %get3A_1019 = vector.shape_cast %get3A_1018 : vector<1x16xf32> to vector<16xf32>
    %broadcast_in_dim3A_1020 = arith.constant 1 : i32
    %broadcast_in_dim3A_1021 = vector.broadcast %broadcast_in_dim3A_1020 : i32 to vector<16xi32>
    %eq3A_1022 = arith.cmpi eq, %select_n3A_988, %broadcast_in_dim3A_1021 : vector<16xi32>
    %get3A_1023 = arith.constant 9 : i32
    %get3A_1024 = arith.index_cast %get3A_1023 : i32 to index
    %get3A_1025 = arith.constant 48 : index
    %get3A_1026 = tpu.vector_load %arg6[%get3A_1024, %get3A_1025] {strides = array<i32>} : memref<32x128xf32, #tpu.memory_space<vmem>>, vector<1x16xf32>,
    %get3A_1027 = vector.shape_cast %get3A_1026 : vector<1x16xf32> to vector<16xf32>
    %select_n3A_1028 = arith.select %eq3A_1022, %get3A_1027, %get3A_1014 : vector<16xi1>, vector<16xf32>
    %eq3A_1029 = arith.cmpi eq, %select_n3A_983, %broadcast_in_dim3A_1021 : vector<16xi32>
    %get3A_1030 = arith.constant 17 : i32
    %get3A_1031 = arith.index_cast %get3A_1030 : i32 to index
    %get3A_1032 = arith.constant 48 : index
    %get3A_1033 = tpu.vector_load %arg6[%get3A_1031, %get3A_1032] {strides = array<i32>} : memref<32x128xf32, #tpu.memory_space<vmem>>, vector<1x16xf32>,
    %get3A_1034 = vector.shape_cast %get3A_1033 : vector<1x16xf32> to vector<16xf32>
    %select_n3A_1035 = arith.select %eq3A_1029, %get3A_1034, %get3A_1019 : vector<16xi1>, vector<16xf32>
    %broadcast_in_dim3A_1036 = arith.constant 2 : i32
    %broadcast_in_dim3A_1037 = vector.broadcast %broadcast_in_dim3A_1036 : i32 to vector<16xi32>
    %eq3A_1038 = arith.cmpi eq, %select_n3A_988, %broadcast_in_dim3A_1037 : vector<16xi32>
    %get3A_1039 = arith.constant 10 : i32
    %get3A_1040 = arith.index_cast %get3A_1039 : i32 to index
    %get3A_1041 = arith.constant 48 : index
    %get3A_1042 = tpu.vector_load %arg6[%get3A_1040, %get3A_1041] {strides = array<i32>} : memref<32x128xf32, #tpu.memory_space<vmem>>, vector<1x16xf32>,
    %get3A_1043 = vector.shape_cast %get3A_1042 : vector<1x16xf32> to vector<16xf32>
    %select_n3A_1044 = arith.select %eq3A_1038, %get3A_1043, %select_n3A_1028 : vector<16xi1>, vector<16xf32>
    %eq3A_1045 = arith.cmpi eq, %select_n3A_983, %broadcast_in_dim3A_1037 : vector<16xi32>
    %get3A_1046 = arith.constant 18 : i32
    %get3A_1047 = arith.index_cast %get3A_1046 : i32 to index
    %get3A_1048 = arith.constant 48 : index
    %get3A_1049 = tpu.vector_load %arg6[%get3A_1047, %get3A_1048] {strides = array<i32>} : memref<32x128xf32, #tpu.memory_space<vmem>>, vector<1x16xf32>,
    %get3A_1050 = vector.shape_cast %get3A_1049 : vector<1x16xf32> to vector<16xf32>
    %select_n3A_1051 = arith.select %eq3A_1045, %get3A_1050, %select_n3A_1035 : vector<16xi1>, vector<16xf32>
    %broadcast_in_dim3A_1052 = arith.constant 3 : i32
    %broadcast_in_dim3A_1053 = vector.broadcast %broadcast_in_dim3A_1052 : i32 to vector<16xi32>
    %eq3A_1054 = arith.cmpi eq, %select_n3A_988, %broadcast_in_dim3A_1053 : vector<16xi32>
    %get3A_1055 = arith.constant 11 : i32
    %get3A_1056 = arith.index_cast %get3A_1055 : i32 to index
    %get3A_1057 = arith.constant 48 : index
    %get3A_1058 = tpu.vector_load %arg6[%get3A_1056, %get3A_1057] {strides = array<i32>} : memref<32x128xf32, #tpu.memory_space<vmem>>, vector<1x16xf32>,
    %get3A_1059 = vector.shape_cast %get3A_1058 : vector<1x16xf32> to vector<16xf32>
    %select_n3A_1060 = arith.select %eq3A_1054, %get3A_1059, %select_n3A_1044 : vector<16xi1>, vector<16xf32>
    %eq3A_1061 = arith.cmpi eq, %select_n3A_983, %broadcast_in_dim3A_1053 : vector<16xi32>
    %get3A_1062 = arith.constant 19 : i32
    %get3A_1063 = arith.index_cast %get3A_1062 : i32 to index
    %get3A_1064 = arith.constant 48 : index
    %get3A_1065 = tpu.vector_load %arg6[%get3A_1063, %get3A_1064] {strides = array<i32>} : memref<32x128xf32, #tpu.memory_space<vmem>>, vector<1x16xf32>,
    %get3A_1066 = vector.shape_cast %get3A_1065 : vector<1x16xf32> to vector<16xf32>
    %select_n3A_1067 = arith.select %eq3A_1061, %get3A_1066, %select_n3A_1051 : vector<16xi1>, vector<16xf32>
    %broadcast_in_dim3A_1068 = arith.constant 4 : i32
    %broadcast_in_dim3A_1069 = vector.broadcast %broadcast_in_dim3A_1068 : i32 to vector<16xi32>
    %eq3A_1070 = arith.cmpi eq, %select_n3A_988, %broadcast_in_dim3A_1069 : vector<16xi32>
    %get3A_1071 = arith.constant 12 : i32
    %get3A_1072 = arith.index_cast %get3A_1071 : i32 to index
    %get3A_1073 = arith.constant 48 : index
    %get3A_1074 = tpu.vector_load %arg6[%get3A_1072, %get3A_1073] {strides = array<i32>} : memref<32x128xf32, #tpu.memory_space<vmem>>, vector<1x16xf32>,
    %get3A_1075 = vector.shape_cast %get3A_1074 : vector<1x16xf32> to vector<16xf32>
    %select_n3A_1076 = arith.select %eq3A_1070, %get3A_1075, %select_n3A_1060 : vector<16xi1>, vector<16xf32>
    %eq3A_1077 = arith.cmpi eq, %select_n3A_983, %broadcast_in_dim3A_1069 : vector<16xi32>
    %get3A_1078 = arith.constant 20 : i32
    %get3A_1079 = arith.index_cast %get3A_1078 : i32 to index
    %get3A_1080 = arith.constant 48 : index
    %get3A_1081 = tpu.vector_load %arg6[%get3A_1079, %get3A_1080] {strides = array<i32>} : memref<32x128xf32, #tpu.memory_space<vmem>>, vector<1x16xf32>,
    %get3A_1082 = vector.shape_cast %get3A_1081 : vector<1x16xf32> to vector<16xf32>
    %select_n3A_1083 = arith.select %eq3A_1077, %get3A_1082, %select_n3A_1067 : vector<16xi1>, vector<16xf32>
    %broadcast_in_dim3A_1084 = arith.constant 5 : i32
    %broadcast_in_dim3A_1085 = vector.broadcast %broadcast_in_dim3A_1084 : i32 to vector<16xi32>
    %eq3A_1086 = arith.cmpi eq, %select_n3A_988, %broadcast_in_dim3A_1085 : vector<16xi32>
    %get3A_1087 = arith.constant 13 : i32
    %get3A_1088 = arith.index_cast %get3A_1087 : i32 to index
    %get3A_1089 = arith.constant 48 : index
    %get3A_1090 = tpu.vector_load %arg6[%get3A_1088, %get3A_1089] {strides = array<i32>} : memref<32x128xf32, #tpu.memory_space<vmem>>, vector<1x16xf32>,
    %get3A_1091 = vector.shape_cast %get3A_1090 : vector<1x16xf32> to vector<16xf32>
    %select_n3A_1092 = arith.select %eq3A_1086, %get3A_1091, %select_n3A_1076 : vector<16xi1>, vector<16xf32>
    %eq3A_1093 = arith.cmpi eq, %select_n3A_983, %broadcast_in_dim3A_1085 : vector<16xi32>
    %get3A_1094 = arith.constant 21 : i32
    %get3A_1095 = arith.index_cast %get3A_1094 : i32 to index
    %get3A_1096 = arith.constant 48 : index
    %get3A_1097 = tpu.vector_load %arg6[%get3A_1095, %get3A_1096] {strides = array<i32>} : memref<32x128xf32, #tpu.memory_space<vmem>>, vector<1x16xf32>,
    %get3A_1098 = vector.shape_cast %get3A_1097 : vector<1x16xf32> to vector<16xf32>
    %select_n3A_1099 = arith.select %eq3A_1093, %get3A_1098, %select_n3A_1083 : vector<16xi1>, vector<16xf32>
    %broadcast_in_dim3A_1100 = arith.constant 6 : i32
    %broadcast_in_dim3A_1101 = vector.broadcast %broadcast_in_dim3A_1100 : i32 to vector<16xi32>
    %eq3A_1102 = arith.cmpi eq, %select_n3A_988, %broadcast_in_dim3A_1101 : vector<16xi32>
    %get3A_1103 = arith.constant 14 : i32
    %get3A_1104 = arith.index_cast %get3A_1103 : i32 to index
    %get3A_1105 = arith.constant 48 : index
    %get3A_1106 = tpu.vector_load %arg6[%get3A_1104, %get3A_1105] {strides = array<i32>} : memref<32x128xf32, #tpu.memory_space<vmem>>, vector<1x16xf32>,
    %get3A_1107 = vector.shape_cast %get3A_1106 : vector<1x16xf32> to vector<16xf32>
    %select_n3A_1108 = arith.select %eq3A_1102, %get3A_1107, %select_n3A_1092 : vector<16xi1>, vector<16xf32>
    %eq3A_1109 = arith.cmpi eq, %select_n3A_983, %broadcast_in_dim3A_1101 : vector<16xi32>
    %get3A_1110 = arith.constant 22 : i32
    %get3A_1111 = arith.index_cast %get3A_1110 : i32 to index
    %get3A_1112 = arith.constant 48 : index
    %get3A_1113 = tpu.vector_load %arg6[%get3A_1111, %get3A_1112] {strides = array<i32>} : memref<32x128xf32, #tpu.memory_space<vmem>>, vector<1x16xf32>,
    %get3A_1114 = vector.shape_cast %get3A_1113 : vector<1x16xf32> to vector<16xf32>
    %select_n3A_1115 = arith.select %eq3A_1109, %get3A_1114, %select_n3A_1099 : vector<16xi1>, vector<16xf32>
    %broadcast_in_dim3A_1116 = arith.constant 7 : i32
    %broadcast_in_dim3A_1117 = vector.broadcast %broadcast_in_dim3A_1116 : i32 to vector<16xi32>
    %eq3A_1118 = arith.cmpi eq, %select_n3A_988, %broadcast_in_dim3A_1117 : vector<16xi32>
    %get3A_1119 = arith.constant 15 : i32
    %get3A_1120 = arith.index_cast %get3A_1119 : i32 to index
    %get3A_1121 = arith.constant 48 : index
    %get3A_1122 = tpu.vector_load %arg6[%get3A_1120, %get3A_1121] {strides = array<i32>} : memref<32x128xf32, #tpu.memory_space<vmem>>, vector<1x16xf32>,
    %get3A_1123 = vector.shape_cast %get3A_1122 : vector<1x16xf32> to vector<16xf32>
    %select_n3A_1124 = arith.select %eq3A_1118, %get3A_1123, %select_n3A_1108 : vector<16xi1>, vector<16xf32>
    %eq3A_1125 = arith.cmpi eq, %select_n3A_983, %broadcast_in_dim3A_1117 : vector<16xi32>
    %get3A_1126 = arith.constant 23 : i32
    %get3A_1127 = arith.index_cast %get3A_1126 : i32 to index
    %get3A_1128 = arith.constant 48 : index
    %get3A_1129 = tpu.vector_load %arg6[%get3A_1127, %get3A_1128] {strides = array<i32>} : memref<32x128xf32, #tpu.memory_space<vmem>>, vector<1x16xf32>,
    %get3A_1130 = vector.shape_cast %get3A_1129 : vector<1x16xf32> to vector<16xf32>
    %select_n3A_1131 = arith.select %eq3A_1125, %get3A_1130, %select_n3A_1115 : vector<16xi1>, vector<16xf32>
    %mul3A_1132 = arith.mulf %div3A_999, %select_n3A_1124 : vector<16xf32>
    %mul3A_1133 = arith.mulf %div3A_1009, %select_n3A_1131 : vector<16xf32>
    %add3A_1134 = arith.addf %mul3A_1132, %mul3A_1133 : vector<16xf32>
    %add3A_1135 = arith.addf %div3A_999, %div3A_1009 : vector<16xf32>
    %div3A_1136 = arith.divf %add3A_1134, %add3A_1135 : vector<16xf32>
    %swap3A_1137 = arith.constant 48 : index
    %swap3A_1138 = tpu.vector_load %arg7[%swap3A_1137] {strides = array<i32>} : memref<128xf32, #tpu.memory_space<vmem>>, vector<16xf32>,
    %swap3A_1139 = vector.shape_cast %swap3A_1138 : vector<16xf32> to vector<16xf32>
    %swap3A_1140 = vector.shape_cast %div3A_1136 : vector<16xf32> to vector<16xf32>
    tpu.vector_store %arg7[%swap3A_1137], %swap3A_1140 {strides = array<i32>} : memref<128xf32, #tpu.memory_space<vmem>>, vector<16xf32>,
    %swap3A_1141 = arith.constant 48 : index
    %swap3A_1142 = tpu.vector_load %arg8[%swap3A_1141] {strides = array<i32>} : memref<128xi32, #tpu.memory_space<vmem>>, vector<16xi32>,
    %swap3A_1143 = vector.shape_cast %swap3A_1142 : vector<16xi32> to vector<16xi32>
    %swap3A_1144 = vector.shape_cast %select_n3A_988 : vector<16xi32> to vector<16xi32>
    tpu.vector_store %arg8[%swap3A_1141], %swap3A_1144 {strides = array<i32>} : memref<128xi32, #tpu.memory_space<vmem>>, vector<16xi32>,
    %swap3A_1145 = arith.constant 48 : index
    %swap3A_1146 = tpu.vector_load %arg9[%swap3A_1145] {strides = array<i32>} : memref<128xi32, #tpu.memory_space<vmem>>, vector<16xi32>,
    %swap3A_1147 = vector.shape_cast %swap3A_1146 : vector<16xi32> to vector<16xi32>
    %swap3A_1148 = vector.shape_cast %select_n3A_983 : vector<16xi32> to vector<16xi32>
    tpu.vector_store %arg9[%swap3A_1145], %swap3A_1148 {strides = array<i32>} : memref<128xi32, #tpu.memory_space<vmem>>, vector<16xi32>,
    %get3A_1149 = arith.constant 0 : i32
    %get3A_1150 = arith.index_cast %get3A_1149 : i32 to index
    %get3A_1151 = arith.constant 64 : index
    %get3A_1152 = tpu.vector_load %arg6[%get3A_1150, %get3A_1151] {strides = array<i32>} : memref<32x128xf32, #tpu.memory_space<vmem>>, vector<1x16xf32>,
    %get3A_1153 = vector.shape_cast %get3A_1152 : vector<1x16xf32> to vector<16xf32>
    %get3A_1154 = arith.constant 1 : i32
    %get3A_1155 = arith.index_cast %get3A_1154 : i32 to index
    %get3A_1156 = arith.constant 64 : index
    %get3A_1157 = tpu.vector_load %arg6[%get3A_1155, %get3A_1156] {strides = array<i32>} : memref<32x128xf32, #tpu.memory_space<vmem>>, vector<1x16xf32>,
    %get3A_1158 = vector.shape_cast %get3A_1157 : vector<1x16xf32> to vector<16xf32>
    %get3A_1159 = arith.constant 2 : i32
    %get3A_1160 = arith.index_cast %get3A_1159 : i32 to index
    %get3A_1161 = arith.constant 64 : index
    %get3A_1162 = tpu.vector_load %arg6[%get3A_1160, %get3A_1161] {strides = array<i32>} : memref<32x128xf32, #tpu.memory_space<vmem>>, vector<1x16xf32>,
    %get3A_1163 = vector.shape_cast %get3A_1162 : vector<1x16xf32> to vector<16xf32>
    %get3A_1164 = arith.constant 3 : i32
    %get3A_1165 = arith.index_cast %get3A_1164 : i32 to index
    %get3A_1166 = arith.constant 64 : index
    %get3A_1167 = tpu.vector_load %arg6[%get3A_1165, %get3A_1166] {strides = array<i32>} : memref<32x128xf32, #tpu.memory_space<vmem>>, vector<1x16xf32>,
    %get3A_1168 = vector.shape_cast %get3A_1167 : vector<1x16xf32> to vector<16xf32>
    %get3A_1169 = arith.constant 4 : i32
    %get3A_1170 = arith.index_cast %get3A_1169 : i32 to index
    %get3A_1171 = arith.constant 64 : index
    %get3A_1172 = tpu.vector_load %arg6[%get3A_1170, %get3A_1171] {strides = array<i32>} : memref<32x128xf32, #tpu.memory_space<vmem>>, vector<1x16xf32>,
    %get3A_1173 = vector.shape_cast %get3A_1172 : vector<1x16xf32> to vector<16xf32>
    %get3A_1174 = arith.constant 5 : i32
    %get3A_1175 = arith.index_cast %get3A_1174 : i32 to index
    %get3A_1176 = arith.constant 64 : index
    %get3A_1177 = tpu.vector_load %arg6[%get3A_1175, %get3A_1176] {strides = array<i32>} : memref<32x128xf32, #tpu.memory_space<vmem>>, vector<1x16xf32>,
    %get3A_1178 = vector.shape_cast %get3A_1177 : vector<1x16xf32> to vector<16xf32>
    %get3A_1179 = arith.constant 6 : i32
    %get3A_1180 = arith.index_cast %get3A_1179 : i32 to index
    %get3A_1181 = arith.constant 64 : index
    %get3A_1182 = tpu.vector_load %arg6[%get3A_1180, %get3A_1181] {strides = array<i32>} : memref<32x128xf32, #tpu.memory_space<vmem>>, vector<1x16xf32>,
    %get3A_1183 = vector.shape_cast %get3A_1182 : vector<1x16xf32> to vector<16xf32>
    %get3A_1184 = arith.constant 7 : i32
    %get3A_1185 = arith.index_cast %get3A_1184 : i32 to index
    %get3A_1186 = arith.constant 64 : index
    %get3A_1187 = tpu.vector_load %arg6[%get3A_1185, %get3A_1186] {strides = array<i32>} : memref<32x128xf32, #tpu.memory_space<vmem>>, vector<1x16xf32>,
    %get3A_1188 = vector.shape_cast %get3A_1187 : vector<1x16xf32> to vector<16xf32>
    %broadcast_in_dim3A_1189 = arith.constant 0 : i32
    %broadcast_in_dim3A_1190 = vector.broadcast %broadcast_in_dim3A_1189 : i32 to vector<16xi32>
    %broadcast_in_dim3A_1191 = arith.constant -1.000000e+30 : f32
    %broadcast_in_dim3A_1192 = vector.broadcast %broadcast_in_dim3A_1191 : f32 to vector<16xf32>
    %broadcast_in_dim3A_1193 = arith.constant 0 : i32
    %broadcast_in_dim3A_1194 = vector.broadcast %broadcast_in_dim3A_1193 : i32 to vector<16xi32>
    %broadcast_in_dim3A_1195 = arith.constant 1 : i32
    %broadcast_in_dim3A_1196 = vector.broadcast %broadcast_in_dim3A_1195 : i32 to vector<16xi32>
    %gt3A_1197 = arith.cmpf ogt, %get3A_1158, %get3A_1153 : vector<16xf32>
    %gt3A_1198 = arith.cmpf ogt, %get3A_1158, %broadcast_in_dim3A_1192 : vector<16xf32>
    %select_n3A_1199 = arith.select %gt3A_1198, %broadcast_in_dim3A_1196, %broadcast_in_dim3A_1194 : vector<16xi1>, vector<16xi32>
    %select_n3A_1200 = arith.select %gt3A_1197, %broadcast_in_dim3A_1190, %select_n3A_1199 : vector<16xi1>, vector<16xi32>
    %gt3A_1201 = arith.cmpf ogt, %get3A_1158, %get3A_1153 : vector<16xf32>
    %max3A_1202 = arith.maximumf %broadcast_in_dim3A_1192, %get3A_1158 : vector<16xf32>
    %select_n3A_1203 = arith.select %gt3A_1201, %get3A_1153, %max3A_1202 : vector<16xi1>, vector<16xf32>
    %gt3A_1204 = arith.cmpf ogt, %get3A_1158, %get3A_1153 : vector<16xf32>
    %select_n3A_1205 = arith.select %gt3A_1204, %broadcast_in_dim3A_1196, %broadcast_in_dim3A_1190 : vector<16xi1>, vector<16xi32>
    %max3A_1206 = arith.maximumf %get3A_1153, %get3A_1158 : vector<16xf32>
    %broadcast_in_dim3A_1207 = arith.constant 2 : i32
    %broadcast_in_dim3A_1208 = vector.broadcast %broadcast_in_dim3A_1207 : i32 to vector<16xi32>
    %gt3A_1209 = arith.cmpf ogt, %get3A_1163, %max3A_1206 : vector<16xf32>
    %gt3A_1210 = arith.cmpf ogt, %get3A_1163, %select_n3A_1203 : vector<16xf32>
    %select_n3A_1211 = arith.select %gt3A_1210, %broadcast_in_dim3A_1208, %select_n3A_1200 : vector<16xi1>, vector<16xi32>
    %select_n3A_1212 = arith.select %gt3A_1209, %select_n3A_1205, %select_n3A_1211 : vector<16xi1>, vector<16xi32>
    %gt3A_1213 = arith.cmpf ogt, %get3A_1163, %max3A_1206 : vector<16xf32>
    %max3A_1214 = arith.maximumf %select_n3A_1203, %get3A_1163 : vector<16xf32>
    %select_n3A_1215 = arith.select %gt3A_1213, %max3A_1206, %max3A_1214 : vector<16xi1>, vector<16xf32>
    %gt3A_1216 = arith.cmpf ogt, %get3A_1163, %max3A_1206 : vector<16xf32>
    %select_n3A_1217 = arith.select %gt3A_1216, %broadcast_in_dim3A_1208, %select_n3A_1205 : vector<16xi1>, vector<16xi32>
    %max3A_1218 = arith.maximumf %max3A_1206, %get3A_1163 : vector<16xf32>
    %broadcast_in_dim3A_1219 = arith.constant 3 : i32
    %broadcast_in_dim3A_1220 = vector.broadcast %broadcast_in_dim3A_1219 : i32 to vector<16xi32>
    %gt3A_1221 = arith.cmpf ogt, %get3A_1168, %max3A_1218 : vector<16xf32>
    %gt3A_1222 = arith.cmpf ogt, %get3A_1168, %select_n3A_1215 : vector<16xf32>
    %select_n3A_1223 = arith.select %gt3A_1222, %broadcast_in_dim3A_1220, %select_n3A_1212 : vector<16xi1>, vector<16xi32>
    %select_n3A_1224 = arith.select %gt3A_1221, %select_n3A_1217, %select_n3A_1223 : vector<16xi1>, vector<16xi32>
    %gt3A_1225 = arith.cmpf ogt, %get3A_1168, %max3A_1218 : vector<16xf32>
    %max3A_1226 = arith.maximumf %select_n3A_1215, %get3A_1168 : vector<16xf32>
    %select_n3A_1227 = arith.select %gt3A_1225, %max3A_1218, %max3A_1226 : vector<16xi1>, vector<16xf32>
    %gt3A_1228 = arith.cmpf ogt, %get3A_1168, %max3A_1218 : vector<16xf32>
    %select_n3A_1229 = arith.select %gt3A_1228, %broadcast_in_dim3A_1220, %select_n3A_1217 : vector<16xi1>, vector<16xi32>
    %max3A_1230 = arith.maximumf %max3A_1218, %get3A_1168 : vector<16xf32>
    %broadcast_in_dim3A_1231 = arith.constant 4 : i32
    %broadcast_in_dim3A_1232 = vector.broadcast %broadcast_in_dim3A_1231 : i32 to vector<16xi32>
    %gt3A_1233 = arith.cmpf ogt, %get3A_1173, %max3A_1230 : vector<16xf32>
    %gt3A_1234 = arith.cmpf ogt, %get3A_1173, %select_n3A_1227 : vector<16xf32>
    %select_n3A_1235 = arith.select %gt3A_1234, %broadcast_in_dim3A_1232, %select_n3A_1224 : vector<16xi1>, vector<16xi32>
    %select_n3A_1236 = arith.select %gt3A_1233, %select_n3A_1229, %select_n3A_1235 : vector<16xi1>, vector<16xi32>
    %gt3A_1237 = arith.cmpf ogt, %get3A_1173, %max3A_1230 : vector<16xf32>
    %max3A_1238 = arith.maximumf %select_n3A_1227, %get3A_1173 : vector<16xf32>
    %select_n3A_1239 = arith.select %gt3A_1237, %max3A_1230, %max3A_1238 : vector<16xi1>, vector<16xf32>
    %gt3A_1240 = arith.cmpf ogt, %get3A_1173, %max3A_1230 : vector<16xf32>
    %select_n3A_1241 = arith.select %gt3A_1240, %broadcast_in_dim3A_1232, %select_n3A_1229 : vector<16xi1>, vector<16xi32>
    %max3A_1242 = arith.maximumf %max3A_1230, %get3A_1173 : vector<16xf32>
    %broadcast_in_dim3A_1243 = arith.constant 5 : i32
    %broadcast_in_dim3A_1244 = vector.broadcast %broadcast_in_dim3A_1243 : i32 to vector<16xi32>
    %gt3A_1245 = arith.cmpf ogt, %get3A_1178, %max3A_1242 : vector<16xf32>
    %gt3A_1246 = arith.cmpf ogt, %get3A_1178, %select_n3A_1239 : vector<16xf32>
    %select_n3A_1247 = arith.select %gt3A_1246, %broadcast_in_dim3A_1244, %select_n3A_1236 : vector<16xi1>, vector<16xi32>
    %select_n3A_1248 = arith.select %gt3A_1245, %select_n3A_1241, %select_n3A_1247 : vector<16xi1>, vector<16xi32>
    %gt3A_1249 = arith.cmpf ogt, %get3A_1178, %max3A_1242 : vector<16xf32>
    %max3A_1250 = arith.maximumf %select_n3A_1239, %get3A_1178 : vector<16xf32>
    %select_n3A_1251 = arith.select %gt3A_1249, %max3A_1242, %max3A_1250 : vector<16xi1>, vector<16xf32>
    %gt3A_1252 = arith.cmpf ogt, %get3A_1178, %max3A_1242 : vector<16xf32>
    %select_n3A_1253 = arith.select %gt3A_1252, %broadcast_in_dim3A_1244, %select_n3A_1241 : vector<16xi1>, vector<16xi32>
    %max3A_1254 = arith.maximumf %max3A_1242, %get3A_1178 : vector<16xf32>
    %broadcast_in_dim3A_1255 = arith.constant 6 : i32
    %broadcast_in_dim3A_1256 = vector.broadcast %broadcast_in_dim3A_1255 : i32 to vector<16xi32>
    %gt3A_1257 = arith.cmpf ogt, %get3A_1183, %max3A_1254 : vector<16xf32>
    %gt3A_1258 = arith.cmpf ogt, %get3A_1183, %select_n3A_1251 : vector<16xf32>
    %select_n3A_1259 = arith.select %gt3A_1258, %broadcast_in_dim3A_1256, %select_n3A_1248 : vector<16xi1>, vector<16xi32>
    %select_n3A_1260 = arith.select %gt3A_1257, %select_n3A_1253, %select_n3A_1259 : vector<16xi1>, vector<16xi32>
    %gt3A_1261 = arith.cmpf ogt, %get3A_1183, %max3A_1254 : vector<16xf32>
    %max3A_1262 = arith.maximumf %select_n3A_1251, %get3A_1183 : vector<16xf32>
    %select_n3A_1263 = arith.select %gt3A_1261, %max3A_1254, %max3A_1262 : vector<16xi1>, vector<16xf32>
    %gt3A_1264 = arith.cmpf ogt, %get3A_1183, %max3A_1254 : vector<16xf32>
    %select_n3A_1265 = arith.select %gt3A_1264, %broadcast_in_dim3A_1256, %select_n3A_1253 : vector<16xi1>, vector<16xi32>
    %max3A_1266 = arith.maximumf %max3A_1254, %get3A_1183 : vector<16xf32>
    %broadcast_in_dim3A_1267 = arith.constant 7 : i32
    %broadcast_in_dim3A_1268 = vector.broadcast %broadcast_in_dim3A_1267 : i32 to vector<16xi32>
    %gt3A_1269 = arith.cmpf ogt, %get3A_1188, %max3A_1266 : vector<16xf32>
    %gt3A_1270 = arith.cmpf ogt, %get3A_1188, %select_n3A_1263 : vector<16xf32>
    %select_n3A_1271 = arith.select %gt3A_1270, %broadcast_in_dim3A_1268, %select_n3A_1260 : vector<16xi1>, vector<16xi32>
    %select_n3A_1272 = arith.select %gt3A_1269, %select_n3A_1265, %select_n3A_1271 : vector<16xi1>, vector<16xi32>
    %gt3A_1273 = arith.cmpf ogt, %get3A_1188, %max3A_1266 : vector<16xf32>
    %max3A_1274 = arith.maximumf %select_n3A_1263, %get3A_1188 : vector<16xf32>
    %select_n3A_1275 = arith.select %gt3A_1273, %max3A_1266, %max3A_1274 : vector<16xi1>, vector<16xf32>
    %gt3A_1276 = arith.cmpf ogt, %get3A_1188, %max3A_1266 : vector<16xf32>
    %select_n3A_1277 = arith.select %gt3A_1276, %broadcast_in_dim3A_1268, %select_n3A_1265 : vector<16xi1>, vector<16xi32>
    %max3A_1278 = arith.maximumf %max3A_1266, %get3A_1188 : vector<16xf32>
    %neg3A_1279 = arith.constant 0.000000e+00 : f32
    %neg3A_1280 = vector.broadcast %neg3A_1279 : f32 to vector<16xf32>
    %neg3A_1281 = arith.subf %neg3A_1280, %max3A_1278 : vector<16xf32>
    %exp3A_1282 = math.exp %neg3A_1281 : vector<16xf32>
    %add3A_1283 = arith.constant 1.000000e+00 : f32
    %add3A_1284 = vector.broadcast %add3A_1283 : f32 to vector<16xf32>
    %add3A_1285 = arith.addf %add3A_1284, %exp3A_1282 : vector<16xf32>
    %div3A_1286 = arith.constant 1.000000e+00 : f32
    %div3A_1287 = vector.broadcast %div3A_1286 : f32 to vector<16xf32>
    %div3A_1288 = arith.divf %div3A_1287, %add3A_1285 : vector<16xf32>
    %neg3A_1289 = arith.constant 0.000000e+00 : f32
    %neg3A_1290 = vector.broadcast %neg3A_1289 : f32 to vector<16xf32>
    %neg3A_1291 = arith.subf %neg3A_1290, %select_n3A_1275 : vector<16xf32>
    %exp3A_1292 = math.exp %neg3A_1291 : vector<16xf32>
    %add3A_1293 = arith.constant 1.000000e+00 : f32
    %add3A_1294 = vector.broadcast %add3A_1293 : f32 to vector<16xf32>
    %add3A_1295 = arith.addf %add3A_1294, %exp3A_1292 : vector<16xf32>
    %div3A_1296 = arith.constant 1.000000e+00 : f32
    %div3A_1297 = vector.broadcast %div3A_1296 : f32 to vector<16xf32>
    %div3A_1298 = arith.divf %div3A_1297, %add3A_1295 : vector<16xf32>
    %get3A_1299 = arith.constant 8 : i32
    %get3A_1300 = arith.index_cast %get3A_1299 : i32 to index
    %get3A_1301 = arith.constant 64 : index
    %get3A_1302 = tpu.vector_load %arg6[%get3A_1300, %get3A_1301] {strides = array<i32>} : memref<32x128xf32, #tpu.memory_space<vmem>>, vector<1x16xf32>,
    %get3A_1303 = vector.shape_cast %get3A_1302 : vector<1x16xf32> to vector<16xf32>
    %get3A_1304 = arith.constant 16 : i32
    %get3A_1305 = arith.index_cast %get3A_1304 : i32 to index
    %get3A_1306 = arith.constant 64 : index
    %get3A_1307 = tpu.vector_load %arg6[%get3A_1305, %get3A_1306] {strides = array<i32>} : memref<32x128xf32, #tpu.memory_space<vmem>>, vector<1x16xf32>,
    %get3A_1308 = vector.shape_cast %get3A_1307 : vector<1x16xf32> to vector<16xf32>
    %broadcast_in_dim3A_1309 = arith.constant 1 : i32
    %broadcast_in_dim3A_1310 = vector.broadcast %broadcast_in_dim3A_1309 : i32 to vector<16xi32>
    %eq3A_1311 = arith.cmpi eq, %select_n3A_1277, %broadcast_in_dim3A_1310 : vector<16xi32>
    %get3A_1312 = arith.constant 9 : i32
    %get3A_1313 = arith.index_cast %get3A_1312 : i32 to index
    %get3A_1314 = arith.constant 64 : index
    %get3A_1315 = tpu.vector_load %arg6[%get3A_1313, %get3A_1314] {strides = array<i32>} : memref<32x128xf32, #tpu.memory_space<vmem>>, vector<1x16xf32>,
    %get3A_1316 = vector.shape_cast %get3A_1315 : vector<1x16xf32> to vector<16xf32>
    %select_n3A_1317 = arith.select %eq3A_1311, %get3A_1316, %get3A_1303 : vector<16xi1>, vector<16xf32>
    %eq3A_1318 = arith.cmpi eq, %select_n3A_1272, %broadcast_in_dim3A_1310 : vector<16xi32>
    %get3A_1319 = arith.constant 17 : i32
    %get3A_1320 = arith.index_cast %get3A_1319 : i32 to index
    %get3A_1321 = arith.constant 64 : index
    %get3A_1322 = tpu.vector_load %arg6[%get3A_1320, %get3A_1321] {strides = array<i32>} : memref<32x128xf32, #tpu.memory_space<vmem>>, vector<1x16xf32>,
    %get3A_1323 = vector.shape_cast %get3A_1322 : vector<1x16xf32> to vector<16xf32>
    %select_n3A_1324 = arith.select %eq3A_1318, %get3A_1323, %get3A_1308 : vector<16xi1>, vector<16xf32>
    %broadcast_in_dim3A_1325 = arith.constant 2 : i32
    %broadcast_in_dim3A_1326 = vector.broadcast %broadcast_in_dim3A_1325 : i32 to vector<16xi32>
    %eq3A_1327 = arith.cmpi eq, %select_n3A_1277, %broadcast_in_dim3A_1326 : vector<16xi32>
    %get3A_1328 = arith.constant 10 : i32
    %get3A_1329 = arith.index_cast %get3A_1328 : i32 to index
    %get3A_1330 = arith.constant 64 : index
    %get3A_1331 = tpu.vector_load %arg6[%get3A_1329, %get3A_1330] {strides = array<i32>} : memref<32x128xf32, #tpu.memory_space<vmem>>, vector<1x16xf32>,
    %get3A_1332 = vector.shape_cast %get3A_1331 : vector<1x16xf32> to vector<16xf32>
    %select_n3A_1333 = arith.select %eq3A_1327, %get3A_1332, %select_n3A_1317 : vector<16xi1>, vector<16xf32>
    %eq3A_1334 = arith.cmpi eq, %select_n3A_1272, %broadcast_in_dim3A_1326 : vector<16xi32>
    %get3A_1335 = arith.constant 18 : i32
    %get3A_1336 = arith.index_cast %get3A_1335 : i32 to index
    %get3A_1337 = arith.constant 64 : index
    %get3A_1338 = tpu.vector_load %arg6[%get3A_1336, %get3A_1337] {strides = array<i32>} : memref<32x128xf32, #tpu.memory_space<vmem>>, vector<1x16xf32>,
    %get3A_1339 = vector.shape_cast %get3A_1338 : vector<1x16xf32> to vector<16xf32>
    %select_n3A_1340 = arith.select %eq3A_1334, %get3A_1339, %select_n3A_1324 : vector<16xi1>, vector<16xf32>
    %broadcast_in_dim3A_1341 = arith.constant 3 : i32
    %broadcast_in_dim3A_1342 = vector.broadcast %broadcast_in_dim3A_1341 : i32 to vector<16xi32>
    %eq3A_1343 = arith.cmpi eq, %select_n3A_1277, %broadcast_in_dim3A_1342 : vector<16xi32>
    %get3A_1344 = arith.constant 11 : i32
    %get3A_1345 = arith.index_cast %get3A_1344 : i32 to index
    %get3A_1346 = arith.constant 64 : index
    %get3A_1347 = tpu.vector_load %arg6[%get3A_1345, %get3A_1346] {strides = array<i32>} : memref<32x128xf32, #tpu.memory_space<vmem>>, vector<1x16xf32>,
    %get3A_1348 = vector.shape_cast %get3A_1347 : vector<1x16xf32> to vector<16xf32>
    %select_n3A_1349 = arith.select %eq3A_1343, %get3A_1348, %select_n3A_1333 : vector<16xi1>, vector<16xf32>
    %eq3A_1350 = arith.cmpi eq, %select_n3A_1272, %broadcast_in_dim3A_1342 : vector<16xi32>
    %get3A_1351 = arith.constant 19 : i32
    %get3A_1352 = arith.index_cast %get3A_1351 : i32 to index
    %get3A_1353 = arith.constant 64 : index
    %get3A_1354 = tpu.vector_load %arg6[%get3A_1352, %get3A_1353] {strides = array<i32>} : memref<32x128xf32, #tpu.memory_space<vmem>>, vector<1x16xf32>,
    %get3A_1355 = vector.shape_cast %get3A_1354 : vector<1x16xf32> to vector<16xf32>
    %select_n3A_1356 = arith.select %eq3A_1350, %get3A_1355, %select_n3A_1340 : vector<16xi1>, vector<16xf32>
    %broadcast_in_dim3A_1357 = arith.constant 4 : i32
    %broadcast_in_dim3A_1358 = vector.broadcast %broadcast_in_dim3A_1357 : i32 to vector<16xi32>
    %eq3A_1359 = arith.cmpi eq, %select_n3A_1277, %broadcast_in_dim3A_1358 : vector<16xi32>
    %get3A_1360 = arith.constant 12 : i32
    %get3A_1361 = arith.index_cast %get3A_1360 : i32 to index
    %get3A_1362 = arith.constant 64 : index
    %get3A_1363 = tpu.vector_load %arg6[%get3A_1361, %get3A_1362] {strides = array<i32>} : memref<32x128xf32, #tpu.memory_space<vmem>>, vector<1x16xf32>,
    %get3A_1364 = vector.shape_cast %get3A_1363 : vector<1x16xf32> to vector<16xf32>
    %select_n3A_1365 = arith.select %eq3A_1359, %get3A_1364, %select_n3A_1349 : vector<16xi1>, vector<16xf32>
    %eq3A_1366 = arith.cmpi eq, %select_n3A_1272, %broadcast_in_dim3A_1358 : vector<16xi32>
    %get3A_1367 = arith.constant 20 : i32
    %get3A_1368 = arith.index_cast %get3A_1367 : i32 to index
    %get3A_1369 = arith.constant 64 : index
    %get3A_1370 = tpu.vector_load %arg6[%get3A_1368, %get3A_1369] {strides = array<i32>} : memref<32x128xf32, #tpu.memory_space<vmem>>, vector<1x16xf32>,
    %get3A_1371 = vector.shape_cast %get3A_1370 : vector<1x16xf32> to vector<16xf32>
    %select_n3A_1372 = arith.select %eq3A_1366, %get3A_1371, %select_n3A_1356 : vector<16xi1>, vector<16xf32>
    %broadcast_in_dim3A_1373 = arith.constant 5 : i32
    %broadcast_in_dim3A_1374 = vector.broadcast %broadcast_in_dim3A_1373 : i32 to vector<16xi32>
    %eq3A_1375 = arith.cmpi eq, %select_n3A_1277, %broadcast_in_dim3A_1374 : vector<16xi32>
    %get3A_1376 = arith.constant 13 : i32
    %get3A_1377 = arith.index_cast %get3A_1376 : i32 to index
    %get3A_1378 = arith.constant 64 : index
    %get3A_1379 = tpu.vector_load %arg6[%get3A_1377, %get3A_1378] {strides = array<i32>} : memref<32x128xf32, #tpu.memory_space<vmem>>, vector<1x16xf32>,
    %get3A_1380 = vector.shape_cast %get3A_1379 : vector<1x16xf32> to vector<16xf32>
    %select_n3A_1381 = arith.select %eq3A_1375, %get3A_1380, %select_n3A_1365 : vector<16xi1>, vector<16xf32>
    %eq3A_1382 = arith.cmpi eq, %select_n3A_1272, %broadcast_in_dim3A_1374 : vector<16xi32>
    %get3A_1383 = arith.constant 21 : i32
    %get3A_1384 = arith.index_cast %get3A_1383 : i32 to index
    %get3A_1385 = arith.constant 64 : index
    %get3A_1386 = tpu.vector_load %arg6[%get3A_1384, %get3A_1385] {strides = array<i32>} : memref<32x128xf32, #tpu.memory_space<vmem>>, vector<1x16xf32>,
    %get3A_1387 = vector.shape_cast %get3A_1386 : vector<1x16xf32> to vector<16xf32>
    %select_n3A_1388 = arith.select %eq3A_1382, %get3A_1387, %select_n3A_1372 : vector<16xi1>, vector<16xf32>
    %broadcast_in_dim3A_1389 = arith.constant 6 : i32
    %broadcast_in_dim3A_1390 = vector.broadcast %broadcast_in_dim3A_1389 : i32 to vector<16xi32>
    %eq3A_1391 = arith.cmpi eq, %select_n3A_1277, %broadcast_in_dim3A_1390 : vector<16xi32>
    %get3A_1392 = arith.constant 14 : i32
    %get3A_1393 = arith.index_cast %get3A_1392 : i32 to index
    %get3A_1394 = arith.constant 64 : index
    %get3A_1395 = tpu.vector_load %arg6[%get3A_1393, %get3A_1394] {strides = array<i32>} : memref<32x128xf32, #tpu.memory_space<vmem>>, vector<1x16xf32>,
    %get3A_1396 = vector.shape_cast %get3A_1395 : vector<1x16xf32> to vector<16xf32>
    %select_n3A_1397 = arith.select %eq3A_1391, %get3A_1396, %select_n3A_1381 : vector<16xi1>, vector<16xf32>
    %eq3A_1398 = arith.cmpi eq, %select_n3A_1272, %broadcast_in_dim3A_1390 : vector<16xi32>
    %get3A_1399 = arith.constant 22 : i32
    %get3A_1400 = arith.index_cast %get3A_1399 : i32 to index
    %get3A_1401 = arith.constant 64 : index
    %get3A_1402 = tpu.vector_load %arg6[%get3A_1400, %get3A_1401] {strides = array<i32>} : memref<32x128xf32, #tpu.memory_space<vmem>>, vector<1x16xf32>,
    %get3A_1403 = vector.shape_cast %get3A_1402 : vector<1x16xf32> to vector<16xf32>
    %select_n3A_1404 = arith.select %eq3A_1398, %get3A_1403, %select_n3A_1388 : vector<16xi1>, vector<16xf32>
    %broadcast_in_dim3A_1405 = arith.constant 7 : i32
    %broadcast_in_dim3A_1406 = vector.broadcast %broadcast_in_dim3A_1405 : i32 to vector<16xi32>
    %eq3A_1407 = arith.cmpi eq, %select_n3A_1277, %broadcast_in_dim3A_1406 : vector<16xi32>
    %get3A_1408 = arith.constant 15 : i32
    %get3A_1409 = arith.index_cast %get3A_1408 : i32 to index
    %get3A_1410 = arith.constant 64 : index
    %get3A_1411 = tpu.vector_load %arg6[%get3A_1409, %get3A_1410] {strides = array<i32>} : memref<32x128xf32, #tpu.memory_space<vmem>>, vector<1x16xf32>,
    %get3A_1412 = vector.shape_cast %get3A_1411 : vector<1x16xf32> to vector<16xf32>
    %select_n3A_1413 = arith.select %eq3A_1407, %get3A_1412, %select_n3A_1397 : vector<16xi1>, vector<16xf32>
    %eq3A_1414 = arith.cmpi eq, %select_n3A_1272, %broadcast_in_dim3A_1406 : vector<16xi32>
    %get3A_1415 = arith.constant 23 : i32
    %get3A_1416 = arith.index_cast %get3A_1415 : i32 to index
    %get3A_1417 = arith.constant 64 : index
    %get3A_1418 = tpu.vector_load %arg6[%get3A_1416, %get3A_1417] {strides = array<i32>} : memref<32x128xf32, #tpu.memory_space<vmem>>, vector<1x16xf32>,
    %get3A_1419 = vector.shape_cast %get3A_1418 : vector<1x16xf32> to vector<16xf32>
    %select_n3A_1420 = arith.select %eq3A_1414, %get3A_1419, %select_n3A_1404 : vector<16xi1>, vector<16xf32>
    %mul3A_1421 = arith.mulf %div3A_1288, %select_n3A_1413 : vector<16xf32>
    %mul3A_1422 = arith.mulf %div3A_1298, %select_n3A_1420 : vector<16xf32>
    %add3A_1423 = arith.addf %mul3A_1421, %mul3A_1422 : vector<16xf32>
    %add3A_1424 = arith.addf %div3A_1288, %div3A_1298 : vector<16xf32>
    %div3A_1425 = arith.divf %add3A_1423, %add3A_1424 : vector<16xf32>
    %swap3A_1426 = arith.constant 64 : index
    %swap3A_1427 = tpu.vector_load %arg7[%swap3A_1426] {strides = array<i32>} : memref<128xf32, #tpu.memory_space<vmem>>, vector<16xf32>,
    %swap3A_1428 = vector.shape_cast %swap3A_1427 : vector<16xf32> to vector<16xf32>
    %swap3A_1429 = vector.shape_cast %div3A_1425 : vector<16xf32> to vector<16xf32>
    tpu.vector_store %arg7[%swap3A_1426], %swap3A_1429 {strides = array<i32>} : memref<128xf32, #tpu.memory_space<vmem>>, vector<16xf32>,
    %swap3A_1430 = arith.constant 64 : index
    %swap3A_1431 = tpu.vector_load %arg8[%swap3A_1430] {strides = array<i32>} : memref<128xi32, #tpu.memory_space<vmem>>, vector<16xi32>,
    %swap3A_1432 = vector.shape_cast %swap3A_1431 : vector<16xi32> to vector<16xi32>
    %swap3A_1433 = vector.shape_cast %select_n3A_1277 : vector<16xi32> to vector<16xi32>
    tpu.vector_store %arg8[%swap3A_1430], %swap3A_1433 {strides = array<i32>} : memref<128xi32, #tpu.memory_space<vmem>>, vector<16xi32>,
    %swap3A_1434 = arith.constant 64 : index
    %swap3A_1435 = tpu.vector_load %arg9[%swap3A_1434] {strides = array<i32>} : memref<128xi32, #tpu.memory_space<vmem>>, vector<16xi32>,
    %swap3A_1436 = vector.shape_cast %swap3A_1435 : vector<16xi32> to vector<16xi32>
    %swap3A_1437 = vector.shape_cast %select_n3A_1272 : vector<16xi32> to vector<16xi32>
    tpu.vector_store %arg9[%swap3A_1434], %swap3A_1437 {strides = array<i32>} : memref<128xi32, #tpu.memory_space<vmem>>, vector<16xi32>,
    %get3A_1438 = arith.constant 0 : i32
    %get3A_1439 = arith.index_cast %get3A_1438 : i32 to index
    %get3A_1440 = arith.constant 80 : index
    %get3A_1441 = tpu.vector_load %arg6[%get3A_1439, %get3A_1440] {strides = array<i32>} : memref<32x128xf32, #tpu.memory_space<vmem>>, vector<1x16xf32>,
    %get3A_1442 = vector.shape_cast %get3A_1441 : vector<1x16xf32> to vector<16xf32>
    %get3A_1443 = arith.constant 1 : i32
    %get3A_1444 = arith.index_cast %get3A_1443 : i32 to index
    %get3A_1445 = arith.constant 80 : index
    %get3A_1446 = tpu.vector_load %arg6[%get3A_1444, %get3A_1445] {strides = array<i32>} : memref<32x128xf32, #tpu.memory_space<vmem>>, vector<1x16xf32>,
    %get3A_1447 = vector.shape_cast %get3A_1446 : vector<1x16xf32> to vector<16xf32>
    %get3A_1448 = arith.constant 2 : i32
    %get3A_1449 = arith.index_cast %get3A_1448 : i32 to index
    %get3A_1450 = arith.constant 80 : index
    %get3A_1451 = tpu.vector_load %arg6[%get3A_1449, %get3A_1450] {strides = array<i32>} : memref<32x128xf32, #tpu.memory_space<vmem>>, vector<1x16xf32>,
    %get3A_1452 = vector.shape_cast %get3A_1451 : vector<1x16xf32> to vector<16xf32>
    %get3A_1453 = arith.constant 3 : i32
    %get3A_1454 = arith.index_cast %get3A_1453 : i32 to index
    %get3A_1455 = arith.constant 80 : index
    %get3A_1456 = tpu.vector_load %arg6[%get3A_1454, %get3A_1455] {strides = array<i32>} : memref<32x128xf32, #tpu.memory_space<vmem>>, vector<1x16xf32>,
    %get3A_1457 = vector.shape_cast %get3A_1456 : vector<1x16xf32> to vector<16xf32>
    %get3A_1458 = arith.constant 4 : i32
    %get3A_1459 = arith.index_cast %get3A_1458 : i32 to index
    %get3A_1460 = arith.constant 80 : index
    %get3A_1461 = tpu.vector_load %arg6[%get3A_1459, %get3A_1460] {strides = array<i32>} : memref<32x128xf32, #tpu.memory_space<vmem>>, vector<1x16xf32>,
    %get3A_1462 = vector.shape_cast %get3A_1461 : vector<1x16xf32> to vector<16xf32>
    %get3A_1463 = arith.constant 5 : i32
    %get3A_1464 = arith.index_cast %get3A_1463 : i32 to index
    %get3A_1465 = arith.constant 80 : index
    %get3A_1466 = tpu.vector_load %arg6[%get3A_1464, %get3A_1465] {strides = array<i32>} : memref<32x128xf32, #tpu.memory_space<vmem>>, vector<1x16xf32>,
    %get3A_1467 = vector.shape_cast %get3A_1466 : vector<1x16xf32> to vector<16xf32>
    %get3A_1468 = arith.constant 6 : i32
    %get3A_1469 = arith.index_cast %get3A_1468 : i32 to index
    %get3A_1470 = arith.constant 80 : index
    %get3A_1471 = tpu.vector_load %arg6[%get3A_1469, %get3A_1470] {strides = array<i32>} : memref<32x128xf32, #tpu.memory_space<vmem>>, vector<1x16xf32>,
    %get3A_1472 = vector.shape_cast %get3A_1471 : vector<1x16xf32> to vector<16xf32>
    %get3A_1473 = arith.constant 7 : i32
    %get3A_1474 = arith.index_cast %get3A_1473 : i32 to index
    %get3A_1475 = arith.constant 80 : index
    %get3A_1476 = tpu.vector_load %arg6[%get3A_1474, %get3A_1475] {strides = array<i32>} : memref<32x128xf32, #tpu.memory_space<vmem>>, vector<1x16xf32>,
    %get3A_1477 = vector.shape_cast %get3A_1476 : vector<1x16xf32> to vector<16xf32>
    %broadcast_in_dim3A_1478 = arith.constant 0 : i32
    %broadcast_in_dim3A_1479 = vector.broadcast %broadcast_in_dim3A_1478 : i32 to vector<16xi32>
    %broadcast_in_dim3A_1480 = arith.constant -1.000000e+30 : f32
    %broadcast_in_dim3A_1481 = vector.broadcast %broadcast_in_dim3A_1480 : f32 to vector<16xf32>
    %broadcast_in_dim3A_1482 = arith.constant 0 : i32
    %broadcast_in_dim3A_1483 = vector.broadcast %broadcast_in_dim3A_1482 : i32 to vector<16xi32>
    %broadcast_in_dim3A_1484 = arith.constant 1 : i32
    %broadcast_in_dim3A_1485 = vector.broadcast %broadcast_in_dim3A_1484 : i32 to vector<16xi32>
    %gt3A_1486 = arith.cmpf ogt, %get3A_1447, %get3A_1442 : vector<16xf32>
    %gt3A_1487 = arith.cmpf ogt, %get3A_1447, %broadcast_in_dim3A_1481 : vector<16xf32>
    %select_n3A_1488 = arith.select %gt3A_1487, %broadcast_in_dim3A_1485, %broadcast_in_dim3A_1483 : vector<16xi1>, vector<16xi32>
    %select_n3A_1489 = arith.select %gt3A_1486, %broadcast_in_dim3A_1479, %select_n3A_1488 : vector<16xi1>, vector<16xi32>
    %gt3A_1490 = arith.cmpf ogt, %get3A_1447, %get3A_1442 : vector<16xf32>
    %max3A_1491 = arith.maximumf %broadcast_in_dim3A_1481, %get3A_1447 : vector<16xf32>
    %select_n3A_1492 = arith.select %gt3A_1490, %get3A_1442, %max3A_1491 : vector<16xi1>, vector<16xf32>
    %gt3A_1493 = arith.cmpf ogt, %get3A_1447, %get3A_1442 : vector<16xf32>
    %select_n3A_1494 = arith.select %gt3A_1493, %broadcast_in_dim3A_1485, %broadcast_in_dim3A_1479 : vector<16xi1>, vector<16xi32>
    %max3A_1495 = arith.maximumf %get3A_1442, %get3A_1447 : vector<16xf32>
    %broadcast_in_dim3A_1496 = arith.constant 2 : i32
    %broadcast_in_dim3A_1497 = vector.broadcast %broadcast_in_dim3A_1496 : i32 to vector<16xi32>
    %gt3A_1498 = arith.cmpf ogt, %get3A_1452, %max3A_1495 : vector<16xf32>
    %gt3A_1499 = arith.cmpf ogt, %get3A_1452, %select_n3A_1492 : vector<16xf32>
    %select_n3A_1500 = arith.select %gt3A_1499, %broadcast_in_dim3A_1497, %select_n3A_1489 : vector<16xi1>, vector<16xi32>
    %select_n3A_1501 = arith.select %gt3A_1498, %select_n3A_1494, %select_n3A_1500 : vector<16xi1>, vector<16xi32>
    %gt3A_1502 = arith.cmpf ogt, %get3A_1452, %max3A_1495 : vector<16xf32>
    %max3A_1503 = arith.maximumf %select_n3A_1492, %get3A_1452 : vector<16xf32>
    %select_n3A_1504 = arith.select %gt3A_1502, %max3A_1495, %max3A_1503 : vector<16xi1>, vector<16xf32>
    %gt3A_1505 = arith.cmpf ogt, %get3A_1452, %max3A_1495 : vector<16xf32>
    %select_n3A_1506 = arith.select %gt3A_1505, %broadcast_in_dim3A_1497, %select_n3A_1494 : vector<16xi1>, vector<16xi32>
    %max3A_1507 = arith.maximumf %max3A_1495, %get3A_1452 : vector<16xf32>
    %broadcast_in_dim3A_1508 = arith.constant 3 : i32
    %broadcast_in_dim3A_1509 = vector.broadcast %broadcast_in_dim3A_1508 : i32 to vector<16xi32>
    %gt3A_1510 = arith.cmpf ogt, %get3A_1457, %max3A_1507 : vector<16xf32>
    %gt3A_1511 = arith.cmpf ogt, %get3A_1457, %select_n3A_1504 : vector<16xf32>
    %select_n3A_1512 = arith.select %gt3A_1511, %broadcast_in_dim3A_1509, %select_n3A_1501 : vector<16xi1>, vector<16xi32>
    %select_n3A_1513 = arith.select %gt3A_1510, %select_n3A_1506, %select_n3A_1512 : vector<16xi1>, vector<16xi32>
    %gt3A_1514 = arith.cmpf ogt, %get3A_1457, %max3A_1507 : vector<16xf32>
    %max3A_1515 = arith.maximumf %select_n3A_1504, %get3A_1457 : vector<16xf32>
    %select_n3A_1516 = arith.select %gt3A_1514, %max3A_1507, %max3A_1515 : vector<16xi1>, vector<16xf32>
    %gt3A_1517 = arith.cmpf ogt, %get3A_1457, %max3A_1507 : vector<16xf32>
    %select_n3A_1518 = arith.select %gt3A_1517, %broadcast_in_dim3A_1509, %select_n3A_1506 : vector<16xi1>, vector<16xi32>
    %max3A_1519 = arith.maximumf %max3A_1507, %get3A_1457 : vector<16xf32>
    %broadcast_in_dim3A_1520 = arith.constant 4 : i32
    %broadcast_in_dim3A_1521 = vector.broadcast %broadcast_in_dim3A_1520 : i32 to vector<16xi32>
    %gt3A_1522 = arith.cmpf ogt, %get3A_1462, %max3A_1519 : vector<16xf32>
    %gt3A_1523 = arith.cmpf ogt, %get3A_1462, %select_n3A_1516 : vector<16xf32>
    %select_n3A_1524 = arith.select %gt3A_1523, %broadcast_in_dim3A_1521, %select_n3A_1513 : vector<16xi1>, vector<16xi32>
    %select_n3A_1525 = arith.select %gt3A_1522, %select_n3A_1518, %select_n3A_1524 : vector<16xi1>, vector<16xi32>
    %gt3A_1526 = arith.cmpf ogt, %get3A_1462, %max3A_1519 : vector<16xf32>
    %max3A_1527 = arith.maximumf %select_n3A_1516, %get3A_1462 : vector<16xf32>
    %select_n3A_1528 = arith.select %gt3A_1526, %max3A_1519, %max3A_1527 : vector<16xi1>, vector<16xf32>
    %gt3A_1529 = arith.cmpf ogt, %get3A_1462, %max3A_1519 : vector<16xf32>
    %select_n3A_1530 = arith.select %gt3A_1529, %broadcast_in_dim3A_1521, %select_n3A_1518 : vector<16xi1>, vector<16xi32>
    %max3A_1531 = arith.maximumf %max3A_1519, %get3A_1462 : vector<16xf32>
    %broadcast_in_dim3A_1532 = arith.constant 5 : i32
    %broadcast_in_dim3A_1533 = vector.broadcast %broadcast_in_dim3A_1532 : i32 to vector<16xi32>
    %gt3A_1534 = arith.cmpf ogt, %get3A_1467, %max3A_1531 : vector<16xf32>
    %gt3A_1535 = arith.cmpf ogt, %get3A_1467, %select_n3A_1528 : vector<16xf32>
    %select_n3A_1536 = arith.select %gt3A_1535, %broadcast_in_dim3A_1533, %select_n3A_1525 : vector<16xi1>, vector<16xi32>
    %select_n3A_1537 = arith.select %gt3A_1534, %select_n3A_1530, %select_n3A_1536 : vector<16xi1>, vector<16xi32>
    %gt3A_1538 = arith.cmpf ogt, %get3A_1467, %max3A_1531 : vector<16xf32>
    %max3A_1539 = arith.maximumf %select_n3A_1528, %get3A_1467 : vector<16xf32>
    %select_n3A_1540 = arith.select %gt3A_1538, %max3A_1531, %max3A_1539 : vector<16xi1>, vector<16xf32>
    %gt3A_1541 = arith.cmpf ogt, %get3A_1467, %max3A_1531 : vector<16xf32>
    %select_n3A_1542 = arith.select %gt3A_1541, %broadcast_in_dim3A_1533, %select_n3A_1530 : vector<16xi1>, vector<16xi32>
    %max3A_1543 = arith.maximumf %max3A_1531, %get3A_1467 : vector<16xf32>
    %broadcast_in_dim3A_1544 = arith.constant 6 : i32
    %broadcast_in_dim3A_1545 = vector.broadcast %broadcast_in_dim3A_1544 : i32 to vector<16xi32>
    %gt3A_1546 = arith.cmpf ogt, %get3A_1472, %max3A_1543 : vector<16xf32>
    %gt3A_1547 = arith.cmpf ogt, %get3A_1472, %select_n3A_1540 : vector<16xf32>
    %select_n3A_1548 = arith.select %gt3A_1547, %broadcast_in_dim3A_1545, %select_n3A_1537 : vector<16xi1>, vector<16xi32>
    %select_n3A_1549 = arith.select %gt3A_1546, %select_n3A_1542, %select_n3A_1548 : vector<16xi1>, vector<16xi32>
    %gt3A_1550 = arith.cmpf ogt, %get3A_1472, %max3A_1543 : vector<16xf32>
    %max3A_1551 = arith.maximumf %select_n3A_1540, %get3A_1472 : vector<16xf32>
    %select_n3A_1552 = arith.select %gt3A_1550, %max3A_1543, %max3A_1551 : vector<16xi1>, vector<16xf32>
    %gt3A_1553 = arith.cmpf ogt, %get3A_1472, %max3A_1543 : vector<16xf32>
    %select_n3A_1554 = arith.select %gt3A_1553, %broadcast_in_dim3A_1545, %select_n3A_1542 : vector<16xi1>, vector<16xi32>
    %max3A_1555 = arith.maximumf %max3A_1543, %get3A_1472 : vector<16xf32>
    %broadcast_in_dim3A_1556 = arith.constant 7 : i32
    %broadcast_in_dim3A_1557 = vector.broadcast %broadcast_in_dim3A_1556 : i32 to vector<16xi32>
    %gt3A_1558 = arith.cmpf ogt, %get3A_1477, %max3A_1555 : vector<16xf32>
    %gt3A_1559 = arith.cmpf ogt, %get3A_1477, %select_n3A_1552 : vector<16xf32>
    %select_n3A_1560 = arith.select %gt3A_1559, %broadcast_in_dim3A_1557, %select_n3A_1549 : vector<16xi1>, vector<16xi32>
    %select_n3A_1561 = arith.select %gt3A_1558, %select_n3A_1554, %select_n3A_1560 : vector<16xi1>, vector<16xi32>
    %gt3A_1562 = arith.cmpf ogt, %get3A_1477, %max3A_1555 : vector<16xf32>
    %max3A_1563 = arith.maximumf %select_n3A_1552, %get3A_1477 : vector<16xf32>
    %select_n3A_1564 = arith.select %gt3A_1562, %max3A_1555, %max3A_1563 : vector<16xi1>, vector<16xf32>
    %gt3A_1565 = arith.cmpf ogt, %get3A_1477, %max3A_1555 : vector<16xf32>
    %select_n3A_1566 = arith.select %gt3A_1565, %broadcast_in_dim3A_1557, %select_n3A_1554 : vector<16xi1>, vector<16xi32>
    %max3A_1567 = arith.maximumf %max3A_1555, %get3A_1477 : vector<16xf32>
    %neg3A_1568 = arith.constant 0.000000e+00 : f32
    %neg3A_1569 = vector.broadcast %neg3A_1568 : f32 to vector<16xf32>
    %neg3A_1570 = arith.subf %neg3A_1569, %max3A_1567 : vector<16xf32>
    %exp3A_1571 = math.exp %neg3A_1570 : vector<16xf32>
    %add3A_1572 = arith.constant 1.000000e+00 : f32
    %add3A_1573 = vector.broadcast %add3A_1572 : f32 to vector<16xf32>
    %add3A_1574 = arith.addf %add3A_1573, %exp3A_1571 : vector<16xf32>
    %div3A_1575 = arith.constant 1.000000e+00 : f32
    %div3A_1576 = vector.broadcast %div3A_1575 : f32 to vector<16xf32>
    %div3A_1577 = arith.divf %div3A_1576, %add3A_1574 : vector<16xf32>
    %neg3A_1578 = arith.constant 0.000000e+00 : f32
    %neg3A_1579 = vector.broadcast %neg3A_1578 : f32 to vector<16xf32>
    %neg3A_1580 = arith.subf %neg3A_1579, %select_n3A_1564 : vector<16xf32>
    %exp3A_1581 = math.exp %neg3A_1580 : vector<16xf32>
    %add3A_1582 = arith.constant 1.000000e+00 : f32
    %add3A_1583 = vector.broadcast %add3A_1582 : f32 to vector<16xf32>
    %add3A_1584 = arith.addf %add3A_1583, %exp3A_1581 : vector<16xf32>
    %div3A_1585 = arith.constant 1.000000e+00 : f32
    %div3A_1586 = vector.broadcast %div3A_1585 : f32 to vector<16xf32>
    %div3A_1587 = arith.divf %div3A_1586, %add3A_1584 : vector<16xf32>
    %get3A_1588 = arith.constant 8 : i32
    %get3A_1589 = arith.index_cast %get3A_1588 : i32 to index
    %get3A_1590 = arith.constant 80 : index
    %get3A_1591 = tpu.vector_load %arg6[%get3A_1589, %get3A_1590] {strides = array<i32>} : memref<32x128xf32, #tpu.memory_space<vmem>>, vector<1x16xf32>,
    %get3A_1592 = vector.shape_cast %get3A_1591 : vector<1x16xf32> to vector<16xf32>
    %get3A_1593 = arith.constant 16 : i32
    %get3A_1594 = arith.index_cast %get3A_1593 : i32 to index
    %get3A_1595 = arith.constant 80 : index
    %get3A_1596 = tpu.vector_load %arg6[%get3A_1594, %get3A_1595] {strides = array<i32>} : memref<32x128xf32, #tpu.memory_space<vmem>>, vector<1x16xf32>,
    %get3A_1597 = vector.shape_cast %get3A_1596 : vector<1x16xf32> to vector<16xf32>
    %broadcast_in_dim3A_1598 = arith.constant 1 : i32
    %broadcast_in_dim3A_1599 = vector.broadcast %broadcast_in_dim3A_1598 : i32 to vector<16xi32>
    %eq3A_1600 = arith.cmpi eq, %select_n3A_1566, %broadcast_in_dim3A_1599 : vector<16xi32>
    %get3A_1601 = arith.constant 9 : i32
    %get3A_1602 = arith.index_cast %get3A_1601 : i32 to index
    %get3A_1603 = arith.constant 80 : index
    %get3A_1604 = tpu.vector_load %arg6[%get3A_1602, %get3A_1603] {strides = array<i32>} : memref<32x128xf32, #tpu.memory_space<vmem>>, vector<1x16xf32>,
    %get3A_1605 = vector.shape_cast %get3A_1604 : vector<1x16xf32> to vector<16xf32>
    %select_n3A_1606 = arith.select %eq3A_1600, %get3A_1605, %get3A_1592 : vector<16xi1>, vector<16xf32>
    %eq3A_1607 = arith.cmpi eq, %select_n3A_1561, %broadcast_in_dim3A_1599 : vector<16xi32>
    %get3A_1608 = arith.constant 17 : i32
    %get3A_1609 = arith.index_cast %get3A_1608 : i32 to index
    %get3A_1610 = arith.constant 80 : index
    %get3A_1611 = tpu.vector_load %arg6[%get3A_1609, %get3A_1610] {strides = array<i32>} : memref<32x128xf32, #tpu.memory_space<vmem>>, vector<1x16xf32>,
    %get3A_1612 = vector.shape_cast %get3A_1611 : vector<1x16xf32> to vector<16xf32>
    %select_n3A_1613 = arith.select %eq3A_1607, %get3A_1612, %get3A_1597 : vector<16xi1>, vector<16xf32>
    %broadcast_in_dim3A_1614 = arith.constant 2 : i32
    %broadcast_in_dim3A_1615 = vector.broadcast %broadcast_in_dim3A_1614 : i32 to vector<16xi32>
    %eq3A_1616 = arith.cmpi eq, %select_n3A_1566, %broadcast_in_dim3A_1615 : vector<16xi32>
    %get3A_1617 = arith.constant 10 : i32
    %get3A_1618 = arith.index_cast %get3A_1617 : i32 to index
    %get3A_1619 = arith.constant 80 : index
    %get3A_1620 = tpu.vector_load %arg6[%get3A_1618, %get3A_1619] {strides = array<i32>} : memref<32x128xf32, #tpu.memory_space<vmem>>, vector<1x16xf32>,
    %get3A_1621 = vector.shape_cast %get3A_1620 : vector<1x16xf32> to vector<16xf32>
    %select_n3A_1622 = arith.select %eq3A_1616, %get3A_1621, %select_n3A_1606 : vector<16xi1>, vector<16xf32>
    %eq3A_1623 = arith.cmpi eq, %select_n3A_1561, %broadcast_in_dim3A_1615 : vector<16xi32>
    %get3A_1624 = arith.constant 18 : i32
    %get3A_1625 = arith.index_cast %get3A_1624 : i32 to index
    %get3A_1626 = arith.constant 80 : index
    %get3A_1627 = tpu.vector_load %arg6[%get3A_1625, %get3A_1626] {strides = array<i32>} : memref<32x128xf32, #tpu.memory_space<vmem>>, vector<1x16xf32>,
    %get3A_1628 = vector.shape_cast %get3A_1627 : vector<1x16xf32> to vector<16xf32>
    %select_n3A_1629 = arith.select %eq3A_1623, %get3A_1628, %select_n3A_1613 : vector<16xi1>, vector<16xf32>
    %broadcast_in_dim3A_1630 = arith.constant 3 : i32
    %broadcast_in_dim3A_1631 = vector.broadcast %broadcast_in_dim3A_1630 : i32 to vector<16xi32>
    %eq3A_1632 = arith.cmpi eq, %select_n3A_1566, %broadcast_in_dim3A_1631 : vector<16xi32>
    %get3A_1633 = arith.constant 11 : i32
    %get3A_1634 = arith.index_cast %get3A_1633 : i32 to index
    %get3A_1635 = arith.constant 80 : index
    %get3A_1636 = tpu.vector_load %arg6[%get3A_1634, %get3A_1635] {strides = array<i32>} : memref<32x128xf32, #tpu.memory_space<vmem>>, vector<1x16xf32>,
    %get3A_1637 = vector.shape_cast %get3A_1636 : vector<1x16xf32> to vector<16xf32>
    %select_n3A_1638 = arith.select %eq3A_1632, %get3A_1637, %select_n3A_1622 : vector<16xi1>, vector<16xf32>
    %eq3A_1639 = arith.cmpi eq, %select_n3A_1561, %broadcast_in_dim3A_1631 : vector<16xi32>
    %get3A_1640 = arith.constant 19 : i32
    %get3A_1641 = arith.index_cast %get3A_1640 : i32 to index
    %get3A_1642 = arith.constant 80 : index
    %get3A_1643 = tpu.vector_load %arg6[%get3A_1641, %get3A_1642] {strides = array<i32>} : memref<32x128xf32, #tpu.memory_space<vmem>>, vector<1x16xf32>,
    %get3A_1644 = vector.shape_cast %get3A_1643 : vector<1x16xf32> to vector<16xf32>
    %select_n3A_1645 = arith.select %eq3A_1639, %get3A_1644, %select_n3A_1629 : vector<16xi1>, vector<16xf32>
    %broadcast_in_dim3A_1646 = arith.constant 4 : i32
    %broadcast_in_dim3A_1647 = vector.broadcast %broadcast_in_dim3A_1646 : i32 to vector<16xi32>
    %eq3A_1648 = arith.cmpi eq, %select_n3A_1566, %broadcast_in_dim3A_1647 : vector<16xi32>
    %get3A_1649 = arith.constant 12 : i32
    %get3A_1650 = arith.index_cast %get3A_1649 : i32 to index
    %get3A_1651 = arith.constant 80 : index
    %get3A_1652 = tpu.vector_load %arg6[%get3A_1650, %get3A_1651] {strides = array<i32>} : memref<32x128xf32, #tpu.memory_space<vmem>>, vector<1x16xf32>,
    %get3A_1653 = vector.shape_cast %get3A_1652 : vector<1x16xf32> to vector<16xf32>
    %select_n3A_1654 = arith.select %eq3A_1648, %get3A_1653, %select_n3A_1638 : vector<16xi1>, vector<16xf32>
    %eq3A_1655 = arith.cmpi eq, %select_n3A_1561, %broadcast_in_dim3A_1647 : vector<16xi32>
    %get3A_1656 = arith.constant 20 : i32
    %get3A_1657 = arith.index_cast %get3A_1656 : i32 to index
    %get3A_1658 = arith.constant 80 : index
    %get3A_1659 = tpu.vector_load %arg6[%get3A_1657, %get3A_1658] {strides = array<i32>} : memref<32x128xf32, #tpu.memory_space<vmem>>, vector<1x16xf32>,
    %get3A_1660 = vector.shape_cast %get3A_1659 : vector<1x16xf32> to vector<16xf32>
    %select_n3A_1661 = arith.select %eq3A_1655, %get3A_1660, %select_n3A_1645 : vector<16xi1>, vector<16xf32>
    %broadcast_in_dim3A_1662 = arith.constant 5 : i32
    %broadcast_in_dim3A_1663 = vector.broadcast %broadcast_in_dim3A_1662 : i32 to vector<16xi32>
    %eq3A_1664 = arith.cmpi eq, %select_n3A_1566, %broadcast_in_dim3A_1663 : vector<16xi32>
    %get3A_1665 = arith.constant 13 : i32
    %get3A_1666 = arith.index_cast %get3A_1665 : i32 to index
    %get3A_1667 = arith.constant 80 : index
    %get3A_1668 = tpu.vector_load %arg6[%get3A_1666, %get3A_1667] {strides = array<i32>} : memref<32x128xf32, #tpu.memory_space<vmem>>, vector<1x16xf32>,
    %get3A_1669 = vector.shape_cast %get3A_1668 : vector<1x16xf32> to vector<16xf32>
    %select_n3A_1670 = arith.select %eq3A_1664, %get3A_1669, %select_n3A_1654 : vector<16xi1>, vector<16xf32>
    %eq3A_1671 = arith.cmpi eq, %select_n3A_1561, %broadcast_in_dim3A_1663 : vector<16xi32>
    %get3A_1672 = arith.constant 21 : i32
    %get3A_1673 = arith.index_cast %get3A_1672 : i32 to index
    %get3A_1674 = arith.constant 80 : index
    %get3A_1675 = tpu.vector_load %arg6[%get3A_1673, %get3A_1674] {strides = array<i32>} : memref<32x128xf32, #tpu.memory_space<vmem>>, vector<1x16xf32>,
    %get3A_1676 = vector.shape_cast %get3A_1675 : vector<1x16xf32> to vector<16xf32>
    %select_n3A_1677 = arith.select %eq3A_1671, %get3A_1676, %select_n3A_1661 : vector<16xi1>, vector<16xf32>
    %broadcast_in_dim3A_1678 = arith.constant 6 : i32
    %broadcast_in_dim3A_1679 = vector.broadcast %broadcast_in_dim3A_1678 : i32 to vector<16xi32>
    %eq3A_1680 = arith.cmpi eq, %select_n3A_1566, %broadcast_in_dim3A_1679 : vector<16xi32>
    %get3A_1681 = arith.constant 14 : i32
    %get3A_1682 = arith.index_cast %get3A_1681 : i32 to index
    %get3A_1683 = arith.constant 80 : index
    %get3A_1684 = tpu.vector_load %arg6[%get3A_1682, %get3A_1683] {strides = array<i32>} : memref<32x128xf32, #tpu.memory_space<vmem>>, vector<1x16xf32>,
    %get3A_1685 = vector.shape_cast %get3A_1684 : vector<1x16xf32> to vector<16xf32>
    %select_n3A_1686 = arith.select %eq3A_1680, %get3A_1685, %select_n3A_1670 : vector<16xi1>, vector<16xf32>
    %eq3A_1687 = arith.cmpi eq, %select_n3A_1561, %broadcast_in_dim3A_1679 : vector<16xi32>
    %get3A_1688 = arith.constant 22 : i32
    %get3A_1689 = arith.index_cast %get3A_1688 : i32 to index
    %get3A_1690 = arith.constant 80 : index
    %get3A_1691 = tpu.vector_load %arg6[%get3A_1689, %get3A_1690] {strides = array<i32>} : memref<32x128xf32, #tpu.memory_space<vmem>>, vector<1x16xf32>,
    %get3A_1692 = vector.shape_cast %get3A_1691 : vector<1x16xf32> to vector<16xf32>
    %select_n3A_1693 = arith.select %eq3A_1687, %get3A_1692, %select_n3A_1677 : vector<16xi1>, vector<16xf32>
    %broadcast_in_dim3A_1694 = arith.constant 7 : i32
    %broadcast_in_dim3A_1695 = vector.broadcast %broadcast_in_dim3A_1694 : i32 to vector<16xi32>
    %eq3A_1696 = arith.cmpi eq, %select_n3A_1566, %broadcast_in_dim3A_1695 : vector<16xi32>
    %get3A_1697 = arith.constant 15 : i32
    %get3A_1698 = arith.index_cast %get3A_1697 : i32 to index
    %get3A_1699 = arith.constant 80 : index
    %get3A_1700 = tpu.vector_load %arg6[%get3A_1698, %get3A_1699] {strides = array<i32>} : memref<32x128xf32, #tpu.memory_space<vmem>>, vector<1x16xf32>,
    %get3A_1701 = vector.shape_cast %get3A_1700 : vector<1x16xf32> to vector<16xf32>
    %select_n3A_1702 = arith.select %eq3A_1696, %get3A_1701, %select_n3A_1686 : vector<16xi1>, vector<16xf32>
    %eq3A_1703 = arith.cmpi eq, %select_n3A_1561, %broadcast_in_dim3A_1695 : vector<16xi32>
    %get3A_1704 = arith.constant 23 : i32
    %get3A_1705 = arith.index_cast %get3A_1704 : i32 to index
    %get3A_1706 = arith.constant 80 : index
    %get3A_1707 = tpu.vector_load %arg6[%get3A_1705, %get3A_1706] {strides = array<i32>} : memref<32x128xf32, #tpu.memory_space<vmem>>, vector<1x16xf32>,
    %get3A_1708 = vector.shape_cast %get3A_1707 : vector<1x16xf32> to vector<16xf32>
    %select_n3A_1709 = arith.select %eq3A_1703, %get3A_1708, %select_n3A_1693 : vector<16xi1>, vector<16xf32>
    %mul3A_1710 = arith.mulf %div3A_1577, %select_n3A_1702 : vector<16xf32>
    %mul3A_1711 = arith.mulf %div3A_1587, %select_n3A_1709 : vector<16xf32>
    %add3A_1712 = arith.addf %mul3A_1710, %mul3A_1711 : vector<16xf32>
    %add3A_1713 = arith.addf %div3A_1577, %div3A_1587 : vector<16xf32>
    %div3A_1714 = arith.divf %add3A_1712, %add3A_1713 : vector<16xf32>
    %swap3A_1715 = arith.constant 80 : index
    %swap3A_1716 = tpu.vector_load %arg7[%swap3A_1715] {strides = array<i32>} : memref<128xf32, #tpu.memory_space<vmem>>, vector<16xf32>,
    %swap3A_1717 = vector.shape_cast %swap3A_1716 : vector<16xf32> to vector<16xf32>
    %swap3A_1718 = vector.shape_cast %div3A_1714 : vector<16xf32> to vector<16xf32>
    tpu.vector_store %arg7[%swap3A_1715], %swap3A_1718 {strides = array<i32>} : memref<128xf32, #tpu.memory_space<vmem>>, vector<16xf32>,
    %swap3A_1719 = arith.constant 80 : index
    %swap3A_1720 = tpu.vector_load %arg8[%swap3A_1719] {strides = array<i32>} : memref<128xi32, #tpu.memory_space<vmem>>, vector<16xi32>,
    %swap3A_1721 = vector.shape_cast %swap3A_1720 : vector<16xi32> to vector<16xi32>
    %swap3A_1722 = vector.shape_cast %select_n3A_1566 : vector<16xi32> to vector<16xi32>
    tpu.vector_store %arg8[%swap3A_1719], %swap3A_1722 {strides = array<i32>} : memref<128xi32, #tpu.memory_space<vmem>>, vector<16xi32>,
    %swap3A_1723 = arith.constant 80 : index
    %swap3A_1724 = tpu.vector_load %arg9[%swap3A_1723] {strides = array<i32>} : memref<128xi32, #tpu.memory_space<vmem>>, vector<16xi32>,
    %swap3A_1725 = vector.shape_cast %swap3A_1724 : vector<16xi32> to vector<16xi32>
    %swap3A_1726 = vector.shape_cast %select_n3A_1561 : vector<16xi32> to vector<16xi32>
    tpu.vector_store %arg9[%swap3A_1723], %swap3A_1726 {strides = array<i32>} : memref<128xi32, #tpu.memory_space<vmem>>, vector<16xi32>,
    %get3A_1727 = arith.constant 0 : i32
    %get3A_1728 = arith.index_cast %get3A_1727 : i32 to index
    %get3A_1729 = arith.constant 96 : index
    %get3A_1730 = tpu.vector_load %arg6[%get3A_1728, %get3A_1729] {strides = array<i32>} : memref<32x128xf32, #tpu.memory_space<vmem>>, vector<1x16xf32>,
    %get3A_1731 = vector.shape_cast %get3A_1730 : vector<1x16xf32> to vector<16xf32>
    %get3A_1732 = arith.constant 1 : i32
    %get3A_1733 = arith.index_cast %get3A_1732 : i32 to index
    %get3A_1734 = arith.constant 96 : index
    %get3A_1735 = tpu.vector_load %arg6[%get3A_1733, %get3A_1734] {strides = array<i32>} : memref<32x128xf32, #tpu.memory_space<vmem>>, vector<1x16xf32>,
    %get3A_1736 = vector.shape_cast %get3A_1735 : vector<1x16xf32> to vector<16xf32>
    %get3A_1737 = arith.constant 2 : i32
    %get3A_1738 = arith.index_cast %get3A_1737 : i32 to index
    %get3A_1739 = arith.constant 96 : index
    %get3A_1740 = tpu.vector_load %arg6[%get3A_1738, %get3A_1739] {strides = array<i32>} : memref<32x128xf32, #tpu.memory_space<vmem>>, vector<1x16xf32>,
    %get3A_1741 = vector.shape_cast %get3A_1740 : vector<1x16xf32> to vector<16xf32>
    %get3A_1742 = arith.constant 3 : i32
    %get3A_1743 = arith.index_cast %get3A_1742 : i32 to index
    %get3A_1744 = arith.constant 96 : index
    %get3A_1745 = tpu.vector_load %arg6[%get3A_1743, %get3A_1744] {strides = array<i32>} : memref<32x128xf32, #tpu.memory_space<vmem>>, vector<1x16xf32>,
    %get3A_1746 = vector.shape_cast %get3A_1745 : vector<1x16xf32> to vector<16xf32>
    %get3A_1747 = arith.constant 4 : i32
    %get3A_1748 = arith.index_cast %get3A_1747 : i32 to index
    %get3A_1749 = arith.constant 96 : index
    %get3A_1750 = tpu.vector_load %arg6[%get3A_1748, %get3A_1749] {strides = array<i32>} : memref<32x128xf32, #tpu.memory_space<vmem>>, vector<1x16xf32>,
    %get3A_1751 = vector.shape_cast %get3A_1750 : vector<1x16xf32> to vector<16xf32>
    %get3A_1752 = arith.constant 5 : i32
    %get3A_1753 = arith.index_cast %get3A_1752 : i32 to index
    %get3A_1754 = arith.constant 96 : index
    %get3A_1755 = tpu.vector_load %arg6[%get3A_1753, %get3A_1754] {strides = array<i32>} : memref<32x128xf32, #tpu.memory_space<vmem>>, vector<1x16xf32>,
    %get3A_1756 = vector.shape_cast %get3A_1755 : vector<1x16xf32> to vector<16xf32>
    %get3A_1757 = arith.constant 6 : i32
    %get3A_1758 = arith.index_cast %get3A_1757 : i32 to index
    %get3A_1759 = arith.constant 96 : index
    %get3A_1760 = tpu.vector_load %arg6[%get3A_1758, %get3A_1759] {strides = array<i32>} : memref<32x128xf32, #tpu.memory_space<vmem>>, vector<1x16xf32>,
    %get3A_1761 = vector.shape_cast %get3A_1760 : vector<1x16xf32> to vector<16xf32>
    %get3A_1762 = arith.constant 7 : i32
    %get3A_1763 = arith.index_cast %get3A_1762 : i32 to index
    %get3A_1764 = arith.constant 96 : index
    %get3A_1765 = tpu.vector_load %arg6[%get3A_1763, %get3A_1764] {strides = array<i32>} : memref<32x128xf32, #tpu.memory_space<vmem>>, vector<1x16xf32>,
    %get3A_1766 = vector.shape_cast %get3A_1765 : vector<1x16xf32> to vector<16xf32>
    %broadcast_in_dim3A_1767 = arith.constant 0 : i32
    %broadcast_in_dim3A_1768 = vector.broadcast %broadcast_in_dim3A_1767 : i32 to vector<16xi32>
    %broadcast_in_dim3A_1769 = arith.constant -1.000000e+30 : f32
    %broadcast_in_dim3A_1770 = vector.broadcast %broadcast_in_dim3A_1769 : f32 to vector<16xf32>
    %broadcast_in_dim3A_1771 = arith.constant 0 : i32
    %broadcast_in_dim3A_1772 = vector.broadcast %broadcast_in_dim3A_1771 : i32 to vector<16xi32>
    %broadcast_in_dim3A_1773 = arith.constant 1 : i32
    %broadcast_in_dim3A_1774 = vector.broadcast %broadcast_in_dim3A_1773 : i32 to vector<16xi32>
    %gt3A_1775 = arith.cmpf ogt, %get3A_1736, %get3A_1731 : vector<16xf32>
    %gt3A_1776 = arith.cmpf ogt, %get3A_1736, %broadcast_in_dim3A_1770 : vector<16xf32>
    %select_n3A_1777 = arith.select %gt3A_1776, %broadcast_in_dim3A_1774, %broadcast_in_dim3A_1772 : vector<16xi1>, vector<16xi32>
    %select_n3A_1778 = arith.select %gt3A_1775, %broadcast_in_dim3A_1768, %select_n3A_1777 : vector<16xi1>, vector<16xi32>
    %gt3A_1779 = arith.cmpf ogt, %get3A_1736, %get3A_1731 : vector<16xf32>
    %max3A_1780 = arith.maximumf %broadcast_in_dim3A_1770, %get3A_1736 : vector<16xf32>
    %select_n3A_1781 = arith.select %gt3A_1779, %get3A_1731, %max3A_1780 : vector<16xi1>, vector<16xf32>
    %gt3A_1782 = arith.cmpf ogt, %get3A_1736, %get3A_1731 : vector<16xf32>
    %select_n3A_1783 = arith.select %gt3A_1782, %broadcast_in_dim3A_1774, %broadcast_in_dim3A_1768 : vector<16xi1>, vector<16xi32>
    %max3A_1784 = arith.maximumf %get3A_1731, %get3A_1736 : vector<16xf32>
    %broadcast_in_dim3A_1785 = arith.constant 2 : i32
    %broadcast_in_dim3A_1786 = vector.broadcast %broadcast_in_dim3A_1785 : i32 to vector<16xi32>
    %gt3A_1787 = arith.cmpf ogt, %get3A_1741, %max3A_1784 : vector<16xf32>
    %gt3A_1788 = arith.cmpf ogt, %get3A_1741, %select_n3A_1781 : vector<16xf32>
    %select_n3A_1789 = arith.select %gt3A_1788, %broadcast_in_dim3A_1786, %select_n3A_1778 : vector<16xi1>, vector<16xi32>
    %select_n3A_1790 = arith.select %gt3A_1787, %select_n3A_1783, %select_n3A_1789 : vector<16xi1>, vector<16xi32>
    %gt3A_1791 = arith.cmpf ogt, %get3A_1741, %max3A_1784 : vector<16xf32>
    %max3A_1792 = arith.maximumf %select_n3A_1781, %get3A_1741 : vector<16xf32>
    %select_n3A_1793 = arith.select %gt3A_1791, %max3A_1784, %max3A_1792 : vector<16xi1>, vector<16xf32>
    %gt3A_1794 = arith.cmpf ogt, %get3A_1741, %max3A_1784 : vector<16xf32>
    %select_n3A_1795 = arith.select %gt3A_1794, %broadcast_in_dim3A_1786, %select_n3A_1783 : vector<16xi1>, vector<16xi32>
    %max3A_1796 = arith.maximumf %max3A_1784, %get3A_1741 : vector<16xf32>
    %broadcast_in_dim3A_1797 = arith.constant 3 : i32
    %broadcast_in_dim3A_1798 = vector.broadcast %broadcast_in_dim3A_1797 : i32 to vector<16xi32>
    %gt3A_1799 = arith.cmpf ogt, %get3A_1746, %max3A_1796 : vector<16xf32>
    %gt3A_1800 = arith.cmpf ogt, %get3A_1746, %select_n3A_1793 : vector<16xf32>
    %select_n3A_1801 = arith.select %gt3A_1800, %broadcast_in_dim3A_1798, %select_n3A_1790 : vector<16xi1>, vector<16xi32>
    %select_n3A_1802 = arith.select %gt3A_1799, %select_n3A_1795, %select_n3A_1801 : vector<16xi1>, vector<16xi32>
    %gt3A_1803 = arith.cmpf ogt, %get3A_1746, %max3A_1796 : vector<16xf32>
    %max3A_1804 = arith.maximumf %select_n3A_1793, %get3A_1746 : vector<16xf32>
    %select_n3A_1805 = arith.select %gt3A_1803, %max3A_1796, %max3A_1804 : vector<16xi1>, vector<16xf32>
    %gt3A_1806 = arith.cmpf ogt, %get3A_1746, %max3A_1796 : vector<16xf32>
    %select_n3A_1807 = arith.select %gt3A_1806, %broadcast_in_dim3A_1798, %select_n3A_1795 : vector<16xi1>, vector<16xi32>
    %max3A_1808 = arith.maximumf %max3A_1796, %get3A_1746 : vector<16xf32>
    %broadcast_in_dim3A_1809 = arith.constant 4 : i32
    %broadcast_in_dim3A_1810 = vector.broadcast %broadcast_in_dim3A_1809 : i32 to vector<16xi32>
    %gt3A_1811 = arith.cmpf ogt, %get3A_1751, %max3A_1808 : vector<16xf32>
    %gt3A_1812 = arith.cmpf ogt, %get3A_1751, %select_n3A_1805 : vector<16xf32>
    %select_n3A_1813 = arith.select %gt3A_1812, %broadcast_in_dim3A_1810, %select_n3A_1802 : vector<16xi1>, vector<16xi32>
    %select_n3A_1814 = arith.select %gt3A_1811, %select_n3A_1807, %select_n3A_1813 : vector<16xi1>, vector<16xi32>
    %gt3A_1815 = arith.cmpf ogt, %get3A_1751, %max3A_1808 : vector<16xf32>
    %max3A_1816 = arith.maximumf %select_n3A_1805, %get3A_1751 : vector<16xf32>
    %select_n3A_1817 = arith.select %gt3A_1815, %max3A_1808, %max3A_1816 : vector<16xi1>, vector<16xf32>
    %gt3A_1818 = arith.cmpf ogt, %get3A_1751, %max3A_1808 : vector<16xf32>
    %select_n3A_1819 = arith.select %gt3A_1818, %broadcast_in_dim3A_1810, %select_n3A_1807 : vector<16xi1>, vector<16xi32>
    %max3A_1820 = arith.maximumf %max3A_1808, %get3A_1751 : vector<16xf32>
    %broadcast_in_dim3A_1821 = arith.constant 5 : i32
    %broadcast_in_dim3A_1822 = vector.broadcast %broadcast_in_dim3A_1821 : i32 to vector<16xi32>
    %gt3A_1823 = arith.cmpf ogt, %get3A_1756, %max3A_1820 : vector<16xf32>
    %gt3A_1824 = arith.cmpf ogt, %get3A_1756, %select_n3A_1817 : vector<16xf32>
    %select_n3A_1825 = arith.select %gt3A_1824, %broadcast_in_dim3A_1822, %select_n3A_1814 : vector<16xi1>, vector<16xi32>
    %select_n3A_1826 = arith.select %gt3A_1823, %select_n3A_1819, %select_n3A_1825 : vector<16xi1>, vector<16xi32>
    %gt3A_1827 = arith.cmpf ogt, %get3A_1756, %max3A_1820 : vector<16xf32>
    %max3A_1828 = arith.maximumf %select_n3A_1817, %get3A_1756 : vector<16xf32>
    %select_n3A_1829 = arith.select %gt3A_1827, %max3A_1820, %max3A_1828 : vector<16xi1>, vector<16xf32>
    %gt3A_1830 = arith.cmpf ogt, %get3A_1756, %max3A_1820 : vector<16xf32>
    %select_n3A_1831 = arith.select %gt3A_1830, %broadcast_in_dim3A_1822, %select_n3A_1819 : vector<16xi1>, vector<16xi32>
    %max3A_1832 = arith.maximumf %max3A_1820, %get3A_1756 : vector<16xf32>
    %broadcast_in_dim3A_1833 = arith.constant 6 : i32
    %broadcast_in_dim3A_1834 = vector.broadcast %broadcast_in_dim3A_1833 : i32 to vector<16xi32>
    %gt3A_1835 = arith.cmpf ogt, %get3A_1761, %max3A_1832 : vector<16xf32>
    %gt3A_1836 = arith.cmpf ogt, %get3A_1761, %select_n3A_1829 : vector<16xf32>
    %select_n3A_1837 = arith.select %gt3A_1836, %broadcast_in_dim3A_1834, %select_n3A_1826 : vector<16xi1>, vector<16xi32>
    %select_n3A_1838 = arith.select %gt3A_1835, %select_n3A_1831, %select_n3A_1837 : vector<16xi1>, vector<16xi32>
    %gt3A_1839 = arith.cmpf ogt, %get3A_1761, %max3A_1832 : vector<16xf32>
    %max3A_1840 = arith.maximumf %select_n3A_1829, %get3A_1761 : vector<16xf32>
    %select_n3A_1841 = arith.select %gt3A_1839, %max3A_1832, %max3A_1840 : vector<16xi1>, vector<16xf32>
    %gt3A_1842 = arith.cmpf ogt, %get3A_1761, %max3A_1832 : vector<16xf32>
    %select_n3A_1843 = arith.select %gt3A_1842, %broadcast_in_dim3A_1834, %select_n3A_1831 : vector<16xi1>, vector<16xi32>
    %max3A_1844 = arith.maximumf %max3A_1832, %get3A_1761 : vector<16xf32>
    %broadcast_in_dim3A_1845 = arith.constant 7 : i32
    %broadcast_in_dim3A_1846 = vector.broadcast %broadcast_in_dim3A_1845 : i32 to vector<16xi32>
    %gt3A_1847 = arith.cmpf ogt, %get3A_1766, %max3A_1844 : vector<16xf32>
    %gt3A_1848 = arith.cmpf ogt, %get3A_1766, %select_n3A_1841 : vector<16xf32>
    %select_n3A_1849 = arith.select %gt3A_1848, %broadcast_in_dim3A_1846, %select_n3A_1838 : vector<16xi1>, vector<16xi32>
    %select_n3A_1850 = arith.select %gt3A_1847, %select_n3A_1843, %select_n3A_1849 : vector<16xi1>, vector<16xi32>
    %gt3A_1851 = arith.cmpf ogt, %get3A_1766, %max3A_1844 : vector<16xf32>
    %max3A_1852 = arith.maximumf %select_n3A_1841, %get3A_1766 : vector<16xf32>
    %select_n3A_1853 = arith.select %gt3A_1851, %max3A_1844, %max3A_1852 : vector<16xi1>, vector<16xf32>
    %gt3A_1854 = arith.cmpf ogt, %get3A_1766, %max3A_1844 : vector<16xf32>
    %select_n3A_1855 = arith.select %gt3A_1854, %broadcast_in_dim3A_1846, %select_n3A_1843 : vector<16xi1>, vector<16xi32>
    %max3A_1856 = arith.maximumf %max3A_1844, %get3A_1766 : vector<16xf32>
    %neg3A_1857 = arith.constant 0.000000e+00 : f32
    %neg3A_1858 = vector.broadcast %neg3A_1857 : f32 to vector<16xf32>
    %neg3A_1859 = arith.subf %neg3A_1858, %max3A_1856 : vector<16xf32>
    %exp3A_1860 = math.exp %neg3A_1859 : vector<16xf32>
    %add3A_1861 = arith.constant 1.000000e+00 : f32
    %add3A_1862 = vector.broadcast %add3A_1861 : f32 to vector<16xf32>
    %add3A_1863 = arith.addf %add3A_1862, %exp3A_1860 : vector<16xf32>
    %div3A_1864 = arith.constant 1.000000e+00 : f32
    %div3A_1865 = vector.broadcast %div3A_1864 : f32 to vector<16xf32>
    %div3A_1866 = arith.divf %div3A_1865, %add3A_1863 : vector<16xf32>
    %neg3A_1867 = arith.constant 0.000000e+00 : f32
    %neg3A_1868 = vector.broadcast %neg3A_1867 : f32 to vector<16xf32>
    %neg3A_1869 = arith.subf %neg3A_1868, %select_n3A_1853 : vector<16xf32>
    %exp3A_1870 = math.exp %neg3A_1869 : vector<16xf32>
    %add3A_1871 = arith.constant 1.000000e+00 : f32
    %add3A_1872 = vector.broadcast %add3A_1871 : f32 to vector<16xf32>
    %add3A_1873 = arith.addf %add3A_1872, %exp3A_1870 : vector<16xf32>
    %div3A_1874 = arith.constant 1.000000e+00 : f32
    %div3A_1875 = vector.broadcast %div3A_1874 : f32 to vector<16xf32>
    %div3A_1876 = arith.divf %div3A_1875, %add3A_1873 : vector<16xf32>
    %get3A_1877 = arith.constant 8 : i32
    %get3A_1878 = arith.index_cast %get3A_1877 : i32 to index
    %get3A_1879 = arith.constant 96 : index
    %get3A_1880 = tpu.vector_load %arg6[%get3A_1878, %get3A_1879] {strides = array<i32>} : memref<32x128xf32, #tpu.memory_space<vmem>>, vector<1x16xf32>,
    %get3A_1881 = vector.shape_cast %get3A_1880 : vector<1x16xf32> to vector<16xf32>
    %get3A_1882 = arith.constant 16 : i32
    %get3A_1883 = arith.index_cast %get3A_1882 : i32 to index
    %get3A_1884 = arith.constant 96 : index
    %get3A_1885 = tpu.vector_load %arg6[%get3A_1883, %get3A_1884] {strides = array<i32>} : memref<32x128xf32, #tpu.memory_space<vmem>>, vector<1x16xf32>,
    %get3A_1886 = vector.shape_cast %get3A_1885 : vector<1x16xf32> to vector<16xf32>
    %broadcast_in_dim3A_1887 = arith.constant 1 : i32
    %broadcast_in_dim3A_1888 = vector.broadcast %broadcast_in_dim3A_1887 : i32 to vector<16xi32>
    %eq3A_1889 = arith.cmpi eq, %select_n3A_1855, %broadcast_in_dim3A_1888 : vector<16xi32>
    %get3A_1890 = arith.constant 9 : i32
    %get3A_1891 = arith.index_cast %get3A_1890 : i32 to index
    %get3A_1892 = arith.constant 96 : index
    %get3A_1893 = tpu.vector_load %arg6[%get3A_1891, %get3A_1892] {strides = array<i32>} : memref<32x128xf32, #tpu.memory_space<vmem>>, vector<1x16xf32>,
    %get3A_1894 = vector.shape_cast %get3A_1893 : vector<1x16xf32> to vector<16xf32>
    %select_n3A_1895 = arith.select %eq3A_1889, %get3A_1894, %get3A_1881 : vector<16xi1>, vector<16xf32>
    %eq3A_1896 = arith.cmpi eq, %select_n3A_1850, %broadcast_in_dim3A_1888 : vector<16xi32>
    %get3A_1897 = arith.constant 17 : i32
    %get3A_1898 = arith.index_cast %get3A_1897 : i32 to index
    %get3A_1899 = arith.constant 96 : index
    %get3A_1900 = tpu.vector_load %arg6[%get3A_1898, %get3A_1899] {strides = array<i32>} : memref<32x128xf32, #tpu.memory_space<vmem>>, vector<1x16xf32>,
    %get3A_1901 = vector.shape_cast %get3A_1900 : vector<1x16xf32> to vector<16xf32>
    %select_n3A_1902 = arith.select %eq3A_1896, %get3A_1901, %get3A_1886 : vector<16xi1>, vector<16xf32>
    %broadcast_in_dim3A_1903 = arith.constant 2 : i32
    %broadcast_in_dim3A_1904 = vector.broadcast %broadcast_in_dim3A_1903 : i32 to vector<16xi32>
    %eq3A_1905 = arith.cmpi eq, %select_n3A_1855, %broadcast_in_dim3A_1904 : vector<16xi32>
    %get3A_1906 = arith.constant 10 : i32
    %get3A_1907 = arith.index_cast %get3A_1906 : i32 to index
    %get3A_1908 = arith.constant 96 : index
    %get3A_1909 = tpu.vector_load %arg6[%get3A_1907, %get3A_1908] {strides = array<i32>} : memref<32x128xf32, #tpu.memory_space<vmem>>, vector<1x16xf32>,
    %get3A_1910 = vector.shape_cast %get3A_1909 : vector<1x16xf32> to vector<16xf32>
    %select_n3A_1911 = arith.select %eq3A_1905, %get3A_1910, %select_n3A_1895 : vector<16xi1>, vector<16xf32>
    %eq3A_1912 = arith.cmpi eq, %select_n3A_1850, %broadcast_in_dim3A_1904 : vector<16xi32>
    %get3A_1913 = arith.constant 18 : i32
    %get3A_1914 = arith.index_cast %get3A_1913 : i32 to index
    %get3A_1915 = arith.constant 96 : index
    %get3A_1916 = tpu.vector_load %arg6[%get3A_1914, %get3A_1915] {strides = array<i32>} : memref<32x128xf32, #tpu.memory_space<vmem>>, vector<1x16xf32>,
    %get3A_1917 = vector.shape_cast %get3A_1916 : vector<1x16xf32> to vector<16xf32>
    %select_n3A_1918 = arith.select %eq3A_1912, %get3A_1917, %select_n3A_1902 : vector<16xi1>, vector<16xf32>
    %broadcast_in_dim3A_1919 = arith.constant 3 : i32
    %broadcast_in_dim3A_1920 = vector.broadcast %broadcast_in_dim3A_1919 : i32 to vector<16xi32>
    %eq3A_1921 = arith.cmpi eq, %select_n3A_1855, %broadcast_in_dim3A_1920 : vector<16xi32>
    %get3A_1922 = arith.constant 11 : i32
    %get3A_1923 = arith.index_cast %get3A_1922 : i32 to index
    %get3A_1924 = arith.constant 96 : index
    %get3A_1925 = tpu.vector_load %arg6[%get3A_1923, %get3A_1924] {strides = array<i32>} : memref<32x128xf32, #tpu.memory_space<vmem>>, vector<1x16xf32>,
    %get3A_1926 = vector.shape_cast %get3A_1925 : vector<1x16xf32> to vector<16xf32>
    %select_n3A_1927 = arith.select %eq3A_1921, %get3A_1926, %select_n3A_1911 : vector<16xi1>, vector<16xf32>
    %eq3A_1928 = arith.cmpi eq, %select_n3A_1850, %broadcast_in_dim3A_1920 : vector<16xi32>
    %get3A_1929 = arith.constant 19 : i32
    %get3A_1930 = arith.index_cast %get3A_1929 : i32 to index
    %get3A_1931 = arith.constant 96 : index
    %get3A_1932 = tpu.vector_load %arg6[%get3A_1930, %get3A_1931] {strides = array<i32>} : memref<32x128xf32, #tpu.memory_space<vmem>>, vector<1x16xf32>,
    %get3A_1933 = vector.shape_cast %get3A_1932 : vector<1x16xf32> to vector<16xf32>
    %select_n3A_1934 = arith.select %eq3A_1928, %get3A_1933, %select_n3A_1918 : vector<16xi1>, vector<16xf32>
    %broadcast_in_dim3A_1935 = arith.constant 4 : i32
    %broadcast_in_dim3A_1936 = vector.broadcast %broadcast_in_dim3A_1935 : i32 to vector<16xi32>
    %eq3A_1937 = arith.cmpi eq, %select_n3A_1855, %broadcast_in_dim3A_1936 : vector<16xi32>
    %get3A_1938 = arith.constant 12 : i32
    %get3A_1939 = arith.index_cast %get3A_1938 : i32 to index
    %get3A_1940 = arith.constant 96 : index
    %get3A_1941 = tpu.vector_load %arg6[%get3A_1939, %get3A_1940] {strides = array<i32>} : memref<32x128xf32, #tpu.memory_space<vmem>>, vector<1x16xf32>,
    %get3A_1942 = vector.shape_cast %get3A_1941 : vector<1x16xf32> to vector<16xf32>
    %select_n3A_1943 = arith.select %eq3A_1937, %get3A_1942, %select_n3A_1927 : vector<16xi1>, vector<16xf32>
    %eq3A_1944 = arith.cmpi eq, %select_n3A_1850, %broadcast_in_dim3A_1936 : vector<16xi32>
    %get3A_1945 = arith.constant 20 : i32
    %get3A_1946 = arith.index_cast %get3A_1945 : i32 to index
    %get3A_1947 = arith.constant 96 : index
    %get3A_1948 = tpu.vector_load %arg6[%get3A_1946, %get3A_1947] {strides = array<i32>} : memref<32x128xf32, #tpu.memory_space<vmem>>, vector<1x16xf32>,
    %get3A_1949 = vector.shape_cast %get3A_1948 : vector<1x16xf32> to vector<16xf32>
    %select_n3A_1950 = arith.select %eq3A_1944, %get3A_1949, %select_n3A_1934 : vector<16xi1>, vector<16xf32>
    %broadcast_in_dim3A_1951 = arith.constant 5 : i32
    %broadcast_in_dim3A_1952 = vector.broadcast %broadcast_in_dim3A_1951 : i32 to vector<16xi32>
    %eq3A_1953 = arith.cmpi eq, %select_n3A_1855, %broadcast_in_dim3A_1952 : vector<16xi32>
    %get3A_1954 = arith.constant 13 : i32
    %get3A_1955 = arith.index_cast %get3A_1954 : i32 to index
    %get3A_1956 = arith.constant 96 : index
    %get3A_1957 = tpu.vector_load %arg6[%get3A_1955, %get3A_1956] {strides = array<i32>} : memref<32x128xf32, #tpu.memory_space<vmem>>, vector<1x16xf32>,
    %get3A_1958 = vector.shape_cast %get3A_1957 : vector<1x16xf32> to vector<16xf32>
    %select_n3A_1959 = arith.select %eq3A_1953, %get3A_1958, %select_n3A_1943 : vector<16xi1>, vector<16xf32>
    %eq3A_1960 = arith.cmpi eq, %select_n3A_1850, %broadcast_in_dim3A_1952 : vector<16xi32>
    %get3A_1961 = arith.constant 21 : i32
    %get3A_1962 = arith.index_cast %get3A_1961 : i32 to index
    %get3A_1963 = arith.constant 96 : index
    %get3A_1964 = tpu.vector_load %arg6[%get3A_1962, %get3A_1963] {strides = array<i32>} : memref<32x128xf32, #tpu.memory_space<vmem>>, vector<1x16xf32>,
    %get3A_1965 = vector.shape_cast %get3A_1964 : vector<1x16xf32> to vector<16xf32>
    %select_n3A_1966 = arith.select %eq3A_1960, %get3A_1965, %select_n3A_1950 : vector<16xi1>, vector<16xf32>
    %broadcast_in_dim3A_1967 = arith.constant 6 : i32
    %broadcast_in_dim3A_1968 = vector.broadcast %broadcast_in_dim3A_1967 : i32 to vector<16xi32>
    %eq3A_1969 = arith.cmpi eq, %select_n3A_1855, %broadcast_in_dim3A_1968 : vector<16xi32>
    %get3A_1970 = arith.constant 14 : i32
    %get3A_1971 = arith.index_cast %get3A_1970 : i32 to index
    %get3A_1972 = arith.constant 96 : index
    %get3A_1973 = tpu.vector_load %arg6[%get3A_1971, %get3A_1972] {strides = array<i32>} : memref<32x128xf32, #tpu.memory_space<vmem>>, vector<1x16xf32>,
    %get3A_1974 = vector.shape_cast %get3A_1973 : vector<1x16xf32> to vector<16xf32>
    %select_n3A_1975 = arith.select %eq3A_1969, %get3A_1974, %select_n3A_1959 : vector<16xi1>, vector<16xf32>
    %eq3A_1976 = arith.cmpi eq, %select_n3A_1850, %broadcast_in_dim3A_1968 : vector<16xi32>
    %get3A_1977 = arith.constant 22 : i32
    %get3A_1978 = arith.index_cast %get3A_1977 : i32 to index
    %get3A_1979 = arith.constant 96 : index
    %get3A_1980 = tpu.vector_load %arg6[%get3A_1978, %get3A_1979] {strides = array<i32>} : memref<32x128xf32, #tpu.memory_space<vmem>>, vector<1x16xf32>,
    %get3A_1981 = vector.shape_cast %get3A_1980 : vector<1x16xf32> to vector<16xf32>
    %select_n3A_1982 = arith.select %eq3A_1976, %get3A_1981, %select_n3A_1966 : vector<16xi1>, vector<16xf32>
    %broadcast_in_dim3A_1983 = arith.constant 7 : i32
    %broadcast_in_dim3A_1984 = vector.broadcast %broadcast_in_dim3A_1983 : i32 to vector<16xi32>
    %eq3A_1985 = arith.cmpi eq, %select_n3A_1855, %broadcast_in_dim3A_1984 : vector<16xi32>
    %get3A_1986 = arith.constant 15 : i32
    %get3A_1987 = arith.index_cast %get3A_1986 : i32 to index
    %get3A_1988 = arith.constant 96 : index
    %get3A_1989 = tpu.vector_load %arg6[%get3A_1987, %get3A_1988] {strides = array<i32>} : memref<32x128xf32, #tpu.memory_space<vmem>>, vector<1x16xf32>,
    %get3A_1990 = vector.shape_cast %get3A_1989 : vector<1x16xf32> to vector<16xf32>
    %select_n3A_1991 = arith.select %eq3A_1985, %get3A_1990, %select_n3A_1975 : vector<16xi1>, vector<16xf32>
    %eq3A_1992 = arith.cmpi eq, %select_n3A_1850, %broadcast_in_dim3A_1984 : vector<16xi32>
    %get3A_1993 = arith.constant 23 : i32
    %get3A_1994 = arith.index_cast %get3A_1993 : i32 to index
    %get3A_1995 = arith.constant 96 : index
    %get3A_1996 = tpu.vector_load %arg6[%get3A_1994, %get3A_1995] {strides = array<i32>} : memref<32x128xf32, #tpu.memory_space<vmem>>, vector<1x16xf32>,
    %get3A_1997 = vector.shape_cast %get3A_1996 : vector<1x16xf32> to vector<16xf32>
    %select_n3A_1998 = arith.select %eq3A_1992, %get3A_1997, %select_n3A_1982 : vector<16xi1>, vector<16xf32>
    %mul3A_1999 = arith.mulf %div3A_1866, %select_n3A_1991 : vector<16xf32>
    %mul3A_2000 = arith.mulf %div3A_1876, %select_n3A_1998 : vector<16xf32>
    %add3A_2001 = arith.addf %mul3A_1999, %mul3A_2000 : vector<16xf32>
    %add3A_2002 = arith.addf %div3A_1866, %div3A_1876 : vector<16xf32>
    %div3A_2003 = arith.divf %add3A_2001, %add3A_2002 : vector<16xf32>
    %swap3A_2004 = arith.constant 96 : index
    %swap3A_2005 = tpu.vector_load %arg7[%swap3A_2004] {strides = array<i32>} : memref<128xf32, #tpu.memory_space<vmem>>, vector<16xf32>,
    %swap3A_2006 = vector.shape_cast %swap3A_2005 : vector<16xf32> to vector<16xf32>
    %swap3A_2007 = vector.shape_cast %div3A_2003 : vector<16xf32> to vector<16xf32>
    tpu.vector_store %arg7[%swap3A_2004], %swap3A_2007 {strides = array<i32>} : memref<128xf32, #tpu.memory_space<vmem>>, vector<16xf32>,
    %swap3A_2008 = arith.constant 96 : index
    %swap3A_2009 = tpu.vector_load %arg8[%swap3A_2008] {strides = array<i32>} : memref<128xi32, #tpu.memory_space<vmem>>, vector<16xi32>,
    %swap3A_2010 = vector.shape_cast %swap3A_2009 : vector<16xi32> to vector<16xi32>
    %swap3A_2011 = vector.shape_cast %select_n3A_1855 : vector<16xi32> to vector<16xi32>
    tpu.vector_store %arg8[%swap3A_2008], %swap3A_2011 {strides = array<i32>} : memref<128xi32, #tpu.memory_space<vmem>>, vector<16xi32>,
    %swap3A_2012 = arith.constant 96 : index
    %swap3A_2013 = tpu.vector_load %arg9[%swap3A_2012] {strides = array<i32>} : memref<128xi32, #tpu.memory_space<vmem>>, vector<16xi32>,
    %swap3A_2014 = vector.shape_cast %swap3A_2013 : vector<16xi32> to vector<16xi32>
    %swap3A_2015 = vector.shape_cast %select_n3A_1850 : vector<16xi32> to vector<16xi32>
    tpu.vector_store %arg9[%swap3A_2012], %swap3A_2015 {strides = array<i32>} : memref<128xi32, #tpu.memory_space<vmem>>, vector<16xi32>,
    %get3A_2016 = arith.constant 0 : i32
    %get3A_2017 = arith.index_cast %get3A_2016 : i32 to index
    %get3A_2018 = arith.constant 112 : index
    %get3A_2019 = tpu.vector_load %arg6[%get3A_2017, %get3A_2018] {strides = array<i32>} : memref<32x128xf32, #tpu.memory_space<vmem>>, vector<1x16xf32>,
    %get3A_2020 = vector.shape_cast %get3A_2019 : vector<1x16xf32> to vector<16xf32>
    %get3A_2021 = arith.constant 1 : i32
    %get3A_2022 = arith.index_cast %get3A_2021 : i32 to index
    %get3A_2023 = arith.constant 112 : index
    %get3A_2024 = tpu.vector_load %arg6[%get3A_2022, %get3A_2023] {strides = array<i32>} : memref<32x128xf32, #tpu.memory_space<vmem>>, vector<1x16xf32>,
    %get3A_2025 = vector.shape_cast %get3A_2024 : vector<1x16xf32> to vector<16xf32>
    %get3A_2026 = arith.constant 2 : i32
    %get3A_2027 = arith.index_cast %get3A_2026 : i32 to index
    %get3A_2028 = arith.constant 112 : index
    %get3A_2029 = tpu.vector_load %arg6[%get3A_2027, %get3A_2028] {strides = array<i32>} : memref<32x128xf32, #tpu.memory_space<vmem>>, vector<1x16xf32>,
    %get3A_2030 = vector.shape_cast %get3A_2029 : vector<1x16xf32> to vector<16xf32>
    %get3A_2031 = arith.constant 3 : i32
    %get3A_2032 = arith.index_cast %get3A_2031 : i32 to index
    %get3A_2033 = arith.constant 112 : index
    %get3A_2034 = tpu.vector_load %arg6[%get3A_2032, %get3A_2033] {strides = array<i32>} : memref<32x128xf32, #tpu.memory_space<vmem>>, vector<1x16xf32>,
    %get3A_2035 = vector.shape_cast %get3A_2034 : vector<1x16xf32> to vector<16xf32>
    %get3A_2036 = arith.constant 4 : i32
    %get3A_2037 = arith.index_cast %get3A_2036 : i32 to index
    %get3A_2038 = arith.constant 112 : index
    %get3A_2039 = tpu.vector_load %arg6[%get3A_2037, %get3A_2038] {strides = array<i32>} : memref<32x128xf32, #tpu.memory_space<vmem>>, vector<1x16xf32>,
    %get3A_2040 = vector.shape_cast %get3A_2039 : vector<1x16xf32> to vector<16xf32>
    %get3A_2041 = arith.constant 5 : i32
    %get3A_2042 = arith.index_cast %get3A_2041 : i32 to index
    %get3A_2043 = arith.constant 112 : index
    %get3A_2044 = tpu.vector_load %arg6[%get3A_2042, %get3A_2043] {strides = array<i32>} : memref<32x128xf32, #tpu.memory_space<vmem>>, vector<1x16xf32>,
    %get3A_2045 = vector.shape_cast %get3A_2044 : vector<1x16xf32> to vector<16xf32>
    %get3A_2046 = arith.constant 6 : i32
    %get3A_2047 = arith.index_cast %get3A_2046 : i32 to index
    %get3A_2048 = arith.constant 112 : index
    %get3A_2049 = tpu.vector_load %arg6[%get3A_2047, %get3A_2048] {strides = array<i32>} : memref<32x128xf32, #tpu.memory_space<vmem>>, vector<1x16xf32>,
    %get3A_2050 = vector.shape_cast %get3A_2049 : vector<1x16xf32> to vector<16xf32>
    %get3A_2051 = arith.constant 7 : i32
    %get3A_2052 = arith.index_cast %get3A_2051 : i32 to index
    %get3A_2053 = arith.constant 112 : index
    %get3A_2054 = tpu.vector_load %arg6[%get3A_2052, %get3A_2053] {strides = array<i32>} : memref<32x128xf32, #tpu.memory_space<vmem>>, vector<1x16xf32>,
    %get3A_2055 = vector.shape_cast %get3A_2054 : vector<1x16xf32> to vector<16xf32>
    %broadcast_in_dim3A_2056 = arith.constant 0 : i32
    %broadcast_in_dim3A_2057 = vector.broadcast %broadcast_in_dim3A_2056 : i32 to vector<16xi32>
    %broadcast_in_dim3A_2058 = arith.constant -1.000000e+30 : f32
    %broadcast_in_dim3A_2059 = vector.broadcast %broadcast_in_dim3A_2058 : f32 to vector<16xf32>
    %broadcast_in_dim3A_2060 = arith.constant 0 : i32
    %broadcast_in_dim3A_2061 = vector.broadcast %broadcast_in_dim3A_2060 : i32 to vector<16xi32>
    %broadcast_in_dim3A_2062 = arith.constant 1 : i32
    %broadcast_in_dim3A_2063 = vector.broadcast %broadcast_in_dim3A_2062 : i32 to vector<16xi32>
    %gt3A_2064 = arith.cmpf ogt, %get3A_2025, %get3A_2020 : vector<16xf32>
    %gt3A_2065 = arith.cmpf ogt, %get3A_2025, %broadcast_in_dim3A_2059 : vector<16xf32>
    %select_n3A_2066 = arith.select %gt3A_2065, %broadcast_in_dim3A_2063, %broadcast_in_dim3A_2061 : vector<16xi1>, vector<16xi32>
    %select_n3A_2067 = arith.select %gt3A_2064, %broadcast_in_dim3A_2057, %select_n3A_2066 : vector<16xi1>, vector<16xi32>
    %gt3A_2068 = arith.cmpf ogt, %get3A_2025, %get3A_2020 : vector<16xf32>
    %max3A_2069 = arith.maximumf %broadcast_in_dim3A_2059, %get3A_2025 : vector<16xf32>
    %select_n3A_2070 = arith.select %gt3A_2068, %get3A_2020, %max3A_2069 : vector<16xi1>, vector<16xf32>
    %gt3A_2071 = arith.cmpf ogt, %get3A_2025, %get3A_2020 : vector<16xf32>
    %select_n3A_2072 = arith.select %gt3A_2071, %broadcast_in_dim3A_2063, %broadcast_in_dim3A_2057 : vector<16xi1>, vector<16xi32>
    %max3A_2073 = arith.maximumf %get3A_2020, %get3A_2025 : vector<16xf32>
    %broadcast_in_dim3A_2074 = arith.constant 2 : i32
    %broadcast_in_dim3A_2075 = vector.broadcast %broadcast_in_dim3A_2074 : i32 to vector<16xi32>
    %gt3A_2076 = arith.cmpf ogt, %get3A_2030, %max3A_2073 : vector<16xf32>
    %gt3A_2077 = arith.cmpf ogt, %get3A_2030, %select_n3A_2070 : vector<16xf32>
    %select_n3A_2078 = arith.select %gt3A_2077, %broadcast_in_dim3A_2075, %select_n3A_2067 : vector<16xi1>, vector<16xi32>
    %select_n3A_2079 = arith.select %gt3A_2076, %select_n3A_2072, %select_n3A_2078 : vector<16xi1>, vector<16xi32>
    %gt3A_2080 = arith.cmpf ogt, %get3A_2030, %max3A_2073 : vector<16xf32>
    %max3A_2081 = arith.maximumf %select_n3A_2070, %get3A_2030 : vector<16xf32>
    %select_n3A_2082 = arith.select %gt3A_2080, %max3A_2073, %max3A_2081 : vector<16xi1>, vector<16xf32>
    %gt3A_2083 = arith.cmpf ogt, %get3A_2030, %max3A_2073 : vector<16xf32>
    %select_n3A_2084 = arith.select %gt3A_2083, %broadcast_in_dim3A_2075, %select_n3A_2072 : vector<16xi1>, vector<16xi32>
    %max3A_2085 = arith.maximumf %max3A_2073, %get3A_2030 : vector<16xf32>
    %broadcast_in_dim3A_2086 = arith.constant 3 : i32
    %broadcast_in_dim3A_2087 = vector.broadcast %broadcast_in_dim3A_2086 : i32 to vector<16xi32>
    %gt3A_2088 = arith.cmpf ogt, %get3A_2035, %max3A_2085 : vector<16xf32>
    %gt3A_2089 = arith.cmpf ogt, %get3A_2035, %select_n3A_2082 : vector<16xf32>
    %select_n3A_2090 = arith.select %gt3A_2089, %broadcast_in_dim3A_2087, %select_n3A_2079 : vector<16xi1>, vector<16xi32>
    %select_n3A_2091 = arith.select %gt3A_2088, %select_n3A_2084, %select_n3A_2090 : vector<16xi1>, vector<16xi32>
    %gt3A_2092 = arith.cmpf ogt, %get3A_2035, %max3A_2085 : vector<16xf32>
    %max3A_2093 = arith.maximumf %select_n3A_2082, %get3A_2035 : vector<16xf32>
    %select_n3A_2094 = arith.select %gt3A_2092, %max3A_2085, %max3A_2093 : vector<16xi1>, vector<16xf32>
    %gt3A_2095 = arith.cmpf ogt, %get3A_2035, %max3A_2085 : vector<16xf32>
    %select_n3A_2096 = arith.select %gt3A_2095, %broadcast_in_dim3A_2087, %select_n3A_2084 : vector<16xi1>, vector<16xi32>
    %max3A_2097 = arith.maximumf %max3A_2085, %get3A_2035 : vector<16xf32>
    %broadcast_in_dim3A_2098 = arith.constant 4 : i32
    %broadcast_in_dim3A_2099 = vector.broadcast %broadcast_in_dim3A_2098 : i32 to vector<16xi32>
    %gt3A_2100 = arith.cmpf ogt, %get3A_2040, %max3A_2097 : vector<16xf32>
    %gt3A_2101 = arith.cmpf ogt, %get3A_2040, %select_n3A_2094 : vector<16xf32>
    %select_n3A_2102 = arith.select %gt3A_2101, %broadcast_in_dim3A_2099, %select_n3A_2091 : vector<16xi1>, vector<16xi32>
    %select_n3A_2103 = arith.select %gt3A_2100, %select_n3A_2096, %select_n3A_2102 : vector<16xi1>, vector<16xi32>
    %gt3A_2104 = arith.cmpf ogt, %get3A_2040, %max3A_2097 : vector<16xf32>
    %max3A_2105 = arith.maximumf %select_n3A_2094, %get3A_2040 : vector<16xf32>
    %select_n3A_2106 = arith.select %gt3A_2104, %max3A_2097, %max3A_2105 : vector<16xi1>, vector<16xf32>
    %gt3A_2107 = arith.cmpf ogt, %get3A_2040, %max3A_2097 : vector<16xf32>
    %select_n3A_2108 = arith.select %gt3A_2107, %broadcast_in_dim3A_2099, %select_n3A_2096 : vector<16xi1>, vector<16xi32>
    %max3A_2109 = arith.maximumf %max3A_2097, %get3A_2040 : vector<16xf32>
    %broadcast_in_dim3A_2110 = arith.constant 5 : i32
    %broadcast_in_dim3A_2111 = vector.broadcast %broadcast_in_dim3A_2110 : i32 to vector<16xi32>
    %gt3A_2112 = arith.cmpf ogt, %get3A_2045, %max3A_2109 : vector<16xf32>
    %gt3A_2113 = arith.cmpf ogt, %get3A_2045, %select_n3A_2106 : vector<16xf32>
    %select_n3A_2114 = arith.select %gt3A_2113, %broadcast_in_dim3A_2111, %select_n3A_2103 : vector<16xi1>, vector<16xi32>
    %select_n3A_2115 = arith.select %gt3A_2112, %select_n3A_2108, %select_n3A_2114 : vector<16xi1>, vector<16xi32>
    %gt3A_2116 = arith.cmpf ogt, %get3A_2045, %max3A_2109 : vector<16xf32>
    %max3A_2117 = arith.maximumf %select_n3A_2106, %get3A_2045 : vector<16xf32>
    %select_n3A_2118 = arith.select %gt3A_2116, %max3A_2109, %max3A_2117 : vector<16xi1>, vector<16xf32>
    %gt3A_2119 = arith.cmpf ogt, %get3A_2045, %max3A_2109 : vector<16xf32>
    %select_n3A_2120 = arith.select %gt3A_2119, %broadcast_in_dim3A_2111, %select_n3A_2108 : vector<16xi1>, vector<16xi32>
    %max3A_2121 = arith.maximumf %max3A_2109, %get3A_2045 : vector<16xf32>
    %broadcast_in_dim3A_2122 = arith.constant 6 : i32
    %broadcast_in_dim3A_2123 = vector.broadcast %broadcast_in_dim3A_2122 : i32 to vector<16xi32>
    %gt3A_2124 = arith.cmpf ogt, %get3A_2050, %max3A_2121 : vector<16xf32>
    %gt3A_2125 = arith.cmpf ogt, %get3A_2050, %select_n3A_2118 : vector<16xf32>
    %select_n3A_2126 = arith.select %gt3A_2125, %broadcast_in_dim3A_2123, %select_n3A_2115 : vector<16xi1>, vector<16xi32>
    %select_n3A_2127 = arith.select %gt3A_2124, %select_n3A_2120, %select_n3A_2126 : vector<16xi1>, vector<16xi32>
    %gt3A_2128 = arith.cmpf ogt, %get3A_2050, %max3A_2121 : vector<16xf32>
    %max3A_2129 = arith.maximumf %select_n3A_2118, %get3A_2050 : vector<16xf32>
    %select_n3A_2130 = arith.select %gt3A_2128, %max3A_2121, %max3A_2129 : vector<16xi1>, vector<16xf32>
    %gt3A_2131 = arith.cmpf ogt, %get3A_2050, %max3A_2121 : vector<16xf32>
    %select_n3A_2132 = arith.select %gt3A_2131, %broadcast_in_dim3A_2123, %select_n3A_2120 : vector<16xi1>, vector<16xi32>
    %max3A_2133 = arith.maximumf %max3A_2121, %get3A_2050 : vector<16xf32>
    %broadcast_in_dim3A_2134 = arith.constant 7 : i32
    %broadcast_in_dim3A_2135 = vector.broadcast %broadcast_in_dim3A_2134 : i32 to vector<16xi32>
    %gt3A_2136 = arith.cmpf ogt, %get3A_2055, %max3A_2133 : vector<16xf32>
    %gt3A_2137 = arith.cmpf ogt, %get3A_2055, %select_n3A_2130 : vector<16xf32>
    %select_n3A_2138 = arith.select %gt3A_2137, %broadcast_in_dim3A_2135, %select_n3A_2127 : vector<16xi1>, vector<16xi32>
    %select_n3A_2139 = arith.select %gt3A_2136, %select_n3A_2132, %select_n3A_2138 : vector<16xi1>, vector<16xi32>
    %gt3A_2140 = arith.cmpf ogt, %get3A_2055, %max3A_2133 : vector<16xf32>
    %max3A_2141 = arith.maximumf %select_n3A_2130, %get3A_2055 : vector<16xf32>
    %select_n3A_2142 = arith.select %gt3A_2140, %max3A_2133, %max3A_2141 : vector<16xi1>, vector<16xf32>
    %gt3A_2143 = arith.cmpf ogt, %get3A_2055, %max3A_2133 : vector<16xf32>
    %select_n3A_2144 = arith.select %gt3A_2143, %broadcast_in_dim3A_2135, %select_n3A_2132 : vector<16xi1>, vector<16xi32>
    %max3A_2145 = arith.maximumf %max3A_2133, %get3A_2055 : vector<16xf32>
    %neg3A_2146 = arith.constant 0.000000e+00 : f32
    %neg3A_2147 = vector.broadcast %neg3A_2146 : f32 to vector<16xf32>
    %neg3A_2148 = arith.subf %neg3A_2147, %max3A_2145 : vector<16xf32>
    %exp3A_2149 = math.exp %neg3A_2148 : vector<16xf32>
    %add3A_2150 = arith.constant 1.000000e+00 : f32
    %add3A_2151 = vector.broadcast %add3A_2150 : f32 to vector<16xf32>
    %add3A_2152 = arith.addf %add3A_2151, %exp3A_2149 : vector<16xf32>
    %div3A_2153 = arith.constant 1.000000e+00 : f32
    %div3A_2154 = vector.broadcast %div3A_2153 : f32 to vector<16xf32>
    %div3A_2155 = arith.divf %div3A_2154, %add3A_2152 : vector<16xf32>
    %neg3A_2156 = arith.constant 0.000000e+00 : f32
    %neg3A_2157 = vector.broadcast %neg3A_2156 : f32 to vector<16xf32>
    %neg3A_2158 = arith.subf %neg3A_2157, %select_n3A_2142 : vector<16xf32>
    %exp3A_2159 = math.exp %neg3A_2158 : vector<16xf32>
    %add3A_2160 = arith.constant 1.000000e+00 : f32
    %add3A_2161 = vector.broadcast %add3A_2160 : f32 to vector<16xf32>
    %add3A_2162 = arith.addf %add3A_2161, %exp3A_2159 : vector<16xf32>
    %div3A_2163 = arith.constant 1.000000e+00 : f32
    %div3A_2164 = vector.broadcast %div3A_2163 : f32 to vector<16xf32>
    %div3A_2165 = arith.divf %div3A_2164, %add3A_2162 : vector<16xf32>
    %get3A_2166 = arith.constant 8 : i32
    %get3A_2167 = arith.index_cast %get3A_2166 : i32 to index
    %get3A_2168 = arith.constant 112 : index
    %get3A_2169 = tpu.vector_load %arg6[%get3A_2167, %get3A_2168] {strides = array<i32>} : memref<32x128xf32, #tpu.memory_space<vmem>>, vector<1x16xf32>,
    %get3A_2170 = vector.shape_cast %get3A_2169 : vector<1x16xf32> to vector<16xf32>
    %get3A_2171 = arith.constant 16 : i32
    %get3A_2172 = arith.index_cast %get3A_2171 : i32 to index
    %get3A_2173 = arith.constant 112 : index
    %get3A_2174 = tpu.vector_load %arg6[%get3A_2172, %get3A_2173] {strides = array<i32>} : memref<32x128xf32, #tpu.memory_space<vmem>>, vector<1x16xf32>,
    %get3A_2175 = vector.shape_cast %get3A_2174 : vector<1x16xf32> to vector<16xf32>
    %broadcast_in_dim3A_2176 = arith.constant 1 : i32
    %broadcast_in_dim3A_2177 = vector.broadcast %broadcast_in_dim3A_2176 : i32 to vector<16xi32>
    %eq3A_2178 = arith.cmpi eq, %select_n3A_2144, %broadcast_in_dim3A_2177 : vector<16xi32>
    %get3A_2179 = arith.constant 9 : i32
    %get3A_2180 = arith.index_cast %get3A_2179 : i32 to index
    %get3A_2181 = arith.constant 112 : index
    %get3A_2182 = tpu.vector_load %arg6[%get3A_2180, %get3A_2181] {strides = array<i32>} : memref<32x128xf32, #tpu.memory_space<vmem>>, vector<1x16xf32>,
    %get3A_2183 = vector.shape_cast %get3A_2182 : vector<1x16xf32> to vector<16xf32>
    %select_n3A_2184 = arith.select %eq3A_2178, %get3A_2183, %get3A_2170 : vector<16xi1>, vector<16xf32>
    %eq3A_2185 = arith.cmpi eq, %select_n3A_2139, %broadcast_in_dim3A_2177 : vector<16xi32>
    %get3A_2186 = arith.constant 17 : i32
    %get3A_2187 = arith.index_cast %get3A_2186 : i32 to index
    %get3A_2188 = arith.constant 112 : index
    %get3A_2189 = tpu.vector_load %arg6[%get3A_2187, %get3A_2188] {strides = array<i32>} : memref<32x128xf32, #tpu.memory_space<vmem>>, vector<1x16xf32>,
    %get3A_2190 = vector.shape_cast %get3A_2189 : vector<1x16xf32> to vector<16xf32>
    %select_n3A_2191 = arith.select %eq3A_2185, %get3A_2190, %get3A_2175 : vector<16xi1>, vector<16xf32>
    %broadcast_in_dim3A_2192 = arith.constant 2 : i32
    %broadcast_in_dim3A_2193 = vector.broadcast %broadcast_in_dim3A_2192 : i32 to vector<16xi32>
    %eq3A_2194 = arith.cmpi eq, %select_n3A_2144, %broadcast_in_dim3A_2193 : vector<16xi32>
    %get3A_2195 = arith.constant 10 : i32
    %get3A_2196 = arith.index_cast %get3A_2195 : i32 to index
    %get3A_2197 = arith.constant 112 : index
    %get3A_2198 = tpu.vector_load %arg6[%get3A_2196, %get3A_2197] {strides = array<i32>} : memref<32x128xf32, #tpu.memory_space<vmem>>, vector<1x16xf32>,
    %get3A_2199 = vector.shape_cast %get3A_2198 : vector<1x16xf32> to vector<16xf32>
    %select_n3A_2200 = arith.select %eq3A_2194, %get3A_2199, %select_n3A_2184 : vector<16xi1>, vector<16xf32>
    %eq3A_2201 = arith.cmpi eq, %select_n3A_2139, %broadcast_in_dim3A_2193 : vector<16xi32>
    %get3A_2202 = arith.constant 18 : i32
    %get3A_2203 = arith.index_cast %get3A_2202 : i32 to index
    %get3A_2204 = arith.constant 112 : index
    %get3A_2205 = tpu.vector_load %arg6[%get3A_2203, %get3A_2204] {strides = array<i32>} : memref<32x128xf32, #tpu.memory_space<vmem>>, vector<1x16xf32>,
    %get3A_2206 = vector.shape_cast %get3A_2205 : vector<1x16xf32> to vector<16xf32>
    %select_n3A_2207 = arith.select %eq3A_2201, %get3A_2206, %select_n3A_2191 : vector<16xi1>, vector<16xf32>
    %broadcast_in_dim3A_2208 = arith.constant 3 : i32
    %broadcast_in_dim3A_2209 = vector.broadcast %broadcast_in_dim3A_2208 : i32 to vector<16xi32>
    %eq3A_2210 = arith.cmpi eq, %select_n3A_2144, %broadcast_in_dim3A_2209 : vector<16xi32>
    %get3A_2211 = arith.constant 11 : i32
    %get3A_2212 = arith.index_cast %get3A_2211 : i32 to index
    %get3A_2213 = arith.constant 112 : index
    %get3A_2214 = tpu.vector_load %arg6[%get3A_2212, %get3A_2213] {strides = array<i32>} : memref<32x128xf32, #tpu.memory_space<vmem>>, vector<1x16xf32>,
    %get3A_2215 = vector.shape_cast %get3A_2214 : vector<1x16xf32> to vector<16xf32>
    %select_n3A_2216 = arith.select %eq3A_2210, %get3A_2215, %select_n3A_2200 : vector<16xi1>, vector<16xf32>
    %eq3A_2217 = arith.cmpi eq, %select_n3A_2139, %broadcast_in_dim3A_2209 : vector<16xi32>
    %get3A_2218 = arith.constant 19 : i32
    %get3A_2219 = arith.index_cast %get3A_2218 : i32 to index
    %get3A_2220 = arith.constant 112 : index
    %get3A_2221 = tpu.vector_load %arg6[%get3A_2219, %get3A_2220] {strides = array<i32>} : memref<32x128xf32, #tpu.memory_space<vmem>>, vector<1x16xf32>,
    %get3A_2222 = vector.shape_cast %get3A_2221 : vector<1x16xf32> to vector<16xf32>
    %select_n3A_2223 = arith.select %eq3A_2217, %get3A_2222, %select_n3A_2207 : vector<16xi1>, vector<16xf32>
    %broadcast_in_dim3A_2224 = arith.constant 4 : i32
    %broadcast_in_dim3A_2225 = vector.broadcast %broadcast_in_dim3A_2224 : i32 to vector<16xi32>
    %eq3A_2226 = arith.cmpi eq, %select_n3A_2144, %broadcast_in_dim3A_2225 : vector<16xi32>
    %get3A_2227 = arith.constant 12 : i32
    %get3A_2228 = arith.index_cast %get3A_2227 : i32 to index
    %get3A_2229 = arith.constant 112 : index
    %get3A_2230 = tpu.vector_load %arg6[%get3A_2228, %get3A_2229] {strides = array<i32>} : memref<32x128xf32, #tpu.memory_space<vmem>>, vector<1x16xf32>,
    %get3A_2231 = vector.shape_cast %get3A_2230 : vector<1x16xf32> to vector<16xf32>
    %select_n3A_2232 = arith.select %eq3A_2226, %get3A_2231, %select_n3A_2216 : vector<16xi1>, vector<16xf32>
    %eq3A_2233 = arith.cmpi eq, %select_n3A_2139, %broadcast_in_dim3A_2225 : vector<16xi32>
    %get3A_2234 = arith.constant 20 : i32
    %get3A_2235 = arith.index_cast %get3A_2234 : i32 to index
    %get3A_2236 = arith.constant 112 : index
    %get3A_2237 = tpu.vector_load %arg6[%get3A_2235, %get3A_2236] {strides = array<i32>} : memref<32x128xf32, #tpu.memory_space<vmem>>, vector<1x16xf32>,
    %get3A_2238 = vector.shape_cast %get3A_2237 : vector<1x16xf32> to vector<16xf32>
    %select_n3A_2239 = arith.select %eq3A_2233, %get3A_2238, %select_n3A_2223 : vector<16xi1>, vector<16xf32>
    %broadcast_in_dim3A_2240 = arith.constant 5 : i32
    %broadcast_in_dim3A_2241 = vector.broadcast %broadcast_in_dim3A_2240 : i32 to vector<16xi32>
    %eq3A_2242 = arith.cmpi eq, %select_n3A_2144, %broadcast_in_dim3A_2241 : vector<16xi32>
    %get3A_2243 = arith.constant 13 : i32
    %get3A_2244 = arith.index_cast %get3A_2243 : i32 to index
    %get3A_2245 = arith.constant 112 : index
    %get3A_2246 = tpu.vector_load %arg6[%get3A_2244, %get3A_2245] {strides = array<i32>} : memref<32x128xf32, #tpu.memory_space<vmem>>, vector<1x16xf32>,
    %get3A_2247 = vector.shape_cast %get3A_2246 : vector<1x16xf32> to vector<16xf32>
    %select_n3A_2248 = arith.select %eq3A_2242, %get3A_2247, %select_n3A_2232 : vector<16xi1>, vector<16xf32>
    %eq3A_2249 = arith.cmpi eq, %select_n3A_2139, %broadcast_in_dim3A_2241 : vector<16xi32>
    %get3A_2250 = arith.constant 21 : i32
    %get3A_2251 = arith.index_cast %get3A_2250 : i32 to index
    %get3A_2252 = arith.constant 112 : index
    %get3A_2253 = tpu.vector_load %arg6[%get3A_2251, %get3A_2252] {strides = array<i32>} : memref<32x128xf32, #tpu.memory_space<vmem>>, vector<1x16xf32>,
    %get3A_2254 = vector.shape_cast %get3A_2253 : vector<1x16xf32> to vector<16xf32>
    %select_n3A_2255 = arith.select %eq3A_2249, %get3A_2254, %select_n3A_2239 : vector<16xi1>, vector<16xf32>
    %broadcast_in_dim3A_2256 = arith.constant 6 : i32
    %broadcast_in_dim3A_2257 = vector.broadcast %broadcast_in_dim3A_2256 : i32 to vector<16xi32>
    %eq3A_2258 = arith.cmpi eq, %select_n3A_2144, %broadcast_in_dim3A_2257 : vector<16xi32>
    %get3A_2259 = arith.constant 14 : i32
    %get3A_2260 = arith.index_cast %get3A_2259 : i32 to index
    %get3A_2261 = arith.constant 112 : index
    %get3A_2262 = tpu.vector_load %arg6[%get3A_2260, %get3A_2261] {strides = array<i32>} : memref<32x128xf32, #tpu.memory_space<vmem>>, vector<1x16xf32>,
    %get3A_2263 = vector.shape_cast %get3A_2262 : vector<1x16xf32> to vector<16xf32>
    %select_n3A_2264 = arith.select %eq3A_2258, %get3A_2263, %select_n3A_2248 : vector<16xi1>, vector<16xf32>
    %eq3A_2265 = arith.cmpi eq, %select_n3A_2139, %broadcast_in_dim3A_2257 : vector<16xi32>
    %get3A_2266 = arith.constant 22 : i32
    %get3A_2267 = arith.index_cast %get3A_2266 : i32 to index
    %get3A_2268 = arith.constant 112 : index
    %get3A_2269 = tpu.vector_load %arg6[%get3A_2267, %get3A_2268] {strides = array<i32>} : memref<32x128xf32, #tpu.memory_space<vmem>>, vector<1x16xf32>,
    %get3A_2270 = vector.shape_cast %get3A_2269 : vector<1x16xf32> to vector<16xf32>
    %select_n3A_2271 = arith.select %eq3A_2265, %get3A_2270, %select_n3A_2255 : vector<16xi1>, vector<16xf32>
    %broadcast_in_dim3A_2272 = arith.constant 7 : i32
    %broadcast_in_dim3A_2273 = vector.broadcast %broadcast_in_dim3A_2272 : i32 to vector<16xi32>
    %eq3A_2274 = arith.cmpi eq, %select_n3A_2144, %broadcast_in_dim3A_2273 : vector<16xi32>
    %get3A_2275 = arith.constant 15 : i32
    %get3A_2276 = arith.index_cast %get3A_2275 : i32 to index
    %get3A_2277 = arith.constant 112 : index
    %get3A_2278 = tpu.vector_load %arg6[%get3A_2276, %get3A_2277] {strides = array<i32>} : memref<32x128xf32, #tpu.memory_space<vmem>>, vector<1x16xf32>,
    %get3A_2279 = vector.shape_cast %get3A_2278 : vector<1x16xf32> to vector<16xf32>
    %select_n3A_2280 = arith.select %eq3A_2274, %get3A_2279, %select_n3A_2264 : vector<16xi1>, vector<16xf32>
    %eq3A_2281 = arith.cmpi eq, %select_n3A_2139, %broadcast_in_dim3A_2273 : vector<16xi32>
    %get3A_2282 = arith.constant 23 : i32
    %get3A_2283 = arith.index_cast %get3A_2282 : i32 to index
    %get3A_2284 = arith.constant 112 : index
    %get3A_2285 = tpu.vector_load %arg6[%get3A_2283, %get3A_2284] {strides = array<i32>} : memref<32x128xf32, #tpu.memory_space<vmem>>, vector<1x16xf32>,
    %get3A_2286 = vector.shape_cast %get3A_2285 : vector<1x16xf32> to vector<16xf32>
    %select_n3A_2287 = arith.select %eq3A_2281, %get3A_2286, %select_n3A_2271 : vector<16xi1>, vector<16xf32>
    %mul3A_2288 = arith.mulf %div3A_2155, %select_n3A_2280 : vector<16xf32>
    %mul3A_2289 = arith.mulf %div3A_2165, %select_n3A_2287 : vector<16xf32>
    %add3A_2290 = arith.addf %mul3A_2288, %mul3A_2289 : vector<16xf32>
    %add3A_2291 = arith.addf %div3A_2155, %div3A_2165 : vector<16xf32>
    %div3A_2292 = arith.divf %add3A_2290, %add3A_2291 : vector<16xf32>
    %swap3A_2293 = arith.constant 112 : index
    %swap3A_2294 = tpu.vector_load %arg7[%swap3A_2293] {strides = array<i32>} : memref<128xf32, #tpu.memory_space<vmem>>, vector<16xf32>,
    %swap3A_2295 = vector.shape_cast %swap3A_2294 : vector<16xf32> to vector<16xf32>
    %swap3A_2296 = vector.shape_cast %div3A_2292 : vector<16xf32> to vector<16xf32>
    tpu.vector_store %arg7[%swap3A_2293], %swap3A_2296 {strides = array<i32>} : memref<128xf32, #tpu.memory_space<vmem>>, vector<16xf32>,
    %swap3A_2297 = arith.constant 112 : index
    %swap3A_2298 = tpu.vector_load %arg8[%swap3A_2297] {strides = array<i32>} : memref<128xi32, #tpu.memory_space<vmem>>, vector<16xi32>,
    %swap3A_2299 = vector.shape_cast %swap3A_2298 : vector<16xi32> to vector<16xi32>
    %swap3A_2300 = vector.shape_cast %select_n3A_2144 : vector<16xi32> to vector<16xi32>
    tpu.vector_store %arg8[%swap3A_2297], %swap3A_2300 {strides = array<i32>} : memref<128xi32, #tpu.memory_space<vmem>>, vector<16xi32>,
    %swap3A_2301 = arith.constant 112 : index
    %swap3A_2302 = tpu.vector_load %arg9[%swap3A_2301] {strides = array<i32>} : memref<128xi32, #tpu.memory_space<vmem>>, vector<16xi32>,
    %swap3A_2303 = vector.shape_cast %swap3A_2302 : vector<16xi32> to vector<16xi32>
    %swap3A_2304 = vector.shape_cast %select_n3A_2139 : vector<16xi32> to vector<16xi32>
    tpu.vector_store %arg9[%swap3A_2301], %swap3A_2304 {strides = array<i32>} : memref<128xi32, #tpu.memory_space<vmem>>, vector<16xi32>,
    "tpu.region"() ({
      %run_scoped3A = tpu.sem_alloc : memref<!tpu.dma_semaphore, #tpu.memory_space<semaphore_mem>>
      %dma_start3A = tpu.memref_slice %arg3[%mul3A_2] : memref<4096xf32, #tpu.memory_space<hbm>> -> memref<128xf32, #tpu.memory_space<hbm>>
      %dma_start3A_2305 = tpu.memref_slice %arg3[%mul3A_2] : memref<4096xf32, #tpu.memory_space<hbm>> -> memref<128xf32, #tpu.memory_space<hbm>>
      tpu.enqueue_dma source(%arg7 : memref<128xf32, #tpu.memory_space<vmem>>) target(%dma_start3A_2305 : memref<128xf32, #tpu.memory_space<hbm>>) target_semaphore(%run_scoped3A : memref<!tpu.dma_semaphore, #tpu.memory_space<semaphore_mem>>)
      %dma_wait3A = tpu.memref_slice %arg3[%mul3A_2] : memref<4096xf32, #tpu.memory_space<hbm>> -> memref<128xf32, #tpu.memory_space<hbm>>
      %dma_wait3A_2306 = tpu.memref_slice %arg3[%mul3A_2] : memref<4096xf32, #tpu.memory_space<hbm>> -> memref<128xf32, #tpu.memory_space<hbm>>
      tpu.wait_dma2 semaphore(%run_scoped3A : memref<!tpu.dma_semaphore, #tpu.memory_space<semaphore_mem>>) src(%arg7 : memref<128xf32, #tpu.memory_space<vmem>>) dst(%dma_wait3A_2306 : memref<128xf32, #tpu.memory_space<hbm>>)
      tpu.yield
    }) : () -> ()
    "tpu.region"() ({
      %run_scoped3A = tpu.sem_alloc : memref<!tpu.dma_semaphore, #tpu.memory_space<semaphore_mem>>
      %dma_start3A = tpu.memref_slice %arg4[%mul3A_2] : memref<4096xi32, #tpu.memory_space<hbm>> -> memref<128xi32, #tpu.memory_space<hbm>>
      %dma_start3A_2305 = tpu.memref_slice %arg4[%mul3A_2] : memref<4096xi32, #tpu.memory_space<hbm>> -> memref<128xi32, #tpu.memory_space<hbm>>
      tpu.enqueue_dma source(%arg8 : memref<128xi32, #tpu.memory_space<vmem>>) target(%dma_start3A_2305 : memref<128xi32, #tpu.memory_space<hbm>>) target_semaphore(%run_scoped3A : memref<!tpu.dma_semaphore, #tpu.memory_space<semaphore_mem>>)
      %dma_wait3A = tpu.memref_slice %arg4[%mul3A_2] : memref<4096xi32, #tpu.memory_space<hbm>> -> memref<128xi32, #tpu.memory_space<hbm>>
      %dma_wait3A_2306 = tpu.memref_slice %arg4[%mul3A_2] : memref<4096xi32, #tpu.memory_space<hbm>> -> memref<128xi32, #tpu.memory_space<hbm>>
      tpu.wait_dma2 semaphore(%run_scoped3A : memref<!tpu.dma_semaphore, #tpu.memory_space<semaphore_mem>>) src(%arg8 : memref<128xi32, #tpu.memory_space<vmem>>) dst(%dma_wait3A_2306 : memref<128xi32, #tpu.memory_space<hbm>>)
      tpu.yield
    }) : () -> ()
    "tpu.region"() ({
      %run_scoped3A = tpu.sem_alloc : memref<!tpu.dma_semaphore, #tpu.memory_space<semaphore_mem>>
      %dma_start3A = tpu.memref_slice %arg5[%mul3A_2] : memref<4096xi32, #tpu.memory_space<hbm>> -> memref<128xi32, #tpu.memory_space<hbm>>
      %dma_start3A_2305 = tpu.memref_slice %arg5[%mul3A_2] : memref<4096xi32, #tpu.memory_space<hbm>> -> memref<128xi32, #tpu.memory_space<hbm>>
      tpu.enqueue_dma source(%arg9 : memref<128xi32, #tpu.memory_space<vmem>>) target(%dma_start3A_2305 : memref<128xi32, #tpu.memory_space<hbm>>) target_semaphore(%run_scoped3A : memref<!tpu.dma_semaphore, #tpu.memory_space<semaphore_mem>>)
      %dma_wait3A = tpu.memref_slice %arg5[%mul3A_2] : memref<4096xi32, #tpu.memory_space<hbm>> -> memref<128xi32, #tpu.memory_space<hbm>>
      %dma_wait3A_2306 = tpu.memref_slice %arg5[%mul3A_2] : memref<4096xi32, #tpu.memory_space<hbm>> -> memref<128xi32, #tpu.memory_space<hbm>>
      tpu.wait_dma2 semaphore(%run_scoped3A : memref<!tpu.dma_semaphore, #tpu.memory_space<semaphore_mem>>) src(%arg9 : memref<128xi32, #tpu.memory_space<vmem>>) dst(%dma_wait3A_2306 : memref<128xi32, #tpu.memory_space<hbm>>)
      tpu.yield
    }) : () -> ()
    return
  }
}

module attributes {stable_mosaic.version = 14 : i64} {
  func.func @_bcast_block(%arg0: i32, %arg1: memref<512x1xf32, #tpu.memory_space<vmem>>, %arg2: memref<512x2048xf32, #tpu.memory_space<vmem>>) attributes {dimension_semantics = [#tpu.dimension_semantics<arbitrary>], iteration_bounds = array<i64: 8>, scalar_prefetch = 0 : i64, scratch_operands = 0 : i64, tpu.core_type = #tpu.core_type<tc>, window_params = [{transform_indices = @transform_0, window_bounds = array<i64: 512, 1>}, {transform_indices = @transform_1, window_bounds = array<i64: 512, 2048>}]} {
    %get3A = arith.constant 0 : index
    %get3A_0 = arith.constant 0 : index
    %get3A_1 = vector.load %arg1[%get3A, %get3A_0] : memref<512x1xf32, #tpu.memory_space<vmem>>, vector<512x1xf32>
    %broadcast_in_dim3A = vector.shape_cast %get3A_1 : vector<512x1xf32> to vector<512x1xf32>
    %broadcast_in_dim3A_2 = vector.broadcast %broadcast_in_dim3A : vector<512x1xf32> to vector<512x2048xf32>
    %swap3A = arith.constant 0 : index
    %swap3A_3 = arith.constant 0 : index
    %swap3A_4 = vector.load %arg2[%swap3A, %swap3A_3] : memref<512x2048xf32, #tpu.memory_space<vmem>>, vector<512x2048xf32>
    tpu.vector_store %arg2[%swap3A, %swap3A_3], %broadcast_in_dim3A_2 {strides = array<i32>} : memref<512x2048xf32, #tpu.memory_space<vmem>>, vector<512x2048xf32>,
    return
  }
  func.func @transform_0(%arg0: i32) -> (i32, i32) {
    %c0_i32 = arith.constant 0 : i32
    %c0_i32_0 = arith.constant 0 : i32
    return %arg0, %c0_i32 : i32, i32
  }
  func.func @transform_1(%arg0: i32) -> (i32, i32) {
    %c0_i32 = arith.constant 0 : i32
    %c0_i32_0 = arith.constant 0 : i32
    return %arg0, %c0_i32 : i32, i32
  }
}

module attributes {stable_mosaic.version = 14 : i64} {
  func.func @_proj_block(%arg0: i32, %arg1: memref<512x2048xf32, #tpu.memory_space<vmem>>, %arg2: memref<2048x32xf32, #tpu.memory_space<vmem>>, %arg3: memref<32x1xf32, #tpu.memory_space<vmem>>, %arg4: memref<32x512xf32, #tpu.memory_space<vmem>>) attributes {dimension_semantics = [#tpu.dimension_semantics<arbitrary>], iteration_bounds = array<i64: 8>, scalar_prefetch = 0 : i64, scratch_operands = 0 : i64, tpu.core_type = #tpu.core_type<tc>, window_params = [{transform_indices = @transform_0, window_bounds = array<i64: 512, 2048>}, {pipeline_mode = #tpu.pipeline_mode<synchronous>, transform_indices = @transform_1, window_bounds = array<i64: 2048, 32>}, {pipeline_mode = #tpu.pipeline_mode<synchronous>, transform_indices = @transform_2, window_bounds = array<i64: 32, 1>}, {transform_indices = @transform_3, window_bounds = array<i64: 32, 512>}]} {
    %get3A = arith.constant 0 : index
    %get3A_0 = arith.constant 0 : index
    %get3A_1 = vector.load %arg2[%get3A, %get3A_0] : memref<2048x32xf32, #tpu.memory_space<vmem>>, vector<2048x32xf32>
    %get3A_2 = arith.constant 0 : index
    %get3A_3 = arith.constant 0 : index
    %get3A_4 = vector.load %arg1[%get3A_2, %get3A_3] : memref<512x2048xf32, #tpu.memory_space<vmem>>, vector<512x2048xf32>
    %dot_general3A = arith.constant dense<0.000000e+00> : vector<32x512xf32>
    %dot_general3A_5 = tpu.matmul %get3A_1, %get3A_4, %dot_general3A {dimension_numbers = #tpu.dot_dimension_numbers<[0], [1], [1], [0], [0, 1, 1, 0], [], []>, transpose_lhs_hint = false} : vector<2048x32xf32>, vector<512x2048xf32>, vector<32x512xf32> -> vector<32x512xf32>
    %get3A_6 = arith.constant 0 : index
    %get3A_7 = arith.constant 0 : index
    %get3A_8 = vector.load %arg3[%get3A_6, %get3A_7] : memref<32x1xf32, #tpu.memory_space<vmem>>, vector<32x1xf32>
    %squeeze3A = vector.shape_cast %get3A_8 : vector<32x1xf32> to vector<32xf32>
    %broadcast_in_dim3A = vector.shape_cast %squeeze3A : vector<32xf32> to vector<32x1xf32>
    %add3A = vector.broadcast %broadcast_in_dim3A : vector<32x1xf32> to vector<32x512xf32>
    %add3A_9 = arith.addf %dot_general3A_5, %add3A : vector<32x512xf32>
    %swap3A = arith.constant 0 : index
    %swap3A_10 = arith.constant 0 : index
    %swap3A_11 = vector.load %arg4[%swap3A, %swap3A_10] : memref<32x512xf32, #tpu.memory_space<vmem>>, vector<32x512xf32>
    tpu.vector_store %arg4[%swap3A, %swap3A_10], %add3A_9 {strides = array<i32>} : memref<32x512xf32, #tpu.memory_space<vmem>>, vector<32x512xf32>,
    return
  }
  func.func @transform_0(%arg0: i32) -> (i32, i32) {
    %c0_i32 = arith.constant 0 : i32
    %c0_i32_0 = arith.constant 0 : i32
    return %arg0, %c0_i32 : i32, i32
  }
  func.func @transform_1(%arg0: i32) -> (i32, i32) {
    %c0_i32 = arith.constant 0 : i32
    %c0_i32_0 = arith.constant 0 : i32
    %c0_i32_1 = arith.constant 0 : i32
    return %c0_i32, %c0_i32_0 : i32, i32
  }
  func.func @transform_2(%arg0: i32) -> (i32, i32) {
    %c0_i32 = arith.constant 0 : i32
    %c0_i32_0 = arith.constant 0 : i32
    %c0_i32_1 = arith.constant 0 : i32
    return %c0_i32, %c0_i32_0 : i32, i32
  }
  func.func @transform_3(%arg0: i32) -> (i32, i32) {
    %c0_i32 = arith.constant 0 : i32
    %c0_i32_0 = arith.constant 0 : i32
    return %c0_i32, %arg0 : i32, i32
  }
}

</mosaic_0001>

<sc_bundles>
// kernel: kernel.5.cloned.1.call-start
scs
__scs_entry_jumppad:
0x0: {  	(pc) =	sbr.rel $0x88, $3  }
0x1: {  	(tag) =	ssettag $0x0;
	lr =	simm.s32 $0x1  }
0x2: {  	[smem:$0x3F9B] =	sst lr;
	_ =	strace $0xD0000000  }
0x3: {  	_ = 	snop  }
0x4: {  	_ = 	snop  }
0x5: {  	_ = 	snop  }
0x6: {  	_ = 	snop  }
0x7: {  	_ = 	snop  }
__scs_overlays_trampoline_lowered:
0x8: {  	[smem:$0x3FAA] =	sst s0  }
0x9: {  	[smem:$0x3FAB] =	sst s1  }
0xa: {  	[smem:$0x3FAC] =	sst s2  }
0xb: {  	[smem:$0x3FAD] =	sst s3  }
0xc: {  	[smem:$0x3FAE] =	sst s4  }
0xd: {  	[smem:$0x3FAF] =	sst s5  }
0xe: {  	[smem:$0x3FB0] =	sst s6  }
0xf: {  	[smem:$0x3FB1] =	sst s7  }
0x10: {  	[smem:$0x3FB2] =	sst s8  }
0x11: {  	[smem:$0x3FB3] =	sst s9;
	s0 =	simm.s32 @!p0 $0x0  }
0x12: {  	s1 =	sld [smem:$0x3F99];
	s0 =	simm.s32 @p0 $0x1  }
0x13: {  	[smem:$0x3FB4] =	sst s0;
	s0 =	simm.s32 @!p1 $0x0  }
0x14: {  	s2 =	sld [smem:$0x3F98];
	s0 =	simm.s32 @p1 $0x1  }
0x15: {  	[smem:$0x3FB5] =	sst s0;
	s0 =	simm.s32 @!p2 $0x0  }
0x16: {  	s3 =	sld [smem:$0x3FDB];
	s0 =	simm.s32 @p2 $0x1  }
0x17: {  	s4 =	simm.s32 $0x1BF5;
	[smem:$0x3FB7] =	sst s0  }
0x18: {  	s0 =	sld [smem:$0x3F9A];
	_ =	swait.ge [sflag:s4], $0x0  }
0x19: {  	s7 =	sld [smem:$0x3F9B]  }
0x1a: {  	s8 =	sadd.s32 $0xFFFFE003, lr  }
0x1b: {  	s9 =	sadd.s32 $0xFFFFFEF7, lr;
	s5 =	simm.s32 $0xFFFFFFFF;
	p2 =	slt.u32 s8, $0xFFFFF086  }
0x1c: {  	p1 =	slt.u32 s9, $0xF7A;
	s5 =	simm.s32 @!p2 $0x0  }
0x1d: {  	s5 =	simm.s32 @p1 $0x1;
	p0 =	seq.s32 s7, s2  }
0x1e: {  	s7 =	smul.u32 @!p0 $0xF7A, s2;
	p2 =	seq.s32 @!p0 s5, $0x0  }
0x1f: {  	s9 =	smul.u32 $0xF7A, s1;
	s8 =	simm.s32 @!p0 $0x1BF5;
	p2 =	por !p2, p0  }
0x20: {  	[sflag:s8] =	ssyncset.s32 @!p0 $0xFFFFF086;
	s6 =	sadd.s32 @!p0 s3, s7;
	s7 =	simm.s32 @!p0 $0x108  }
0x21: {  	s3 =	sadd.s32 s3, s9;
	s6 =	sadd.s32 @!p0 $0x88, s6;
	s7 =	simm.s32 @p2 $0x1082  }
0x22: {  	[simem:s7], [sflag:s8] =	dma.local @!p0 [hbm:s6], $0xF7A  }
0x23: {  	s9 =	sor.u32 $0xD0000000, s2;
	s6 =	simm.s32 $0x108;
	_ =	swait.ge @!p0 [sflag:s8], $0x0  }
0x24: {  	s3 =	sadd.s32 $0x88, s3;
	s6 =	simm.s32 @!p1 $0x1082;
	[sflag:s4] =	ssyncset.s32 $0xFFFFF086  }
0x25: {  	[simem:s6], [sflag:s4] =	dma.local [hbm:s3], $0xF7A  }
0x26: {  	[smem:$0x3F9B] =	sst s1;
	(tag) =	ssettag s2;
	_ =	strace s9  }
0x27: {  	s1 =	sld [smem:$0x3FAB]  }
0x28: {  	s2 =	sld [smem:$0x3FAC]  }
0x29: {  	s4 =	sld [smem:$0x3FAE]  }
0x2a: {  	p0 =	seq.s32 s5, $0x0;
	s5 =	sld [smem:$0x3FAF]  }
0x2b: {  	s6 =	sld [smem:$0x3FB0]  }
0x2c: {  	s7 =	sld [smem:$0x3FB1]  }
0x2d: {  	s3 =	simm.s32 $0x108;
	s8 =	sld [smem:$0x3FB2]  }
0x2e: {  	s3 =	simm.s32 @!p0 $0x1082;
	s9 =	sld [smem:$0x3FB3]  }
0x2f: {  	lr =	sadd.s32 s0, s3;
	s0 =	sld [smem:$0x3FAA]  }
0x30: {  	s3 =	sld [smem:$0x3FAD]  }
0x31: {  	[smem:$0x3FB6] =	sst s10  }
0x32: {  	s10 =	sld [smem:$0x3FB4];
	_ =	sdelay $0x3  }
0x33: {  	p0 =	seq.s32 s10, $0x1;
	s10 =	sld [smem:$0x3FB6];
	_ =	sdelay $0x3  }
0x34: {  	[smem:$0x3FB6] =	sst s10  }
0x35: {  	s10 =	sld [smem:$0x3FB5];
	_ =	sdelay $0x3  }
0x36: {  	p1 =	seq.s32 s10, $0x1;
	s10 =	sld [smem:$0x3FB6];
	_ =	sdelay $0x3  }
0x37: {  	[smem:$0x3FB6] =	sst s10  }
0x38: {  	s10 =	sld [smem:$0x3FB7]  }
0x39: {  	_ = 	snop;
	(pc) =	sbr.ind lr, $3  }
0x3a: {  	_ = 	snop  }
0x3b: {  	_ = 	snop  }
0x3c: {  	p2 =	seq.s32 s10, $0x1;
	s10 =	sld [smem:$0x3FB6]  }
0x3d: {  	_ =	shalt  }
0x3e: {  	_ =	shalt  }
0x3f: {  	_ =	shalt  }
0x40: {  	_ =	shalt  }
0x41: {  	_ =	shalt  }
0x42: {  	_ =	shalt  }
0x43: {  	_ =	shalt  }
0x44: {  	_ =	shalt  }
0x45: {  	_ =	shalt  }
0x46: {  	_ =	shalt  }
0x47: {  	_ =	shalt  }
0x48: {  	_ =	shalt  }
0x49: {  	_ =	shalt  }
0x4a: {  	_ =	shalt  }
0x4b: {  	_ =	shalt  }
0x4c: {  	_ =	shalt  }
0x4d: {  	_ =	shalt  }
0x4e: {  	_ =	shalt  }
0x4f: {  	_ =	shalt  }
0x50: {  	_ =	shalt  }
0x51: {  	_ =	shalt  }
0x52: {  	_ =	shalt  }
0x53: {  	_ =	shalt  }
0x54: {  	_ =	shalt  }
0x55: {  	_ =	shalt  }
0x56: {  	_ =	shalt  }
0x57: {  	_ =	shalt  }
0x58: {  	_ =	shalt  }
0x59: {  	_ =	shalt  }
0x5a: {  	_ =	shalt  }
0x5b: {  	_ =	shalt  }
0x5c: {  	_ =	shalt  }
0x5d: {  	_ =	shalt  }
0x5e: {  	_ =	shalt  }
0x5f: {  	_ =	shalt  }
0x60: {  	_ =	shalt  }
0x61: {  	_ =	shalt  }
0x62: {  	_ =	shalt  }
0x63: {  	_ =	shalt  }
0x64: {  	_ =	shalt  }
0x65: {  	_ =	shalt  }
0x66: {  	_ =	shalt  }
0x67: {  	_ =	shalt  }
0x68: {  	_ =	shalt  }
0x69: {  	_ =	shalt  }
0x6a: {  	_ =	shalt  }
0x6b: {  	_ =	shalt  }
0x6c: {  	_ =	shalt  }
0x6d: {  	_ =	shalt  }
0x6e: {  	_ =	shalt  }
0x6f: {  	_ =	shalt  }
0x70: {  	_ =	shalt  }
0x71: {  	_ =	shalt  }
0x72: {  	_ =	shalt  }
0x73: {  	_ =	shalt  }
0x74: {  	_ =	shalt  }
0x75: {  	_ =	shalt  }
0x76: {  	_ =	shalt  }
0x77: {  	_ =	shalt  }
0x78: {  	_ =	shalt  }
0x79: {  	_ =	shalt  }
0x7a: {  	_ =	shalt  }
0x7b: {  	_ =	shalt  }
0x7c: {  	_ =	shalt  }
0x7d: {  	_ =	shalt  }
0x7e: {  	_ =	shalt  }
0x7f: {  	_ =	shalt  }
0x80: {  	_ =	shalt  }
0x81: {  	_ =	shalt  }
0x82: {  	_ =	shalt  }
0x83: {  	_ =	shalt  }
0x84: {  	_ =	shalt  }
0x85: {  	_ =	shalt  }
0x86: {  	_ =	shalt  }
0x87: {  	_ =	shalt  }
.Lfunc_end0:
.L_simem_size_0:
called_computation_lowered:
.L_overlay_start_0:
0x88: {  	s2 =	sld [smem:$0x3FD9]  }
0x89: {  	s3 =	sld [smem:$0x3FFE];
	_ =	sdelay $0x1  }
0x8a: {  	s1 =	srdreg.scid  }
0x8b: {  	s0 =	sand.u32 $0x1, s1  }
0x8c: {  	s14 =	sshll.u32 s0, $0xA;
	s2 =	sadd.s32 s3, s2  }
0x8d: {  	s2 =	sadd.s32 s2, s14  }
0x8e: {  	[smem:$0x3FC2] =	sst s2  }
0x8f: {  	_ = 	snop  }
0x90: {  	s2 =	sld [smem:$0x3FD0];
	_ =	sdelay $0x2  }
0x91: {  	s15 =	simm.s32 $0xA;
	s4 =	simm.s32 $0x10  }
0x92: {  	[smem:s4], [sflag:s15] =	dma.local [hbm:s2], $0x1  }
0x93: {  	_ =	swait.eq [sflag:s15], $0x1  }
0x94: {  	[sflag:s15] =	ssyncset.done $0x0  }
0x95: {  	s16 =	sld [smem:$0x10];
	[sflag:s15] =	ssyncadd.s32 $0xFFFFFFFF  }
0x96: {  	s17 =	sld [smem:$0x11];
	(tm) =	ssettm $0x1  }
0x97: {  	s18 =	sld [smem:$0x3FFB];
	_ =	sdelay $0x3  }
0x98: {  	_ =	strace s18  }
0x99: {  	s4 =	sld [smem:$0x3FFC];
	_ =	sdelay $0x3  }
0x9a: {  	_ =	strace s4  }
0x9b: {  	s4 =	sld [smem:$0x3FFD];
	_ =	sdelay $0x3  }
0x9c: {  	_ =	strace s4  }
0x9d: {  	_ =	strace $0x8FFFFFFF  }
0x9e: {  	s19 =	sld [smem:$0x3FDB];
	_ =	sdelay $0x1  }
0x9f: {  	s5 =	simm.s32 $_scs_section_size  }
0xa0: {  	s6 =	simm.s32 $_size__tile_overlayer_lowered;
	s7 =	simm.s32 $_tile_overlayer_lowered  }
0xa1: {  	s22 =	simm.s32 $0x1BFF;
	s21 =	sshll.u32 s7, $0x1;
	s4 =	sadd.s32 s5, s19  }
0xa2: {  	s8 =	simm.s32 $0x0;
	s20 =	sshll.u32 s6, $0x1;
	s6 =	sadd.s32 s21, s4  }
0xa3: {  	[timem:s8], [sflag:s22] =	dma.local [hbm:s6], s20  }
0xa4: {  	_ =	swait.ge [sflag:s22], s20  }
0xa5: {  	s5 =	ssub.s32 $0x0, s20;
	[sflag:s22] =	ssyncset.done $0x0  }
0xa6: {  	[sflag:s22] =	ssyncadd.s32 s5;
	_ =	sdelay $0x1  }
0xa7: {  	s23 =	simm.s32 $0x1B8B  }
0xa8: {  	_ =	swait.ge [sflag:s23], $0x1  }
0xa9: {  	[sflag:s23] =	ssyncset.done $0x0  }
0xaa: {  	s25 =	simm.s32 $0x1B8E;
	s24 =	sld [smem:$0x3FFE];
	[sflag:s23] =	ssyncadd.s32 $0xFFFFFFFF  }
0xab: {  	s26 =	simm.s32 $execute0_lowered;
	[smem:$0x3FD2] =	sst s25  }
0xac: {  	s6 =	sshll.u32 s26, $0x1;
	_ =	strace $0x80000046;
	[dreg:$0x1] =	wrdreg $0xFFFFFFFF  }
0xad: {  	s28 =	simm.s32 $_size_execute0_lowered;
	s4 =	sadd.s32 s4, s6;
	[dreg:$0x0] =	wrdreg $0x0  }
0xae: {  	s6 =	sshll.u32 s28, $0x1;
	[dreg:$0x2] =	wrdreg s4  }
0xaf: {  	[dreg:$0x3] =	wrdreg s6  }
0xb0: {  	[dreg:$0x4] =	wrdreg $0xC0  }
0xb1: {  	_ =	task [dreg:s8], $0x5FFFF  }
0xb2: {  	[dreg:$0x1] =	wrdreg $0xFFFFFFFF  }
0xb3: {  	[dreg:$0x0] =	wrdreg $0x60  }
0xb4: {  	[dreg:$0x2] =	wrdreg s16  }
0xb5: {  	[dreg:$0x3] =	wrdreg s17  }
0xb6: {  	[dreg:$0x4] =	wrdreg s24  }
0xb7: {  	[dreg:$0x5] =	wrdreg $0x9  }
0xb8: {  	_ =	task.clear_ibuf [dreg:s8], $0x6FFFF;
	_ =	strace $0x90000046  }
0xb9: {  	s29 =	simm.s32 $0x9;
	_ =	strace $0x80000048  }
0xba: {  	_ =	swait.ge [sflag:s29], $0x1  }
0xbb: {  	[sflag:s29] =	ssyncadd.s32 $0xFFFFFFFF  }
0xbc: {  	_ =	strace $0x90000048  }
0xbd: {  	_ =	sfence  }
0xbe: {  	s30 =	sld [smem:$0x0];
	_ =	sdelay $0x2  }
0xbf: {  	s31 =	sshll.u32 s1, $0xD;
	s1 =	sshrl.u32 s1, $0x2  }
0xc0: {  	s3 =	sand.u32 $0x4000, s31;
	s1 =	sadd.s32 s1, s30  }
0xc1: {  	s0 =	sor.u32 s3, s0;
	s1 =	sshll.u32 s1, $0x11  }
0xc2: {  	s0 =	sor.u32 s1, s0  }
0xc3: {  	s0 =	sadd.s32 $0x8F2B, s0  }
0xc4: {  	[sflag:s0] =	ssyncadd.remote.s32 $0x1  }
0xc5: {  	_ =	sfence.sel $0xFFFF  }
0xc6: {  	[dreg:$0x0] =	wrdreg $0xFFFFFFFF;
	(pc) =	sbr.abs _section_cstart, $3  }
0xc7: {  	[dreg:$0x1] =	wrdreg $0xFFFFFFFF  }
0xc8: {  	_ =	task.clear_ibuf [dreg:s8], $0x2FFFF;
	_ =	strace $0x9FFFFFFF  }
0xc9: {  	(tm) =	ssettm $0x7FFFFFFF  }
tec
execute0_lowered:
.L_overlay_start_1:
0x0: {  	(tag) =	ssettag $0x1  }
0x1: {  	s3 =	rddreg [dreg:$0x0]  }
0x2: {  	s4 =	rddreg [dreg:$0x1]  }
0x3: {  	s5 =	rddreg [dreg:$0x2]  }
0x4: {  	s0 =	rddreg [dreg:$0x3];
	s6 =	srdreg.scid  }
0x5: {  	s1 =	stileid.u32;
	s2 =	simm.s32 $0x0;
	s11 =	simm.s32 $0x1000  }
0x6: {  	s12 =	simm.s32 $0x1080;
	s6 =	sand.u32 $0x1, s6;
	s7 =	sshll.u32 s1, $0x1  }
0x7: {  	s13 =	simm.s32 $0x1100;
	[smem:$0x7FF] =	sst s2;
	s7 =	sor.u32 s6, s7  }
0x8: {  	_ =	strace $0x80000047;
	s6 =	ssub.s32 $0x2, s6;
	s8 =	sshll.u32 s7, $0x4  }
0x9: {  	s31 =	sshrl.u32 s6, $0x1;
	s7 =	sshll.u32 s7, $0x7;
	s9 =	sadd.s32 s8, s5  }
0xa: {  	s10 =	ssub.s32 s6, s31;
	s3 =	sadd.s32 s3, s7;
	s4 =	sadd.s32 s4, s8  }
0xb: {  	s8 =	simm.s32 $0x400;
	s5 =	sadd.s32 $0xC00, s9;
	s6 =	sadd.s32 $0xE00, s9  }
0xc: {  	s7 =	smax.u32 s10, $0x1;
	s9 =	simm.s32 $0x8000;
	s10 =	simm.s32 $0x1  }
.LBB2_1:
0xd: {  	[tilespmem:s2], [sflag:$0x1] =	stream.strided.gather [hbm4b:s3+s8], $0x1000, s9, s8, $0x38;
	[tilespmem:$0x1180] =	vst v63  }
0xe: {  	_ =	swait.ge [sflag:s10], $0x1000  }
0xf: {  	[sflag:s10] =	ssyncset.done $0x0  }
0x10: {  	[sflag:s10] =	ssyncadd.s32 $0xFFFFF000  }
0x11: {  	v1 =	vld [tilespmem:$0x0]  }
0x12: {  	v5 =	vld [tilespmem:$0x80]  }
0x13: {  	v30 =	vld [tilespmem:$0x100]  }
0x14: {  	v29 =	vld [tilespmem:$0x180]  }
0x15: {  	v6 =	vld [tilespmem:$0x200]  }
0x16: {  	v9 =	vld [tilespmem:$0x280]  }
0x17: {  	v8 =	vld [tilespmem:$0x300];
	v2 =	vmax.f32 v1, v5  }
0x18: {  	v7 =	vld [tilespmem:$0x380];
	v3 =	vmax.f32 v2, v30  }
0x19: {  	v4 =	vmax.f32 v3, v29  }
0x1a: {  	v10 =	vmax.f32 v4, v6  }
0x1b: {  	v11 =	vmax.f32 v10, v9  }
0x1c: {  	vm10 =	vgt.f32 v5, v1;
	v12 =	vmax.f32 v11, v8  }
0x1d: {  	v13 =	vmax.f32 v5, $-1.000000020e+30;
	vm12 =	vmneg vm10;
	v14 =	vmax.f32 v12, v7  }
0x1e: {  	v31 =	vsel vm12, v13, v1;
	v38 =	vsub.f32 $0.0e+00, v14  }
0x1f: {  	vm1 =	vgt.f32 v30, v2;
	v13 =	vmax.f32 v31, v30  }
0x20: {  	v41 =	vsel vm1, v2, v13;
	v1 =	vmul.f32 $1.442695020e+00, v38  }
0x21: {  	vm8 =	vgt.f32 v29, v3;
	v2 =	vmax.f32 v41, v29  }
0x22: {  	v40 =	vsel vm8, v3, v2;
	(erf) = vpow2.f32 v1  }
0x23: {  	vm2 =	vgt.f32 v6, v4;
	v44 =	vmax.f32 v40, v6  }
0x24: {  	v39 =	vsel vm2, v4, v44  }
0x25: {  	vm3 =	vgt.f32 v9, v10;
	v1 =	vmax.f32 v39, v9  }
0x26: {  	v28 =	vsel vm3, v10, v1  }
0x27: {  	vm5 =	vgt.f32 v8, v11;
	v1 =	vmax.f32 v28, v8  }
0x28: {  	vm0 =	vgt.f32 v7, v12;
	v27 =	vsel vm5, v11, v1  }
0x29: {  	vm0 =	vmneg vm0;
	v1 =	vmax.f32 v27, v7  }
0x2a: {  	v1 =	vsel vm0, v1, v12  }
0x2b: {  	v1 =	vsub.f32 $0.0e+00, v1;
	v45 =	vpop (erf)  }
0x2c: {  	v2 =	vadd.f32 $1.000000000e+00, v45  }
0x2d: {  	v1 =	vmul.f32 $1.442695020e+00, v1  }
0x2e: {  	(erf) = vrcp.f32 v2  }
0x2f: {  	(erf) = vpow2.f32 v1;
	_ =	sdelay $0x7  }
0x30: {  	v46 =	vld [tilespmem:$0x10];
	v0 =	vpop (erf)  }
0x31: {  	v23 =	vld [tilespmem:$0x90];
	v47 =	vpop (erf)  }
0x32: {  	v10 =	vld [tilespmem:$0x110];
	v2 =	vadd.f32 $1.000000000e+00, v47  }
0x33: {  	v22 =	vld [tilespmem:$0x190]  }
0x34: {  	v15 =	vld [tilespmem:$0x210];
	(erf) = vrcp.f32 v2  }
0x35: {  	v13 =	vld [tilespmem:$0x290]  }
0x36: {  	v48 =	vmax.f32 v46, v23;
	v12 =	vld [tilespmem:$0x310]  }
0x37: {  	v11 =	vld [tilespmem:$0x390];
	v49 =	vmax.f32 v48, v10  }
0x38: {  	v16 =	vmax.f32 v49, v22  }
0x39: {  	v17 =	vmax.f32 v16, v15  }
0x3a: {  	vm4 =	vgt.f32 v23, v46;
	v18 =	vmax.f32 v17, v13  }
0x3b: {  	v20 =	vmax.f32 v23, $-1.000000020e+30;
	vm15 =	vmneg vm4;
	v19 =	vmax.f32 v18, v12  }
0x3c: {  	v26 =	vsel vm15, v20, v46;
	v21 =	vmax.f32 v19, v11  }
0x3d: {  	vm14 =	vgt.f32 v10, v48;
	v54 =	vmax.f32 v26, v10;
	v52 =	vsub.f32 $0.0e+00, v21;
	v51 =	vpop (erf)  }
0x3e: {  	v25 =	vsel vm14, v48, v54;
	v53 =	vadd.f32 v51, v0  }
0x3f: {  	v50 =	vimm.s32 $0x0;
	v4 =	vmax.f32 v25, v22;
	v3 =	vmul.f32 $1.442695020e+00, v52  }
0x40: {  	v1 =	vsel vm4, $0xFFFFFFFF, v50;
	vm4 =	vgt.f32 v22, v49;
	(erf) = vrcp.f32 v53  }
0x41: {  	v38 =	vsel vm4, v49, v4;
	(erf) = vpow2.f32 v3  }
0x42: {  	vm11 =	vgt.f32 v15, v16;
	v55 =	vmax.f32 v38, v15  }
0x43: {  	v37 =	vsel vm11, v16, v55  }
0x44: {  	vm6 =	vgt.f32 v13, v17;
	v3 =	vmax.f32 v37, v13  }
0x45: {  	v36 =	vsel vm6, v17, v3  }
0x46: {  	vm9 =	vgt.f32 v12, v18;
	v3 =	vmax.f32 v36, v12  }
0x47: {  	vm7 =	vgt.f32 v11, v19;
	v14 =	vsel vm9, v18, v3  }
0x48: {  	vm7 =	vmneg vm7;
	v56 =	vmax.f32 v14, v11  }
0x49: {  	v4 =	vsel vm7, v56, v19;
	v57 =	vpop (erf)  }
0x4a: {  	v4 =	vsub.f32 $0.0e+00, v4;
	v58 =	vpop (erf)  }
0x4b: {  	v16 =	vadd.f32 $1.000000000e+00, v58  }
0x4c: {  	v4 =	vmul.f32 $1.442695020e+00, v4  }
0x4d: {  	(erf) = vrcp.f32 v16  }
0x4e: {  	(erf) = vpow2.f32 v4;
	_ =	sdelay $0x5  }
0x4f: {  	v24 =	vld [tilespmem:$0xA0]  }
0x50: {  	v32 =	vld [tilespmem:$0x20]  }
0x51: {  	v59 =	vpop (erf)  }
0x52: {  	v61 =	vimm.s32 $0x0;
	v60 =	vpop (erf)  }
0x53: {  	v63 =	vimm.s32 $0x0;
	vm13 =	vgt.f32 v5, $-1.000000020e+30;
	v21 =	vld [tilespmem:$0x120];
	v16 =	vadd.f32 $1.000000000e+00, v60  }
0x54: {  	v5 =	vimm.s32 $0x0;
	v34 =	vmax.f32 v24, $-1.000000020e+30;
	v20 =	vld [tilespmem:$0x1A0];
	vm12 =	vmand vm12, vm13  }
0x55: {  	v46 =	vsel vm12, $0x1, v5;
	vm12 =	vgt.f32 v24, v32;
	v18 =	vld [tilespmem:$0x220];
	(erf) = vrcp.f32 v16  }
0x56: {  	vm13 =	vgt.f32 v30, v31;
	[tilespmem:$0x1FF00] =	vst v1;
	v1 =	vsel vm12, $0xFFFFFFFF, v61;
	vm12 =	vmneg vm12;
	v19 =	vld [tilespmem:$0x2A0]  }
0x57: {  	v33 =	vmax.f32 v32, v24;
	v30 =	vsel vm13, $0x2, v46;
	v35 =	vsel vm12, v34, v32;
	v17 =	vld [tilespmem:$0x320]  }
0x58: {  	v54 =	vimm.s32 $0x0;
	v42 =	vmax.f32 v33, v21;
	v34 =	vmax.f32 v35, v21;
	v16 =	vld [tilespmem:$0x3A0]  }
0x59: {  	v43 =	vmax.f32 v42, v20;
	v2 =	vsel vm12, $0xFFFFFFFF, v63;
	vm12 =	vgt.f32 v21, v33  }
0x5a: {  	v52 =	vimm.s32 $0x0;
	v34 =	vsel vm12, v33, v34;
	v44 =	vmax.f32 v43, v18  }
0x5b: {  	v33 =	vmax.f32 v34, v20;
	vm13 =	vgt.f32 v18, v43;
	v45 =	vmax.f32 v44, v19  }
0x5c: {  	v47 =	vmax.f32 v45, v17;
	v4 =	vsel vm10, $0x1, v5;
	vm10 =	vgt.f32 v20, v42  }
0x5d: {  	[tilespmem:$0x1FFB0] =	vst v0;
	v0 =	vsel vm10, $0xFFFFFFFF, v52;
	v33 =	vsel vm10, v42, v33;
	v48 =	vmax.f32 v47, v16  }
0x5e: {  	v30 =	vsel vm1, v4, v30;
	v55 =	vsel vm1, $0x2, v4;
	v3 =	vsub.f32 $0.0e+00, v48;
	v62 =	vpop (erf)  }
0x5f: {  	[tilespmem:$0x1FFF0] =	vst v57;
	vm10 =	vgt.f32 v19, v44;
	vm1 =	vgt.f32 v6, v40;
	v49 =	vadd.f32 v62, v59  }
0x60: {  	[tilespmem:$0x1FF30] =	vst v0;
	v53 =	vmax.f32 v33, v18;
	v0 =	vsel vm13, $0xFFFFFFFF, v54;
	v32 =	vmul.f32 $1.442695020e+00, v3  }
0x61: {  	v57 =	vsel vm8, $0x3, v55;
	[tilespmem:$0x1FFD0] =	vst v59;
	v59 =	vimm.s32 $0x0;
	(erf) = vrcp.f32 v49  }
0x62: {  	(erf) = vpow2.f32 v32;
	v32 =	vsel vm13, v43, v53;
	vm13 =	vgt.f32 v29, v41  }
0x63: {  	[tilespmem:$0x1FFE0] =	vst v62;
	v62 =	vimm.s32 $0x0;
	v29 =	vsel vm13, $0x3, v30;
	v56 =	vmax.f32 v32, v19  }
0x64: {  	[tilespmem:$0x1FF20] =	vst v1;
	vm13 =	vgt.f32 v16, v47;
	v29 =	vsel vm8, v55, v29;
	vm8 =	vgt.f32 v17, v45  }
0x65: {  	v61 =	vld [tilespmem:$0x480];
	[tilespmem:$0x1FF40] =	vst v0;
	v31 =	vsel vm10, v44, v56;
	vm13 =	vmneg vm13;
	v0 =	vsel vm8, $0xFFFFFFFF, v59  }
0x66: {  	v1 =	vld [tilespmem:$0x880];
	v30 =	vmax.f32 v31, v17;
	v6 =	vsel vm1, $0x4, v29;
	[tilespmem:$0x1FF50] =	vst v0;
	v0 =	vsel vm13, $0xFFFFFFFF, v62  }
0x67: {  	v58 =	vld [tilespmem:$0x400];
	v30 =	vsel vm8, v45, v30;
	vm8 =	vgt.f32 v9, v39;
	[tilespmem:$0x1FF60] =	vst v0;
	v0 =	vsel vm2, v57, v6  }
0x68: {  	[tilespmem:$0x1FF10] =	vst v2;
	v52 =	vld [tilespmem:$0x580];
	v2 =	vsel vm2, $0x4, v57;
	v63 =	vmax.f32 v30, v16;
	v39 =	vsel vm8, $0x5, v0  }
0x69: {  	v54 =	vld [tilespmem:$0x980];
	v40 =	vsel vm13, v63, v47;
	vm13 =	vgt.f32 v8, v28;
	v39 =	vsel vm3, v2, v39  }
0x6a: {  	[tilespmem:$0x1FFC0] =	vst v51;
	v50 =	vsel vm3, $0x5, v2;
	v60 =	vld [tilespmem:$0x800];
	v6 =	vpop (erf);
	v51 =	vsel vm13, $0x6, v39  }
0x6b: {  	v3 =	vld [tilespmem:$0x500];
	vm8 =	vgt.f32 v7, v27;
	v40 =	vsub.f32 $0.0e+00, v40;
	v48 =	vpop (erf);
	v9 =	vsel vm5, v50, v51  }
0x6c: {  	v49 =	vld [tilespmem:$0x900];
	v8 =	vsel vm5, $0x6, v50;
	v44 =	vadd.f32 $1.000000000e+00, v48;
	v7 =	vsel vm8, $0x7, v9  }
0x6d: {  	v55 =	vld [tilespmem:$0x600];
	v53 =	vmul.f32 $1.442695020e+00, v40;
	v7 =	vsel vm0, v7, v8;
	v8 =	vnsel vm0, $0x7, v8  }
0x6e: {  	v56 =	vld [tilespmem:$0xA00];
	vm5 =	vmand vm0, vm5;
	(erf) = vrcp.f32 v44;
	vm13 =	veq.s32 v8, $0x1  }
0x6f: {  	v59 =	vld [tilespmem:$0xA80];
	vm8 =	veq.s32 v7, $0x1;
	(erf) = vpow2.f32 v53;
	v29 =	vsel vm13, v61, v58  }
0x70: {  	v57 =	vld [tilespmem:$0x680];
	v58 =	vsel vm8, v1, v60;
	vm13 =	veq.s32 v8, $0x2;
	vm8 =	veq.s32 v7, $0x2  }
0x71: {  	v60 =	vld [tilespmem:$0x700];
	v29 =	vsel vm13, v3, v29;
	vm13 =	veq.s32 v8, $0x3;
	v42 =	vsel vm8, v49, v58  }
0x72: {  	v50 =	vld [tilespmem:$0x1FF00];
	vm8 =	veq.s32 v7, $0x3;
	v28 =	vsel vm13, v52, v29;
	vm13 =	veq.s32 v8, $0x4  }
0x73: {  	v62 =	vld [tilespmem:$0xB00];
	v61 =	vsel vm8, v54, v42;
	vm8 =	veq.s32 v7, $0x4;
	v9 =	vsel vm13, v55, v28  }
0x74: {  	v63 =	vld [tilespmem:$0x780];
	v27 =	vsel vm8, v56, v61;
	vm13 =	veq.s32 v8, $0x5;
	vm8 =	veq.s32 v7, $0x5  }
0x75: {  	v4 =	vld [tilespmem:$0x30];
	v61 =	vimm.s32 $0x0;
	v28 =	vsel vm13, v57, v9;
	v27 =	vsel vm8, v59, v27  }
0x76: {  	v29 =	vld [tilespmem:$0xB0];
	vm13 =	vgt.f32 v23, $-1.000000020e+30;
	vm8 =	vgt.f32 v10, v26;
	v41 =	vsel vm5, v60, v28  }
0x77: {  	vm1 =	vmand vm15, vm13;
	vm5 =	veq.s32 v7, $0x6;
	vm13 =	vnez.u8 v50  }
0x78: {  	v1 =	vld [tilespmem:$0xB80];
	vm15 =	vgt.f32 v22, v25;
	v60 =	vimm.s32 $0x0;
	v40 =	vsel vm5, v62, v27  }
0x79: {  	v49 =	vsel vm1, $0x1, v5;
	v51 =	vsel vm13, $0x1, v5;
	v10 =	vsel vm0, v41, v63  }
0x7a: {  	v28 =	vld [tilespmem:$0x130];
	vm5 =	vgt.f32 v15, v38;
	v43 =	vsel vm8, $0x2, v49;
	v53 =	vsel vm14, $0x2, v51  }
0x7b: {  	v54 =	vmax.f32 v4, v29;
	vm8 =	veq.s32 v7, $0x7;
	v62 =	vmax.f32 v29, $-1.000000020e+30  }
0x7c: {  	v27 =	vld [tilespmem:$0x1B0];
	v9 =	vpop (erf);
	v52 =	vsel vm14, v51, v43;
	v57 =	vsel vm4, $0x3, v53;
	vm14 =	vgt.f32 v13, v37  }
0x7d: {  	v15 =	vsel vm8, v1, v40;
	v47 =	vpop (erf);
	v22 =	vsel vm15, $0x3, v52;
	v38 =	vsel vm11, $0x4, v57  }
0x7e: {  	v26 =	vld [tilespmem:$0x230];
	vm15 =	vgt.f32 v29, v4;
	v48 =	vadd.f32 $1.000000000e+00, v47;
	v55 =	vsel vm4, v53, v22  }
0x7f: {  	v25 =	vld [tilespmem:$0x2B0];
	v56 =	vmax.f32 v54, v28;
	v0 =	vsel vm15, $0xFFFFFFFF, v60;
	vm1 =	vmneg vm15  }
0x80: {  	vm15 =	vgt.f32 v28, v54;
	v50 =	vsel vm6, $0x5, v38;
	vm4 =	vgt.f32 v12, v36  }
0x81: {  	v23 =	vld [tilespmem:$0x330];
	v58 =	vsel vm5, $0x4, v55;
	v59 =	vmax.f32 v56, v27;
	[tilespmem:$0x1FF80] =	vst v0;
	v0 =	vsel vm1, $0xFFFFFFFF, v61  }
0x82: {  	v22 =	vld [tilespmem:$0x3B0];
	v39 =	vsel vm1, v62, v4;
	vm13 =	vgt.f32 v27, v56;
	(erf) = vrcp.f32 v48  }
0x83: {  	vm5 =	vgt.f32 v11, v14;
	v41 =	vsel vm11, v57, v58;
	v52 =	vmax.f32 v59, v26  }
0x84: {  	v1 =	vld [tilespmem:$0x610];
	v37 =	vmax.f32 v39, v28;
	v53 =	vmax.f32 v52, v25;
	v13 =	vsel vm14, $0x5, v41  }
0x85: {  	v4 =	vld [tilespmem:$0x410];
	v37 =	vsel vm15, v54, v37;
	vm14 =	vgt.f32 v26, v59;
	vm8 =	vgt.f32 v25, v52  }
0x86: {  	[tilespmem:$0x1FF70] =	vst v0;
	v57 =	vld [tilespmem:$0x890];
	v46 =	vmax.f32 v53, v23;
	v0 =	vsel vm6, v38, v13;
	v3 =	vmax.f32 v37, v27  }
0x87: {  	v54 =	vld [tilespmem:$0x810];
	v63 =	vmax.f32 v46, v22;
	v38 =	vsel vm13, v56, v3;
	v12 =	vsel vm4, $0x6, v0  }
0x88: {  	v56 =	vld [tilespmem:$0x490];
	vm11 =	vgt.f32 v22, v46;
	v41 =	vsub.f32 $0.0e+00, v63;
	v55 =	vmax.f32 v38, v26  }
0x89: {  	v60 =	vld [tilespmem:$0x510];
	v12 =	vsel vm9, v50, v12;
	vm6 =	vmneg vm11;
	v40 =	vsel vm14, v59, v55  }
0x8a: {  	v61 =	vld [tilespmem:$0x910];
	v12 =	vsel vm5, $0x7, v12;
	v59 =	vsel vm9, $0x6, v50;
	vm5 =	vgt.f32 v23, v53  }
0x8b: {  	v63 =	vld [tilespmem:$0x590];
	v41 =	vmul.f32 $1.442695020e+00, v41;
	v11 =	vsel vm7, v12, v59;
	v12 =	vnsel vm7, $0x7, v59;
	v13 =	vpop (erf)  }
0x8c: {  	v0 =	vld [tilespmem:$0x990];
	vm4 =	veq.s32 v12, $0x1;
	vm11 =	veq.s32 v11, $0x1;
	v2 =	vadd.f32 v13, v9  }
0x8d: {  	v58 =	vmax.f32 v40, v25;
	v36 =	vsel vm4, v56, v4;
	v43 =	vsel vm11, v57, v54;
	v57 =	vld [tilespmem:$0x1FF10]  }
0x8e: {  	vm4 =	veq.s32 v12, $0x2;
	vm11 =	veq.s32 v11, $0x2;
	(erf) = vrcp.f32 v2;
	v2 =	vld [tilespmem:$0xA10]  }
0x8f: {  	v36 =	vsel vm4, v60, v36;
	vm4 =	veq.s32 v12, $0x3;
	(erf) = vpow2.f32 v41  }
0x90: {  	v43 =	vsel vm11, v61, v43;
	vm11 =	veq.s32 v11, $0x3;
	v36 =	vsel vm4, v63, v36  }
0x91: {  	v4 =	vld [tilespmem:$0x690];
	v43 =	vsel vm11, v0, v43;
	vm4 =	veq.s32 v12, $0x4;
	vm11 =	veq.s32 v11, $0x4  }
0x92: {  	v54 =	vld [tilespmem:$0xA90];
	v36 =	vsel vm4, v1, v36;
	vm4 =	vgt.f32 v24, $-1.000000020e+30;
	v41 =	vsel vm8, v52, v58  }
0x93: {  	v60 =	vld [tilespmem:$0x1FF20];
	v62 =	vmax.f32 v41, v23;
	v56 =	vsel vm11, v2, v43;
	vm11 =	vnez.u8 v57  }
0x94: {  	v42 =	vsel vm5, v53, v62;
	vm0 =	vmand vm11, vm4  }
0x95: {  	v51 =	vmax.f32 v42, v22;
	vm11 =	vgt.f32 v21, v35;
	v59 =	vsel vm0, $0x1, v5  }
0x96: {  	v45 =	vld [tilespmem:$0xB10];
	v46 =	vsel vm6, v51, v46;
	v35 =	vsel vm11, $0x2, v59;
	vm11 =	veq.s32 v11, $0x5  }
0x97: {  	v46 =	vsub.f32 $0.0e+00, v46;
	vm4 =	veq.s32 v12, $0x5;
	v14 =	vpop (erf);
	v24 =	vsel vm11, v54, v56;
	v56 =	vld [tilespmem:$0x1FF30]  }
0x98: {  	v55 =	vld [tilespmem:$0x710];
	v36 =	vsel vm4, v4, v36;
	vm4 =	vnez.u8 v60;
	v3 =	vpop (erf)  }
0x99: {  	v46 =	vmul.f32 $1.442695020e+00, v46;
	v61 =	vsel vm4, $0x1, v5;
	v59 =	vld [tilespmem:$0x1FF40];
	v51 =	vadd.f32 $1.000000000e+00, v3  }
0x9a: {  	v44 =	vld [tilespmem:$0x4A0];
	vm4 =	vgt.f32 v20, v34;
	v35 =	vsel vm12, v61, v35;
	v62 =	vsel vm12, $0x2, v61  }
0x9b: {  	v49 =	vld [tilespmem:$0x820];
	vm11 =	vmand vm7, vm9;
	vm9 =	veq.s32 v11, $0x6;
	(erf) = vrcp.f32 v51  }
0x9c: {  	v58 =	vld [tilespmem:$0xB90];
	v63 =	vsel vm4, $0x3, v35;
	(erf) = vpow2.f32 v46;
	vm12 =	vnez.u8 v56  }
0x9d: {  	v52 =	vld [tilespmem:$0x40];
	v4 =	vsel vm11, v55, v36;
	vm4 =	vgt.f32 v18, v33;
	v21 =	vsel vm12, v62, v63  }
0x9e: {  	v43 =	vld [tilespmem:$0xC0];
	vm11 =	vnez.u8 v59;
	v20 =	vsel vm12, $0x3, v62;
	v21 =	vsel vm4, $0x4, v21  }
0x9f: {  	v24 =	vsel vm9, v45, v24;
	vm12 =	vgt.f32 v19, v32;
	v62 =	vld [tilespmem:$0x1FF50];
	v21 =	vsel vm11, v20, v21  }
0xa0: {  	v48 =	vld [tilespmem:$0x420];
	vm4 =	veq.s32 v11, $0x7;
	v20 =	vsel vm11, $0x4, v20;
	v21 =	vsel vm12, $0x5, v21  }
0xa1: {  	v61 =	vsel vm10, $0x5, v20;
	v21 =	vsel vm10, v20, v21;
	v20 =	vsel vm4, v58, v24;
	v58 =	vld [tilespmem:$0x1FF60]  }
0xa2: {  	v57 =	vld [tilespmem:$0x520];
	vm9 =	vgt.f32 v17, v31  }
0xa3: {  	v1 =	vmax.f32 v43, $-1.000000020e+30;
	v46 =	vld [tilespmem:$0x790];
	vm10 =	vgt.f32 v16, v30;
	v21 =	vsel vm9, $0x6, v21  }
0xa4: {  	v34 =	vld [tilespmem:$0x340];
	vm11 =	vnez.u8 v62;
	vm9 =	vgt.f32 v43, v52;
	v62 =	vimm.s32 $0x0;
	v18 =	vpop (erf)  }
0xa5: {  	v51 =	vld [tilespmem:$0x8A0];
	v21 =	vsel vm11, v61, v21;
	v63 =	vsel vm11, $0x6, v61;
	v0 =	vsel vm9, $0xFFFFFFFF, v62;
	v60 =	vpop (erf)  }
0xa6: {  	v32 =	vld [tilespmem:$0x140];
	v16 =	vsel vm10, $0x7, v21;
	v19 =	vadd.f32 $1.000000000e+00, v60;
	vm1 =	vnez.u8 v58  }
0xa7: {  	v36 =	vld [tilespmem:$0x1C0];
	vm0 =	vmneg vm9;
	v17 =	vnsel vm1, $0x7, v63;
	v16 =	vsel vm1, v16, v63  }
0xa8: {  	v31 =	vld [tilespmem:$0x240];
	v63 =	vimm.s32 $0x0;
	(erf) = vrcp.f32 v19;
	v19 =	vsel vm7, v4, v46  }
0xa9: {  	v35 =	vld [tilespmem:$0x2C0];
	v4 =	vmax.f32 v52, v43;
	vm12 =	veq.s32 v17, $0x1;
	vm4 =	veq.s32 v16, $0x1  }
0xaa: {  	v61 =	vld [tilespmem:$0x920];
	[tilespmem:$0x1FFA0] =	vst v0;
	vm7 =	veq.s32 v17, $0x2;
	v0 =	vsel vm0, $0xFFFFFFFF, v63;
	vm10 =	veq.s32 v16, $0x2  }
0xab: {  	v33 =	vld [tilespmem:$0x3C0];
	v45 =	vmax.f32 v4, v32;
	v59 =	vsel vm12, v44, v48;
	v60 =	vsel vm4, v51, v49  }
0xac: {  	v55 =	vld [tilespmem:$0x5A0];
	v49 =	vsel vm0, v1, v52;
	vm3 =	vgt.f32 v32, v4;
	v24 =	vmax.f32 v45, v36  }
0xad: {  	v3 =	vld [tilespmem:$0x9A0];
	vm12 =	veq.s32 v17, $0x3;
	vm0 =	veq.s32 v16, $0x3;
	v44 =	vmax.f32 v24, v31  }
0xae: {  	v50 =	vsel vm7, v57, v59;
	v48 =	vmax.f32 v49, v32;
	v51 =	vmax.f32 v44, v35  }
0xaf: {  	v46 =	vsel vm10, v61, v60;
	vm9 =	vgt.f32 v36, v45;
	v53 =	vmax.f32 v51, v34  }
0xb0: {  	v60 =	vld [tilespmem:$0x620];
	v48 =	vsel vm3, v4, v48;
	vm10 =	vgt.f32 v31, v24;
	v54 =	vmax.f32 v53, v33  }
0xb1: {  	[tilespmem:$0x1FF90] =	vst v0;
	v0 =	vsel vm12, v55, v50;
	v61 =	vmax.f32 v48, v36;
	v2 =	vsub.f32 $0.0e+00, v54;
	v21 =	vpop (erf)  }
0xb2: {  	v62 =	vld [tilespmem:$0xA20];
	v1 =	vsel vm0, v3, v46;
	v47 =	vsel vm9, v45, v61;
	v56 =	vadd.f32 v21, v18  }
0xb3: {  	vm12 =	veq.s32 v17, $0x4;
	v3 =	vld [tilespmem:$0xAA0];
	v63 =	vmax.f32 v47, v31;
	v4 =	vmul.f32 $1.442695020e+00, v2  }
0xb4: {  	vm7 =	vgt.f32 v35, v44;
	v46 =	vsel vm10, v24, v63;
	v2 =	vld [tilespmem:$0x6A0];
	(erf) = vrcp.f32 v56  }
0xb5: {  	v52 =	vsel vm12, v60, v0;
	v60 =	vld [tilespmem:$0x1FF70];
	v24 =	vmax.f32 v46, v35;
	(erf) = vpow2.f32 v4  }
0xb6: {  	vm2 =	veq.s32 v17, $0x5;
	vm4 =	vgt.f32 v34, v51;
	v45 =	vsel vm7, v44, v24  }
0xb7: {  	vm0 =	vgt.f32 v33, v53;
	vm12 =	veq.s32 v16, $0x4;
	v63 =	vld [tilespmem:$0x1FF80];
	v24 =	vmax.f32 v45, v34  }
0xb8: {  	v30 =	vld [tilespmem:$0x830];
	v50 =	vsel vm12, v62, v1;
	vm12 =	veq.s32 v16, $0x5;
	v44 =	vsel vm4, v51, v24  }
0xb9: {  	v58 =	vld [tilespmem:$0x430];
	v4 =	vmax.f32 v44, v33;
	v51 =	vsel vm2, v2, v52;
	vm2 =	vmneg vm0  }
0xba: {  	v57 =	vld [tilespmem:$0x7A0];
	vm0 =	vgt.f32 v29, $-1.000000020e+30;
	v29 =	vsel vm12, v3, v50;
	vm12 =	vnez.u8 v60  }
0xbb: {  	v59 =	vld [tilespmem:$0x4B0];
	v53 =	vsel vm2, v4, v53;
	vm0 =	vmand vm12, vm0  }
0xbc: {  	v55 =	vld [tilespmem:$0x720];
	vm12 =	vnez.u8 v63;
	v53 =	vsub.f32 $0.0e+00, v53;
	v62 =	vsel vm0, $0x1, v5  }
0xbd: {  	v56 =	vld [tilespmem:$0xB20];
	vm0 =	vgt.f32 v28, v39;
	v3 =	vsel vm12, $0x1, v5;
	vm12 =	vgt.f32 v27, v37;
	v24 =	vpop (erf)  }
0xbe: {  	v54 =	vld [tilespmem:$0x8B0];
	v39 =	vsel vm0, $0x2, v62;
	v4 =	vsel vm15, $0x2, v3;
	vm0 =	vmand vm1, vm11;
	v61 =	vpop (erf)  }
0xbf: {  	v0 =	vld [tilespmem:$0xA30];
	vm11 =	vgt.f32 v26, v38;
	v27 =	vsel vm13, $0x3, v4;
	v50 =	vadd.f32 $1.000000000e+00, v61  }
0xc0: {  	v1 =	vld [tilespmem:$0x6B0];
	v53 =	vmul.f32 $1.442695020e+00, v53;
	v39 =	vsel vm15, v3, v39;
	v62 =	vsel vm14, $0x4, v27  }
0xc1: {  	v52 =	vld [tilespmem:$0xBA0];
	v61 =	vsel vm0, v55, v51;
	vm0 =	veq.s32 v16, $0x6;
	(erf) = vrcp.f32 v50  }
0xc2: {  	v60 =	vld [tilespmem:$0x530];
	v29 =	vsel vm0, v56, v29;
	v50 =	vsel vm12, $0x3, v39;
	(erf) = vpow2.f32 v53  }
0xc3: {  	v37 =	vld [tilespmem:$0x930];
	v26 =	vsel vm1, v61, v57;
	vm12 =	vgt.f32 v22, v42;
	v28 =	vsel vm13, v4, v50  }
0xc4: {  	v38 =	vld [tilespmem:$0xD0];
	v28 =	vsel vm11, $0x4, v28;
	vm11 =	vgt.f32 v25, v40;
	v25 =	vsel vm8, $0x5, v62  }
0xc5: {  	v3 =	vld [tilespmem:$0xAB0];
	vm13 =	veq.s32 v16, $0x7;
	v28 =	vsel vm14, v27, v28;
	v2 =	vsel vm5, $0x6, v25  }
0xc6: {  	v39 =	vld [tilespmem:$0x5B0];
	v63 =	vsel vm11, $0x5, v28;
	vm11 =	vgt.f32 v23, v41;
	v22 =	vnsel vm6, $0x7, v2  }
0xc7: {  	v61 =	vld [tilespmem:$0x50];
	v27 =	vsel vm8, v62, v63;
	vm14 =	veq.s32 v22, $0x1;
	vm1 =	veq.s32 v22, $0x2  }
0xc8: {  	v51 =	vld [tilespmem:$0x9B0];
	v23 =	vsel vm11, $0x6, v27;
	v27 =	vsel vm13, v52, v29;
	v62 =	vsel vm14, v59, v58  }
0xc9: {  	v53 =	vld [tilespmem:$0x630];
	vm14 =	veq.s32 v22, $0x4;
	v23 =	vsel vm5, v25, v23;
	v29 =	vsel vm1, v60, v62  }
0xca: {  	v42 =	vld [tilespmem:$0x1D0];
	vm1 =	veq.s32 v22, $0x5;
	v23 =	vsel vm12, $0x7, v23;
	vm12 =	veq.s32 v22, $0x3;
	v25 =	vpop (erf)  }
0xcb: {  	v4 =	vld [tilespmem:$0x730];
	vm5 =	vmand vm6, vm5;
	v23 =	vsel vm6, v23, v2;
	v29 =	vsel vm12, v39, v29;
	v63 =	vpop (erf)  }
0xcc: {  	v50 =	vld [tilespmem:$0x150];
	vm12 =	vgt.f32 v38, v61;
	vm15 =	veq.s32 v23, $0x1;
	v40 =	vadd.f32 $1.000000000e+00, v63  }
0xcd: {  	v41 =	vld [tilespmem:$0x350];
	vm11 =	veq.s32 v23, $0x2;
	vm13 =	veq.s32 v23, $0x3;
	v30 =	vsel vm15, v54, v30  }
0xce: {  	v29 =	vsel vm14, v53, v29;
	v30 =	vsel vm11, v37, v30;
	v37 =	vld [tilespmem:$0x250];
	(erf) = vrcp.f32 v40  }
0xcf: {  	vm8 =	veq.s32 v23, $0x5;
	vm15 =	veq.s32 v23, $0x4;
	v29 =	vsel vm1, v1, v29;
	v40 =	vld [tilespmem:$0x2D0]  }
0xd0: {  	v39 =	vld [tilespmem:$0x3D0];
	v1 =	vmax.f32 v38, $-1.000000020e+30;
	v30 =	vsel vm13, v51, v30;
	v51 =	vmax.f32 v61, v38  }
0xd1: {  	v63 =	vld [tilespmem:$0x1FF90];
	v29 =	vsel vm5, v4, v29;
	vm11 =	veq.s32 v23, $0x6;
	v52 =	vmax.f32 v51, v50  }
0xd2: {  	vm5 =	vgt.f32 v43, $-1.000000020e+30;
	v28 =	vsel vm15, v0, v30;
	v53 =	vmax.f32 v52, v42  }
0xd3: {  	vm15 =	vmneg vm12;
	vm13 =	vgt.f32 v50, v51;
	v54 =	vmax.f32 v53, v37  }
0xd4: {  	v0 =	vld [tilespmem:$0xB30];
	v28 =	vsel vm8, v3, v28;
	v57 =	vsel vm15, v1, v61;
	v55 =	vmax.f32 v54, v40  }
0xd5: {  	v59 =	vld [tilespmem:$0x1FFA0];
	vm14 =	vgt.f32 v42, v52;
	v4 =	vmax.f32 v57, v50;
	v56 =	vmax.f32 v55, v41  }
0xd6: {  	vm8 =	vnez.u8 v63;
	v60 =	vsel vm13, v51, v4;
	v2 =	vmax.f32 v56, v39  }
0xd7: {  	vm0 =	vmand vm8, vm5;
	vm8 =	vgt.f32 v37, v53;
	v58 =	vsub.f32 $0.0e+00, v2;
	v30 =	vpop (erf)  }
0xd8: {  	vm5 =	vgt.f32 v32, v49;
	v51 =	vmax.f32 v60, v42;
	v3 =	vadd.f32 v30, v25  }
0xd9: {  	v4 =	vsel vm0, $0x1, v5;
	v28 =	vsel vm11, v0, v28;
	v62 =	vmul.f32 $1.442695020e+00, v58  }
0xda: {  	v52 =	vsel vm14, v52, v51;
	vm11 =	vnez.u8 v59;
	v58 =	vld [tilespmem:$0x7B0];
	(erf) = vrcp.f32 v3  }
0xdb: {  	v43 =	vsel vm5, $0x2, v4;
	v51 =	vmax.f32 v52, v37;
	(erf) = vpow2.f32 v62  }
0xdc: {  	vm5 =	vgt.f32 v40, v54;
	vm1 =	vgt.f32 v41, v55;
	v51 =	vsel vm8, v53, v51  }
0xdd: {  	v61 =	vsel vm11, $0x1, v5;
	vm11 =	vgt.f32 v36, v48;
	v62 =	vmax.f32 v51, v40  }
0xde: {  	v63 =	vsel vm3, v61, v43;
	v0 =	vsel vm3, $0x2, v61;
	v49 =	vsel vm5, v54, v62  }
0xdf: {  	v53 =	vsel vm9, $0x3, v0;
	v32 =	vsel vm6, v29, v58;
	v54 =	vmax.f32 v49, v41  }
0xe0: {  	v1 =	vld [tilespmem:$0x440];
	vm6 =	vgt.f32 v39, v56;
	v29 =	vsel vm11, $0x3, v63;
	vm11 =	vgt.f32 v31, v47  }
0xe1: {  	v59 =	vld [tilespmem:$0xB40];
	v36 =	vsel vm1, v55, v54;
	vm0 =	vmneg vm6;
	v29 =	vsel vm9, v0, v29  }
0xe2: {  	v43 =	vld [tilespmem:$0xBB0];
	vm6 =	vgt.f32 v35, v46;
	v55 =	vmax.f32 v36, v39;
	v29 =	vsel vm11, $0x4, v29  }
0xe3: {  	v2 =	vld [tilespmem:$0x4C0];
	vm9 =	vgt.f32 v34, v45;
	v55 =	vsel vm0, v55, v56;
	v29 =	vsel vm10, v53, v29;
	v31 =	vpop (erf)  }
0xe4: {  	v62 =	vld [tilespmem:$0x9C0];
	v53 =	vsel vm10, $0x4, v53;
	v55 =	vsub.f32 $0.0e+00, v55;
	v29 =	vsel vm6, $0x5, v29;
	v3 =	vpop (erf)  }
0xe5: {  	v54 =	vld [tilespmem:$0x840];
	vm11 =	veq.s32 v23, $0x7;
	v29 =	vsel vm7, v53, v29;
	v4 =	vadd.f32 $1.000000000e+00, v3  }
0xe6: {  	v56 =	vld [tilespmem:$0x8C0];
	v61 =	vsel vm7, $0x5, v53;
	v55 =	vmul.f32 $1.442695020e+00, v55;
	v29 =	vsel vm9, $0x6, v29  }
0xe7: {  	v35 =	vld [tilespmem:$0x540];
	vm10 =	vgt.f32 v33, v44;
	v29 =	vsel vm4, v61, v29;
	(erf) = vrcp.f32 v4  }
0xe8: {  	v58 =	vld [tilespmem:$0x940];
	v53 =	vsel vm4, $0x6, v61;
	v44 =	vsel vm10, $0x7, v29;
	(erf) = vpow2.f32 v55  }
0xe9: {  	v45 =	vld [tilespmem:$0x5C0];
	v34 =	vsel vm11, v43, v28;
	v29 =	vnsel vm2, $0x7, v53;
	v28 =	vsel vm2, v44, v53  }
0xea: {  	v33 =	vld [tilespmem:$0x640];
	vm9 =	veq.s32 v29, $0x1;
	vm11 =	veq.s32 v29, $0x2;
	vm10 =	veq.s32 v28, $0x1  }
0xeb: {  	v63 =	vld [tilespmem:$0xA40];
	v1 =	vsel vm9, v2, v1;
	vm9 =	veq.s32 v28, $0x2;
	v3 =	vsel vm10, v56, v54  }
0xec: {  	v0 =	vld [tilespmem:$0x6C0];
	v35 =	vsel vm11, v35, v1;
	vm10 =	veq.s32 v29, $0x3;
	vm11 =	veq.s32 v28, $0x3  }
0xed: {  	v2 =	vld [tilespmem:$0xAC0];
	v1 =	vsel vm12, $0x1, v5;
	vm12 =	vgt.f32 v42, v60;
	v48 =	vsel vm9, v58, v3  }
0xee: {  	v4 =	vld [tilespmem:$0x740];
	v35 =	vsel vm10, v45, v35;
	vm9 =	veq.s32 v29, $0x4;
	vm10 =	veq.s32 v28, $0x4  }
0xef: {  	v54 =	vld [tilespmem:$0xE0];
	v46 =	vsel vm13, $0x2, v1;
	v61 =	vsel vm11, v62, v48;
	v35 =	vsel vm9, v33, v35  }
0xf0: {  	v62 =	vld [tilespmem:$0x7C0];
	vm11 =	veq.s32 v29, $0x5;
	vm9 =	veq.s32 v28, $0x5;
	v45 =	vsel vm10, v63, v61;
	v33 =	vpop (erf)  }
0xf1: {  	v48 =	vld [tilespmem:$0x60];
	v35 =	vsel vm11, v0, v35;
	vm10 =	vmand vm2, vm4;
	vm11 =	veq.s32 v28, $0x6;
	v63 =	vpop (erf)  }
0xf2: {  	v47 =	vld [tilespmem:$0x160];
	v45 =	vsel vm9, v2, v45;
	vm9 =	vgt.f32 v38, $-1.000000020e+30;
	v43 =	vadd.f32 $1.000000000e+00, v63  }
0xf3: {  	v55 =	vld [tilespmem:$0x1E0];
	v35 =	vsel vm10, v4, v35;
	v53 =	vsel vm11, v59, v45;
	vm10 =	vmand vm15, vm9  }
0xf4: {  	v45 =	vld [tilespmem:$0x260];
	vm11 =	vgt.f32 v50, v57;
	vm15 =	veq.s32 v28, $0x7;
	(erf) = vrcp.f32 v43  }
0xf5: {  	v44 =	vld [tilespmem:$0x2E0];
	v3 =	vmax.f32 v54, $-1.000000020e+30;
	v0 =	vsel vm10, $0x1, v5;
	vm10 =	vgt.f32 v37, v52  }
0xf6: {  	v38 =	vsel vm2, v35, v62;
	v35 =	vsel vm11, $0x2, v0;
	v2 =	vmax.f32 v48, v54;
	v43 =	vld [tilespmem:$0x360]  }
0xf7: {  	v42 =	vld [tilespmem:$0x3E0];
	vm7 =	vgt.f32 v54, v48;
	vm11 =	vgt.f32 v40, v51;
	v56 =	vmax.f32 v2, v47  }
0xf8: {  	v35 =	vsel vm13, v1, v35;
	vm9 =	vgt.f32 v47, v2;
	v57 =	vmax.f32 v56, v55  }
0xf9: {  	v35 =	vsel vm12, $0x3, v35;
	vm12 =	vgt.f32 v41, v49;
	v58 =	vmax.f32 v57, v45  }
0xfa: {  	v35 =	vsel vm14, v46, v35;
	v46 =	vsel vm14, $0x3, v46;
	v52 =	vmax.f32 v58, v44  }
0xfb: {  	vm4 =	vgt.f32 v45, v57;
	vm14 =	vgt.f32 v39, v36;
	v59 =	vmax.f32 v52, v43  }
0xfc: {  	v35 =	vsel vm10, $0x4, v35;
	vm10 =	vmneg vm7;
	v4 =	vmax.f32 v59, v42  }
0xfd: {  	v1 =	vld [tilespmem:$0xBC0];
	vm6 =	vgt.f32 v44, v58;
	v48 =	vsel vm10, v3, v48;
	v0 =	vsub.f32 $0.0e+00, v4;
	v37 =	vpop (erf)  }
0xfe: {  	v35 =	vsel vm8, v46, v35;
	v63 =	vmax.f32 v48, v47;
	v62 =	vadd.f32 v37, v33  }
0xff: {  	v46 =	vsel vm8, $0x4, v46;
	v50 =	vsel vm9, v2, v63;
	v60 =	vmul.f32 $1.442695020e+00, v0  }
0x100: {  	vm8 =	vgt.f32 v55, v56;
	v2 =	vmax.f32 v50, v55;
	(erf) = vrcp.f32 v62  }
0x101: {  	v35 =	vsel vm11, $0x5, v35;
	v51 =	vsel vm8, v56, v2;
	(erf) = vpow2.f32 v60  }
0x102: {  	v61 =	vld [tilespmem:$0x550];
	v40 =	vsel vm15, v1, v53;
	v35 =	vsel vm5, v46, v35;
	v56 =	vmax.f32 v51, v45  }
0x103: {  	v41 =	vld [tilespmem:$0x850];
	v46 =	vsel vm5, $0x5, v46;
	v35 =	vsel vm12, $0x6, v35;
	v56 =	vsel vm4, v57, v56  }
0x104: {  	v53 =	vld [tilespmem:$0x450];
	v35 =	vsel vm1, v46, v35;
	v46 =	vsel vm1, $0x6, v46;
	v3 =	vmax.f32 v56, v44  }
0x105: {  	vm2 =	vgt.f32 v43, v52;
	v2 =	vsel vm14, $0x7, v35;
	v4 =	vld [tilespmem:$0x4D0];
	v49 =	vsel vm6, v58, v3  }
0x106: {  	v35 =	vnsel vm0, $0x7, v46;
	vm13 =	vgt.f32 v42, v59;
	v58 =	vld [tilespmem:$0x8D0];
	v0 =	vmax.f32 v49, v43  }
0x107: {  	v63 =	vld [tilespmem:$0x5D0];
	v36 =	vsel vm0, v2, v46;
	vm15 =	veq.s32 v35, $0x1;
	v52 =	vsel vm2, v52, v0  }
0x108: {  	vm12 =	veq.s32 v35, $0x2;
	vm3 =	vmneg vm13;
	v1 =	vmax.f32 v52, v42;
	v60 =	vld [tilespmem:$0x950]  }
0x109: {  	v46 =	vld [tilespmem:$0x9D0];
	vm14 =	veq.s32 v35, $0x3;
	vm11 =	veq.s32 v36, $0x1;
	v59 =	vsel vm3, v1, v59;
	v39 =	vpop (erf)  }
0x10a: {  	vm13 =	veq.s32 v36, $0x2;
	v0 =	vld [tilespmem:$0xA50];
	v53 =	vsel vm15, v4, v53;
	v59 =	vsub.f32 $0.0e+00, v59;
	v3 =	vpop (erf)  }
0x10b: {  	v4 =	vld [tilespmem:$0x650];
	vm15 =	veq.s32 v36, $0x3;
	v41 =	vsel vm11, v58, v41;
	v62 =	vadd.f32 $1.000000000e+00, v3  }
0x10c: {  	v2 =	vld [tilespmem:$0xAD0];
	v53 =	vsel vm12, v61, v53;
	vm12 =	veq.s32 v35, $0x4;
	v59 =	vmul.f32 $1.442695020e+00, v59  }
0x10d: {  	v1 =	vld [tilespmem:$0x6D0];
	v53 =	vsel vm14, v63, v53;
	v41 =	vsel vm13, v60, v41;
	(erf) = vrcp.f32 v62  }
0x10e: {  	vm13 =	veq.s32 v36, $0x4;
	v41 =	vsel vm15, v46, v41;
	(erf) = vpow2.f32 v59  }
0x10f: {  	vm14 =	veq.s32 v35, $0x5;
	vm15 =	vgt.f32 v54, $-1.000000020e+30;
	v41 =	vsel vm13, v0, v41  }
0x110: {  	v57 =	vld [tilespmem:$0x2F0];
	vm10 =	vmand vm10, vm15;
	v3 =	vsel vm12, v4, v53;
	vm12 =	veq.s32 v36, $0x5  }
0x111: {  	vm13 =	vgt.f32 v47, v48;
	v4 =	vld [tilespmem:$0x750];
	v58 =	vsel vm12, v2, v41;
	v2 =	vsel vm10, $0x1, v5  }
0x112: {  	v0 =	vld [tilespmem:$0xB50];
	v46 =	vsel vm14, v1, v3;
	v3 =	vsel vm7, $0x1, v5;
	v41 =	vsel vm13, $0x2, v2  }
0x113: {  	vm11 =	vgt.f32 v43, v49;
	v49 =	vld [tilespmem:$0x370];
	v41 =	vsel vm9, v3, v41  }
0x114: {  	v53 =	vld [tilespmem:$0x70]  }
0x115: {  	vm1 =	vmand vm0, vm1;
	vm15 =	veq.s32 v36, $0x6;
	v1 =	vld [tilespmem:$0x7D0];
	vm14 =	vgt.f32 v55, v50  }
0x116: {  	vm7 =	vgt.f32 v45, v51;
	v51 =	vld [tilespmem:$0xF0];
	v46 =	vsel vm1, v4, v46;
	v4 =	vsel vm14, $0x3, v41;
	v41 =	vpop (erf)  }
0x117: {  	vm10 =	veq.s32 v36, $0x7;
	v47 =	vsel vm9, $0x2, v3;
	v61 =	vsel vm15, v0, v58;
	v58 =	vld [tilespmem:$0x170];
	v62 =	vpop (erf)  }
0x118: {  	v54 =	vld [tilespmem:$0x1F0];
	vm12 =	vgt.f32 v42, v52;
	v48 =	vsel vm8, v47, v4;
	v63 =	vadd.f32 $1.000000000e+00, v62  }
0x119: {  	v59 =	vld [tilespmem:$0xBD0];
	vm9 =	vgt.f32 v44, v56;
	v47 =	vsel vm8, $0x3, v47;
	v48 =	vsel vm7, $0x4, v48  }
0x11a: {  	v56 =	vld [tilespmem:$0x270];
	v45 =	vsel vm0, v46, v1;
	v0 =	vsel vm4, v47, v48;
	(erf) = vrcp.f32 v63  }
0x11b: {  	v60 =	vld [tilespmem:$0x460];
	v1 =	vsel vm4, $0x4, v47;
	v47 =	vmax.f32 v53, v51;
	v46 =	vsel vm9, $0x5, v0  }
0x11c: {  	v50 =	vld [tilespmem:$0x4E0];
	v2 =	vsel vm6, $0x5, v1;
	v55 =	vmax.f32 v47, v58;
	v46 =	vsel vm6, v1, v46  }
0x11d: {  	v48 =	vld [tilespmem:$0x3F0];
	v43 =	vsel vm2, $0x6, v2;
	v52 =	vmax.f32 v55, v54;
	v3 =	vsel vm11, $0x6, v46  }
0x11e: {  	v42 =	vnsel vm3, $0x7, v43;
	v46 =	vsel vm10, v59, v61;
	v44 =	vsel vm2, v2, v3  }
0x11f: {  	v61 =	vmax.f32 v52, v56;
	vm13 =	veq.s32 v42, $0x1;
	v44 =	vsel vm12, $0x7, v44  }
0x120: {  	v43 =	vsel vm3, v44, v43;
	v44 =	vmax.f32 v51, $-1.000000020e+30;
	v63 =	vmax.f32 v61, v57  }
0x121: {  	vm5 =	vgt.f32 v51, v53;
	v50 =	vsel vm13, v50, v60;
	v60 =	vmax.f32 v63, v49  }
0x122: {  	vm9 =	vmneg vm5;
	v59 =	vld [tilespmem:$0x860];
	v4 =	vmax.f32 v60, v48  }
0x123: {  	vm7 =	vgt.f32 v58, v47;
	v62 =	vld [tilespmem:$0x8E0];
	v53 =	vsel vm9, v44, v53;
	v2 =	vsub.f32 $0.0e+00, v4;
	v44 =	vpop (erf)  }
0x124: {  	vm6 =	vgt.f32 v54, v55;
	v0 =	vmax.f32 v53, v58;
	v4 =	vld [tilespmem:$0x560];
	v1 =	vadd.f32 v44, v41  }
0x125: {  	vm15 =	veq.s32 v42, $0x2;
	v3 =	vld [tilespmem:$0x960];
	v0 =	vsel vm7, v47, v0;
	v2 =	vmul.f32 $1.442695020e+00, v2  }
0x126: {  	vm8 =	vgt.f32 v56, v52;
	v47 =	vmax.f32 v0, v54;
	(erf) = vrcp.f32 v1;
	v1 =	vld [tilespmem:$0x5E0]  }
0x127: {  	vm11 =	veq.s32 v42, $0x3;
	v55 =	vsel vm6, v55, v47;
	(erf) = vpow2.f32 v2  }
0x128: {  	vm14 =	veq.s32 v43, $0x1;
	vm4 =	veq.s32 v43, $0x2;
	v47 =	vmax.f32 v55, v56;
	v2 =	vld [tilespmem:$0x9E0]  }
0x129: {  	v59 =	vsel vm14, v62, v59;
	v4 =	vsel vm15, v4, v50;
	v50 =	vsel vm8, v52, v47  }
0x12a: {  	v3 =	vsel vm4, v3, v59;
	vm4 =	vgt.f32 v57, v61;
	v47 =	vld [tilespmem:$0x660];
	v62 =	vmax.f32 v50, v57  }
0x12b: {  	v9 =	vmul.f32 v26, v9;
	v52 =	vld [tilespmem:$0xA60];
	v1 =	vsel vm11, v1, v4;
	v4 =	vsel vm4, v61, v62  }
0x12c: {  	vm12 =	veq.s32 v43, $0x3;
	vm1 =	vgt.f32 v49, v63;
	v62 =	vmax.f32 v4, v49  }
0x12d: {  	vm14 =	vgt.f32 v48, v60;
	v2 =	vsel vm12, v2, v3;
	v3 =	vsel vm1, v63, v62  }
0x12e: {  	vm13 =	veq.s32 v42, $0x4;
	vm0 =	vmneg vm14;
	v63 =	vmax.f32 v3, v48  }
0x12f: {  	vm15 =	veq.s32 v43, $0x4;
	v1 =	vsel vm13, v47, v1;
	v60 =	vsel vm0, v63, v60;
	v47 =	vpop (erf)  }
0x130: {  	v13 =	vmul.f32 v27, v13;
	v61 =	vld [tilespmem:$0xAE0];
	v2 =	vsel vm15, v52, v2;
	v52 =	vsub.f32 $0.0e+00, v60;
	v62 =	vpop (erf)  }
0x131: {  	v18 =	vmul.f32 v32, v18;
	v32 =	vmul.f32 v34, v21;
	v63 =	vadd.f32 $1.000000000e+00, v62  }
0x132: {  	v9 =	vadd.f32 v13, v9;
	v52 =	vmul.f32 $1.442695020e+00, v52  }
0x133: {  	v26 =	vld [tilespmem:$0x470];
	v18 =	vadd.f32 v32, v18;
	vm13 =	vgt.f32 v51, $-1.000000020e+30;
	(erf) = vrcp.f32 v63  }
0x134: {  	v59 =	vld [tilespmem:$0x6E0];
	vm14 =	veq.s32 v43, $0x5;
	vm9 =	vmand vm9, vm13;
	(erf) = vpow2.f32 v52  }
0x135: {  	vm15 =	vgt.f32 v58, v53;
	v2 =	vsel vm14, v61, v2;
	v60 =	vld [tilespmem:$0x760];
	v61 =	vsel vm9, $0x1, v5  }
0x136: {  	vm10 =	vgt.f32 v56, v55;
	v53 =	vsel vm15, $0x2, v61;
	v63 =	vsel vm5, $0x1, v5;
	v5 =	vld [tilespmem:$0x7E0]  }
0x137: {  	v55 =	vmul.f32 v40, v30;
	v53 =	vsel vm7, v63, v53;
	v58 =	vsel vm7, $0x2, v63;
	v63 =	vld [tilespmem:$0x1FFE0]  }
0x138: {  	v56 =	vld [tilespmem:$0x4F0];
	v40 =	vmul.f32 v45, v33;
	vm13 =	vgt.f32 v49, v4;
	v49 =	vmul.f32 v46, v37  }
0x139: {  	vm2 =	vmand vm3, vm2;
	v30 =	vld [tilespmem:$0x5F0];
	vm11 =	veq.s32 v43, $0x6;
	vm12 =	veq.s32 v42, $0x5  }
0x13a: {  	v1 =	vsel vm12, v59, v1;
	vm12 =	vgt.f32 v57, v50;
	v4 =	vadd.f32 v49, v40;
	v62 =	vld [tilespmem:$0xB60]  }
0x13b: {  	v50 =	vld [tilespmem:$0x1FFF0];
	vm9 =	vgt.f32 v54, v0;
	v54 =	vmul.f32 v38, v25;
	v1 =	vsel vm2, v60, v1  }
0x13c: {  	vm14 =	vgt.f32 v48, v3;
	v61 =	vld [tilespmem:$0x1FFC0];
	v1 =	vsel vm3, v1, v5;
	v5 =	vmul.f32 v20, v63;
	v20 =	vpop (erf)  }
0x13d: {  	v38 =	vld [tilespmem:$0x670];
	vm15 =	veq.s32 v43, $0x7;
	v4 =	vmul.f32 v4, v39;
	v0 =	vsel vm9, $0x3, v53;
	v34 =	vpop (erf)  }
0x13e: {  	v59 =	vsel vm6, $0x3, v58;
	v60 =	vld [tilespmem:$0x1FFB0];
	v0 =	vsel vm6, v58, v0;
	v52 =	vadd.f32 $1.000000000e+00, v34  }
0x13f: {  	v48 =	vld [tilespmem:$0xA70];
	v2 =	vsel vm11, v62, v2;
	v51 =	vsel vm8, $0x4, v59;
	v0 =	vsel vm10, $0x4, v0  }
0x140: {  	v62 =	vld [tilespmem:$0x1FFD0];
	v57 =	vsel vm4, $0x5, v51;
	v0 =	vsel vm8, v59, v0;
	(erf) = vrcp.f32 v52  }
0x141: {  	[tilespmem:$0x1080] =	vst v8;
	v53 =	vld [tilespmem:$0x870];
	v15 =	vmul.f32 v15, v61;
	v25 =	vsel vm1, $0x6, v57;
	v0 =	vsel vm12, $0x5, v0  }
0x142: {  	[tilespmem:$0x1100] =	vst v7;
	v58 =	vld [tilespmem:$0x8F0];
	v63 =	vadd.f32 v55, v54;
	v32 =	vnsel vm0, $0x7, v25;
	v1 =	vmul.f32 v1, v41  }
0x143: {  	[tilespmem:$0x1090] =	vst v12;
	v61 =	vld [tilespmem:$0x570];
	v10 =	vmul.f32 v10, v60;
	v0 =	vsel vm4, v51, v0;
	v60 =	vmul.f32 v9, v14  }
0x144: {  	[tilespmem:$0x1110] =	vst v11;
	v55 =	vld [tilespmem:$0x770];
	vm4 =	veq.s32 v32, $0x1;
	vm6 =	veq.s32 v32, $0x2;
	v0 =	vsel vm13, $0x6, v0  }
0x145: {  	[tilespmem:$0x10A0] =	vst v17;
	v19 =	vmul.f32 v19, v62;
	v62 =	vmul.f32 v18, v24;
	v24 =	vld [tilespmem:$0x970];
	v0 =	vsel vm1, v57, v0  }
0x146: {  	[tilespmem:$0x1120] =	vst v16;
	vm8 =	veq.s32 v32, $0x3;
	v45 =	vsel vm4, v56, v26;
	v56 =	vld [tilespmem:$0xB70];
	v0 =	vsel vm14, $0x7, v0  }
0x147: {  	[tilespmem:$0x10B0] =	vst v22;
	vm10 =	veq.s32 v32, $0x4;
	v10 =	vadd.f32 v15, v10;
	v15 =	vld [tilespmem:$0xBE0];
	v0 =	vsel vm0, v0, v25  }
0x148: {  	[tilespmem:$0x1130] =	vst v23;
	vm12 =	veq.s32 v32, $0x5;
	v5 =	vadd.f32 v5, v19;
	v34 =	vld [tilespmem:$0x9F0];
	vm5 =	veq.s32 v0, $0x1  }
0x149: {  	[tilespmem:$0x10C0] =	vst v29;
	vm1 =	vmand vm0, vm1;
	v10 =	vmul.f32 v10, v50;
	v50 =	vld [tilespmem:$0x6F0];
	v13 =	vsel vm5, v58, v53;
	v53 =	vpop (erf)  }
0x14a: {  	[tilespmem:$0x1140] =	vst v28;
	v59 =	vmul.f32 v5, v6;
	v6 =	vsel vm6, v61, v45;
	v52 =	vld [tilespmem:$0xAF0];
	v57 =	vadd.f32 v53, v20  }
0x14b: {  	[tilespmem:$0x10D0] =	vst v35;
	vm7 =	veq.s32 v0, $0x2;
	vm9 =	veq.s32 v0, $0x3;
	vm11 =	veq.s32 v0, $0x4;
	v58 =	vld [tilespmem:$0x7F0]  }
0x14c: {  	vm13 =	veq.s32 v0, $0x5;
	[tilespmem:$0x1010] =	vst v59;
	v54 =	vsel vm7, v24, v13;
	v59 =	vld [tilespmem:$0xBF0];
	(erf) = vrcp.f32 v57  }
0x14d: {  	[tilespmem:$0x1150] =	vst v36;
	vm14 =	veq.s32 v0, $0x6;
	v3 =	vsel vm8, v30, v6;
	v12 =	vsel vm9, v34, v54  }
0x14e: {  	[tilespmem:$0x1020] =	vst v60;
	v2 =	vsel vm15, v15, v2;
	v3 =	vsel vm10, v38, v3;
	v60 =	vsel vm11, v48, v12  }
0x14f: {  	[tilespmem:$0x10E0] =	vst v42;
	vm15 =	veq.s32 v0, $0x7;
	v3 =	vsel vm12, v50, v3;
	v9 =	vsel vm13, v52, v60  }
0x150: {  	[tilespmem:$0x1160] =	vst v43;
	v2 =	vmul.f32 v2, v44;
	v3 =	vsel vm1, v55, v3;
	v6 =	vsel vm14, v56, v9  }
0x151: {  	v51 =	vmul.f32 v63, v31;
	[tilespmem:$0x1030] =	vst v62;
	v61 =	vsel vm0, v3, v58;
	v62 =	vsel vm15, v59, v6  }
0x152: {  	[tilespmem:$0x1050] =	vst v4;
	v1 =	vadd.f32 v2, v1;
	v2 =	vmul.f32 v61, v20;
	v3 =	vmul.f32 v62, v53  }
0x153: {  	[tilespmem:$0x10F0] =	vst v32  }
0x154: {  	[tilespmem:$0x1040] =	vst v51;
	v1 =	vmul.f32 v1, v47;
	v2 =	vadd.f32 v3, v2  }
0x155: {  	[tilespmem:$0x1170] =	vst v0;
	v63 =	vpop (erf)  }
0x156: {  	[tilespmem:$0x1060] =	vst v1;
	v1 =	vmul.f32 v2, v63  }
0x157: {  	[tilespmem:$0x1000] =	vst v10  }
0x158: {  	[tilespmem:$0x1070] =	vst v1  }
0x159: {  	[hbm4b:s4+s2] =	stream.linear.scatter [tilespmem:s11], [sflag:$0x1], $0x80, $0x38;
	[tilespmem:$0x1180] =	vst v63  }
0x15a: {  	_ =	swait.ge [sflag:s10], $0x80  }
0x15b: {  	[sflag:s10] =	ssyncset.done $0x0  }
0x15c: {  	[sflag:s10] =	ssyncadd.s32 $0xFFFFFF80  }
0x15d: {  	[hbm4b:s5+s2] =	stream.linear.scatter [tilespmem:s12], [sflag:$0x1], $0x80, $0x38;
	[tilespmem:$0x1180] =	vst v63  }
0x15e: {  	_ =	swait.ge [sflag:s10], $0x80  }
0x15f: {  	p0 =	sne.s32 s7, $0x1;
	[sflag:s10] =	ssyncset.done $0x0  }
.Ltmp0:
0x160: {  	[sflag:s10] =	ssyncadd.s32 $0xFFFFFF80;
	(pc) =	sbr.rel @p0 .LBB2_1-.Ltmp0, $4  }
0x161: {  	[hbm4b:s6+s2] =	stream.linear.scatter [tilespmem:s13], [sflag:$0x1], $0x80, $0x38;
	[tilespmem:$0x1180] =	vst v63  }
0x162: {  	_ =	swait.ge [sflag:s10], $0x80  }
0x163: {  	[sflag:s10] =	ssyncset.done $0x0  }
0x164: {  	s7 =	sadd.s32 $0xFFFFFFFF, s7;
	[sflag:s10] =	ssyncadd.s32 $0xFFFFFF80  }
0x165: {  	_ =	sfence.sel $0x180000  }
0x166: {  	[bflag:$0x0] =	sbarrier.arrive $0xFFFF  }
0x167: {  	p0 =	sne.s32 s1, $0x0;
	_ =	strace $0x90000047  }
0x168: {  	s0 =	sadd.s32 @!p0 $0x100000, s0;
	[bflag:$0x2] =	sbarrier.arrive $0xFFFF  }
0x169: {  	[sflag:s0] =	ssyncadd.tile.s32 @!p0 $0x1;
	_ =	shalt  }
.Lfunc_end2:
_tile_overlayer_lowered:
.L_overlay_start_2:
0x16a: {  	(tag) =	ssettag $0x2  }
0x16b: {  	s0 =	rddreg [dreg:$0x0];
	s2 =	stileid.u32  }
0x16c: {  	s1 =	rddreg [dreg:$0x1];
	p0 =	sne.s32 s2, $0x0  }
0x16d: {  	s3 =	rddreg [dreg:$0x2];
	[bflag:$0x3] =	sbarrier.arrive $0xFFFF;
	s2 =	simm.s32 @!p0 $0x1C01  }
0x16e: {  	[timem:s3], [sflag:s2] =	dma.local @!p0 [hbm:s0], s1  }
0x16f: {  	s0 =	simm.s32 @!p0 $0x1  }
0x170: {  	_ =	swait.ge @!p0 [sflag:s0], s1  }
0x171: {  	s1 =	ssub.s32 @!p0 $0x0, s1;
	[sflag:s0] =	ssyncset.done @!p0 $0x0  }
0x172: {  	[sflag:s0] =	ssyncadd.s32 @!p0 s1  }
0x173: {  	[bflag:$0x3] =	sbarrier.arrive $0xFFFF  }
0x174: {  	_ =	shalt  }

</sc_bundles>
